<compile_context>
chip_gen: v7x
topology: tpu7x:2x2x1
jax: 0.10.2.dev20260603
libtpu: 0.0.44.dev20260713+nightly
codegen_flags: <defaults>
</compile_context>

<pallas_src>
import functools

import jax
import jax.numpy as jnp
from jax import lax
from jax.experimental import pallas as pl
from jax.experimental.pallas import tpu as pltpu
from jax.experimental.pallas import tpu_sc as plsc

N_IT = 1000
N_PE = 1000
N_GR = 1000
W = 1024
BIG = 1000.0
_HL2PI = 0.9189385332046727

NW = 32
CHUNK = 2000
B_TOT = 1000000
NCHUNK = B_TOT // CHUNK
CH_LO = NCHUNK // NW
RICH = NCHUNK - NW * CH_LO


def _prep_body(a_ref, bb_ref, cpad_ref, t_ref, f_ref, asp_ref, cvec_ref):
    col = lax.broadcasted_iota(jnp.int32, (N_IT, W), 1)
    bb = jnp.broadcast_to(bb_ref[...], (N_IT, W))
    c = jnp.where(col == 0, bb,
                  jnp.where(col <= N_GR - 2, jax.nn.softplus(cpad_ref[...]), 0.0))
    ri = lax.broadcasted_iota(jnp.int32, (W, W), 0)
    ci = lax.broadcasted_iota(jnp.int32, (W, W), 1)
    ustrict = (ri < ci).astype(jnp.float32)
    bshift = lax.dot_general(c, ustrict, (((1,), (0,)), ((), ())),
                             preferred_element_type=jnp.float32)
    bmat = bshift + c
    f_ref[...] = jnp.where(col == 0, -BIG, jnp.where(col >= N_GR, BIG, bshift))
    a = jax.nn.softplus(a_ref[...])
    asp_ref[...] = a
    t = t_ref[...]
    sb = jnp.sum(jnp.where(col <= N_GR - 2, bmat * bmat, 0.0))
    s_all = jnp.sum(a * a) + sb + jnp.sum(t * t)
    n_terms = N_IT + N_IT * (N_GR - 1) + N_PE
    log_prior = -0.5 * s_all - n_terms * _HL2PI
    cvec_ref[...] = jnp.full((16,), -1e6 * log_prior, dtype=jnp.float32)


def _prep(a_, b_base_, b_diff_pad, t):
    return pl.pallas_call(
        _prep_body,
        out_shape=(
            jax.ShapeDtypeStruct((N_IT, W), jnp.float32),
            jax.ShapeDtypeStruct((N_IT,), jnp.float32),
            jax.ShapeDtypeStruct((16,), jnp.float32),
        ),
    )(a_, b_base_, b_diff_pad, t)


def _log_poly(p):
    bits = lax.bitcast_convert_type(p, jnp.int32)
    e = lax.shift_right_logical(bits, 23) - 127
    mbits = jnp.bitwise_or(jnp.bitwise_and(bits, 0x007FFFFF), 0x3F800000)
    m = lax.bitcast_convert_type(mbits, jnp.float32)
    big_m = m >= 1.4142135623730951
    m = jnp.where(big_m, m * 0.5, m)
    e = e + jnp.where(big_m, 1, 0)
    z = (m - 1.0) / (m + 1.0)
    z2 = z * z
    s = 2.0 * z * (1.0 + z2 * (0.3333333333 + z2 * (0.2 + z2 * 0.14285715)))
    return e.astype(jnp.float32) * 0.6931471805599453 + s


def _sc_body(pk_hbm, tbl_hbm, a_hbm, t_hbm, c_hbm, out_hbm,
             pk_v, f0_v, f1_v, bl_v, bu_v, aa_v, tt_v, out_v,
             a_v, t_v, c_v, tbl_s, sem):
    nc = 2
    sid = lax.axis_index("s")
    w = sid * nc + lax.axis_index("c")
    @pl.when(sid == 0)
    def _stage_table():
        pltpu.sync_copy(tbl_hbm, tbl_s)
    pltpu.sync_copy(a_hbm, a_v)
    pltpu.sync_copy(t_hbm, t_v)
    pltpu.sync_copy(c_hbm, c_v)
    plsc.subcore_barrier()
    cvec = c_v[...]
    start_ch = CH_LO * w + jnp.minimum(w, RICH)
    n_ch = CH_LO + jnp.where(w < RICH, 1, 0)

    def fire(j, b):
        base = (start_ch + j) * CHUNK
        pltpu.sync_copy(pk_hbm.at[pl.ds(base, CHUNK)], pk_v)
        @plsc.parallel_loop(0, CHUNK, step=16, unroll=8)
        def _pass_a(e):
            pk = pk_v[pl.ds(e, 16)]
            pers = jnp.bitwise_and(pk, 1023)
            f = lax.shift_right_logical(pk, 10) - 1
            f0_v[b][pl.ds(e, 16)] = f
            f1_v[b][pl.ds(e, 16)] = f + 1
            item = lax.shift_right_logical(pk, 20)
            aa_v[b][pl.ds(e, 16)] = plsc.load_gather(a_v, [item])
            tt_v[b][pl.ds(e, 16)] = plsc.load_gather(t_v, [pers])
        pltpu.async_copy(tbl_s.at[f0_v[b]], bl_v[b], sem[b])
        pltpu.async_copy(tbl_s.at[f1_v[b]], bu_v[b], sem[b])

    def drain(j, b):
        base = (start_ch + j) * CHUNK
        pltpu.make_async_copy(tbl_s.at[f0_v[b]], bl_v[b], sem[b]).wait()
        pltpu.make_async_copy(tbl_s.at[f1_v[b]], bu_v[b], sem[b]).wait()
        @plsc.parallel_loop(0, CHUNK, step=16, unroll=8)
        def _pass_b(e):
            bl = bl_v[b][pl.ds(e, 16)]
            bu = bu_v[b][pl.ds(e, 16)]
            aa = aa_v[b][pl.ds(e, 16)]
            tt = tt_v[b][pl.ds(e, 16)]
            x1 = jnp.clip(aa * (tt - bl), -85.0, 85.0)
            x2 = jnp.clip(aa * (tt - bu), -85.0, 85.0)
            s1 = 1.0 / (1.0 + jnp.exp(-x1))
            s2 = 1.0 / (1.0 + jnp.exp(-x2))
            out_v[pl.ds(e, 16)] = cvec - _log_poly(s1 - s2)
        pltpu.sync_copy(out_v, out_hbm.at[pl.ds(base, CHUNK)])

    fire(0, 0)

    def pair_body(jj, carry):
        for par in range(2):
            j = 2 * jj + par
            jn = j + 1

            @pl.when(jn < n_ch)
            def _f():
                fire(jn, (par + 1) % 2)

            @pl.when(j < n_ch)
            def _d():
                drain(j, par)
        return carry

    lax.fori_loop(0, (CH_LO + 2) // 2, pair_body, 0)


@functools.partial(jax.jit, static_argnums=())
def _sc_call(pk, tbl, asp, t, cvec):
    mesh = plsc.VectorSubcoreMesh(core_axis_name="c", subcore_axis_name="s")
    return pl.kernel(
        _sc_body,
        out_type=jax.ShapeDtypeStruct((B_TOT,), jnp.float32),
        mesh=mesh,
        scratch_types=[
            pltpu.VMEM((CHUNK,), jnp.int32),
            [pltpu.VMEM((CHUNK,), jnp.int32)] * 2,
            [pltpu.VMEM((CHUNK,), jnp.int32)] * 2,
            [pltpu.VMEM((CHUNK,), jnp.float32)] * 2,
            [pltpu.VMEM((CHUNK,), jnp.float32)] * 2,
            [pltpu.VMEM((CHUNK,), jnp.float32)] * 2,
            [pltpu.VMEM((CHUNK,), jnp.float32)] * 2,
            pltpu.VMEM((CHUNK,), jnp.float32),
            pltpu.VMEM((N_IT,), jnp.float32),
            pltpu.VMEM((N_PE,), jnp.float32),
            pltpu.VMEM((16,), jnp.float32),
            pltpu.VMEM_SHARED((N_IT * W,), jnp.float32),
            [pltpu.SemaphoreType.DMA] * 2,
        ],
        compiler_params=pltpu.CompilerParams(needs_layout_passes=False),
    )(pk, tbl, asp, t, cvec)


def kernel(indices, a_, b_base_, b_diff_, t):
    b = indices.shape[0]
    b_diff_pad = jnp.pad(b_diff_, ((0, 0), (1, W - 1 - b_diff_.shape[1])))
    fmat, asp, cvec = _prep(a_, b_base_, b_diff_pad, t)
    tbl = fmat.reshape(N_IT * W)
    del b
    wpk = jnp.array([1 << 20, 1, 1 << 10], dtype=jnp.int32)
    pk = jnp.sum(indices * wpk, axis=1)
    return _sc_call(pk, tbl, asp, t, cvec)

# --- scband reference (transcript-rebuilt; emitter-appended) ---
"""Pipeline reference for scband-graded-response-model-44040594653873 (READ-ONLY COPY).

The authoritative reference and input builder live on the scoring server;
editing this copy changes nothing except your own understanding.
"""

import jax, jax.numpy as jnp
import numpy as np

N_ITEMS = 1000
N_PERSONS = 1000
N_GRADES = 1000
N_RESPONSES = 1  # len(response_array) passed to __init__
B = 1000000


def _normal_log_pdf_sum(x):
    return jnp.sum(-0.5 * x * x - 0.5 * jnp.log(2.0 * jnp.pi))


def setup_inputs(seed: int = 0) -> dict:
    key = jax.random.key(seed)
    k1, k2, k3, k4, k5, k6, k7 = jax.random.split(key, 7)
    # indices columns have different valid ranges: item<N_ITEMS, person<N_PERSONS,
    # response in [1, N_GRADES] (response=0 is semantically invalid in this model).
    item = jax.random.randint(k1, (B,), 0, N_ITEMS)
    person = jax.random.randint(k2, (B,), 0, N_PERSONS)
    resp = jax.random.randint(k3, (B,), 1, N_GRADES + 1)
    indices = jnp.stack([item, person, resp], axis=1)
    # learned parameters, named exactly like the torch module attributes
    a_ = jax.random.normal(k4, (N_ITEMS,), dtype=jnp.float32) * 0.5
    b_base_ = jax.random.normal(k5, (N_ITEMS, 1), dtype=jnp.float32) * 0.5 - 1.0
    # shift so softplus(b_diff_) is a small positive increment; keeps cumsum(b) in a
    # range overlapping t ~ N(0,1) so no category probability underflows to 0.
    b_diff_ = jax.random.normal(k6, (N_ITEMS, N_GRADES - 2), dtype=jnp.float32) * 0.5 - 6.0
    t = jax.random.normal(k7, (N_PERSONS,), dtype=jnp.float32)
    return {"indices": indices, "a_": a_, "b_base_": b_base_, "b_diff_": b_diff_, "t": t}


def reference(indices, a_, b_base_, b_diff_, t):
    # positive() -> softplus
    a = jax.nn.softplus(a_)
    b = jnp.cumsum(jnp.concatenate([b_base_, jax.nn.softplus(b_diff_)], axis=1), axis=1)
    # log_prior: standard-normal log pdf summed over a, b, t
    log_prior = _normal_log_pdf_sum(a) + _normal_log_pdf_sum(b) + _normal_log_pdf_sum(t)
    inf = 1000.0
    infs = jnp.full((N_ITEMS, 1), inf, dtype=b.dtype)
    b_full = jnp.concatenate([-infs, b, infs], axis=1)  # [N_ITEMS, N_GRADES+1]
    item_index = indices[:, 0]
    person_index = indices[:, 1]
    response_index = indices[:, 2]
    b_lower = b_full[item_index, response_index - 1]
    b_upper = b_full[item_index, response_index]
    aa = a[item_index]
    tt = t[person_index]
    # graded response model likelihood:
    # P(Y=k) = sigmoid(a*(t - b_{k-1})) - sigmoid(a*(t - b_k))
    p = jax.nn.sigmoid(aa * (tt - b_lower)) - jax.nn.sigmoid(aa * (tt - b_upper))
    log_lik = jnp.log(p)
    log_post = log_lik + log_prior * (indices.shape[0] / N_RESPONSES)
    return -log_post

if __name__ == "__main__":
    import jax
    _d = setup_inputs()
    print(jax.jit(kernel)(*tuple(_d.values())))

</pallas_src>

<mosaic_0001>
#map = affine_map<(d0, d1) -> (0)>
module attributes {stable_mosaic.version = 14 : i64} {
  func.func @_sc_body(%arg0: i32, %arg1: i32, %arg2: memref<1000000xi32, #tpu.memory_space<hbm>>, %arg3: memref<1024000xf32, #tpu.memory_space<hbm>>, %arg4: memref<1000xf32, #tpu.memory_space<hbm>>, %arg5: memref<1000xf32, #tpu.memory_space<hbm>>, %arg6: memref<16xf32, #tpu.memory_space<hbm>>, %arg7: memref<1000000xf32, #tpu.memory_space<hbm>>, %arg8: memref<2000xi32, #tpu.memory_space<vmem>>, %arg9: memref<2000xi32, #tpu.memory_space<vmem>>, %arg10: memref<2000xi32, #tpu.memory_space<vmem>>, %arg11: memref<2000xi32, #tpu.memory_space<vmem>>, %arg12: memref<2000xi32, #tpu.memory_space<vmem>>, %arg13: memref<2000xf32, #tpu.memory_space<vmem>>, %arg14: memref<2000xf32, #tpu.memory_space<vmem>>, %arg15: memref<2000xf32, #tpu.memory_space<vmem>>, %arg16: memref<2000xf32, #tpu.memory_space<vmem>>, %arg17: memref<2000xf32, #tpu.memory_space<vmem>>, %arg18: memref<2000xf32, #tpu.memory_space<vmem>>, %arg19: memref<2000xf32, #tpu.memory_space<vmem>>, %arg20: memref<2000xf32, #tpu.memory_space<vmem>>, %arg21: memref<2000xf32, #tpu.memory_space<vmem>>, %arg22: memref<1000xf32, #tpu.memory_space<vmem>>, %arg23: memref<1000xf32, #tpu.memory_space<vmem>>, %arg24: memref<16xf32, #tpu.memory_space<vmem>>, %arg25: memref<1024000xf32, #tpu.memory_space<vmem_shared>>, %arg26: memref<!tpu.dma_semaphore, #tpu.memory_space<semaphore_mem>>, %arg27: memref<!tpu.dma_semaphore, #tpu.memory_space<semaphore_mem>>) attributes {dimension_semantics = [#tpu.dimension_semantics<core_parallel>, #tpu.dimension_semantics<subcore_parallel>], iteration_bounds = array<i64: 2, 16>, scalar_prefetch = 0 : i64, scratch_operands = 20 : i64, tpu.core_type = #tpu.core_type<sc_vector_subcore>, window_params = [{transform_indices = #map}, {transform_indices = #map}, {transform_indices = #map}, {transform_indices = #map}, {transform_indices = #map}, {transform_indices = #map}]} {
    %mul3A = arith.constant 2 : i32
    %mul3A_0 = arith.muli %arg1, %mul3A : i32
    %add3A = arith.addi %mul3A_0, %arg0 : i32
    %eq3A = arith.constant 0 : i32
    %eq3A_1 = arith.cmpi eq, %arg1, %eq3A : i32
    %convert_element_type3A = arith.extui %eq3A_1 : i1 to i32
    %cond3A = arith.constant 0 : i32
    %cond3A_2 = arith.cmpi ne, %convert_element_type3A, %cond3A : i32
    scf.if %cond3A_2 {
      "tpu.region"() ({
        %run_scoped3A = tpu.sem_alloc : memref<!tpu.dma_semaphore, #tpu.memory_space<semaphore_mem>>
        tpu.enqueue_dma source(%arg3 : memref<1024000xf32, #tpu.memory_space<hbm>>) target(%arg25 : memref<1024000xf32, #tpu.memory_space<vmem_shared>>) target_semaphore(%run_scoped3A : memref<!tpu.dma_semaphore, #tpu.memory_space<semaphore_mem>>)
        tpu.wait_dma2 semaphore(%run_scoped3A : memref<!tpu.dma_semaphore, #tpu.memory_space<semaphore_mem>>) src(%arg3 : memref<1024000xf32, #tpu.memory_space<hbm>>) dst(%arg25 : memref<1024000xf32, #tpu.memory_space<vmem_shared>>)
        tpu.yield
      }) : () -> ()
    } else {
    }
    "tpu.region"() ({
      %run_scoped3A = tpu.sem_alloc : memref<!tpu.dma_semaphore, #tpu.memory_space<semaphore_mem>>
      tpu.enqueue_dma source(%arg4 : memref<1000xf32, #tpu.memory_space<hbm>>) target(%arg22 : memref<1000xf32, #tpu.memory_space<vmem>>) target_semaphore(%run_scoped3A : memref<!tpu.dma_semaphore, #tpu.memory_space<semaphore_mem>>)
      tpu.wait_dma2 semaphore(%run_scoped3A : memref<!tpu.dma_semaphore, #tpu.memory_space<semaphore_mem>>) src(%arg4 : memref<1000xf32, #tpu.memory_space<hbm>>) dst(%arg22 : memref<1000xf32, #tpu.memory_space<vmem>>)
      tpu.yield
    }) : () -> ()
    "tpu.region"() ({
      %run_scoped3A = tpu.sem_alloc : memref<!tpu.dma_semaphore, #tpu.memory_space<semaphore_mem>>
      tpu.enqueue_dma source(%arg5 : memref<1000xf32, #tpu.memory_space<hbm>>) target(%arg23 : memref<1000xf32, #tpu.memory_space<vmem>>) target_semaphore(%run_scoped3A : memref<!tpu.dma_semaphore, #tpu.memory_space<semaphore_mem>>)
      tpu.wait_dma2 semaphore(%run_scoped3A : memref<!tpu.dma_semaphore, #tpu.memory_space<semaphore_mem>>) src(%arg5 : memref<1000xf32, #tpu.memory_space<hbm>>) dst(%arg23 : memref<1000xf32, #tpu.memory_space<vmem>>)
      tpu.yield
    }) : () -> ()
    "tpu.region"() ({
      %run_scoped3A = tpu.sem_alloc : memref<!tpu.dma_semaphore, #tpu.memory_space<semaphore_mem>>
      tpu.enqueue_dma source(%arg6 : memref<16xf32, #tpu.memory_space<hbm>>) target(%arg24 : memref<16xf32, #tpu.memory_space<vmem>>) target_semaphore(%run_scoped3A : memref<!tpu.dma_semaphore, #tpu.memory_space<semaphore_mem>>)
      tpu.wait_dma2 semaphore(%run_scoped3A : memref<!tpu.dma_semaphore, #tpu.memory_space<semaphore_mem>>) src(%arg6 : memref<16xf32, #tpu.memory_space<hbm>>) dst(%arg24 : memref<16xf32, #tpu.memory_space<vmem>>)
      tpu.yield
    }) : () -> ()
    %barrier3A = arith.constant 0 : index
    tpu.barrier barrier_id(%barrier3A)
    %get3A = arith.constant 0 : index
    %get3A_3 = tpu.vector_load %arg24[%get3A] {strides = array<i32>} : memref<16xf32, #tpu.memory_space<vmem>>, vector<16xf32>,
    %mul3A_4 = arith.constant 15 : i32
    %mul3A_5 = arith.muli %mul3A_4, %add3A : i32
    %min3A = arith.constant 20 : i32
    %min3A_6 = arith.minsi %add3A, %min3A : i32
    %add3A_7 = arith.addi %mul3A_5, %min3A_6 : i32
    %lt3A = arith.constant 20 : i32
    %lt3A_8 = arith.cmpi slt, %add3A, %lt3A : i32
    %jit3A = arith.constant 1 : i32
    %jit3A_9 = arith.constant 0 : i32
    %select_n3A = arith.select %lt3A_8, %jit3A, %jit3A_9 : i32
    %add3A_10 = arith.constant 15 : i32
    %add3A_11 = arith.addi %add3A_10, %select_n3A : i32
    %add3A_12 = arith.constant 0 : i32
    %add3A_13 = arith.addi %add3A_7, %add3A_12 : i32
    %mul3A_14 = arith.constant 2000 : i32
    %mul3A_15 = arith.muli %add3A_13, %mul3A_14 : i32
    "tpu.region"() ({
      %run_scoped3A = tpu.sem_alloc : memref<!tpu.dma_semaphore, #tpu.memory_space<semaphore_mem>>
      %dma_start3A_26 = tpu.memref_slice %arg2[%mul3A_15] : memref<1000000xi32, #tpu.memory_space<hbm>> -> memref<2000xi32, #tpu.memory_space<hbm>>
      %dma_start3A_27 = tpu.memref_slice %arg2[%mul3A_15] : memref<1000000xi32, #tpu.memory_space<hbm>> -> memref<2000xi32, #tpu.memory_space<hbm>>
      tpu.enqueue_dma source(%dma_start3A_27 : memref<2000xi32, #tpu.memory_space<hbm>>) target(%arg8 : memref<2000xi32, #tpu.memory_space<vmem>>) target_semaphore(%run_scoped3A : memref<!tpu.dma_semaphore, #tpu.memory_space<semaphore_mem>>)
      %dma_wait3A = tpu.memref_slice %arg2[%mul3A_15] : memref<1000000xi32, #tpu.memory_space<hbm>> -> memref<2000xi32, #tpu.memory_space<hbm>>
      %dma_wait3A_28 = tpu.memref_slice %arg2[%mul3A_15] : memref<1000000xi32, #tpu.memory_space<hbm>> -> memref<2000xi32, #tpu.memory_space<hbm>>
      tpu.wait_dma2 semaphore(%run_scoped3A : memref<!tpu.dma_semaphore, #tpu.memory_space<semaphore_mem>>) src(%dma_wait3A_28 : memref<2000xi32, #tpu.memory_space<hbm>>) dst(%arg8 : memref<2000xi32, #tpu.memory_space<vmem>>)
      tpu.yield
    }) : () -> ()
    %parallel_loop3A = arith.constant 0 : i32
    %parallel_loop3A_16 = arith.constant 2000 : i32
    %parallel_loop3A_17 = arith.constant 16 : i32
    scf.for %parallel_loop3A_26 = %parallel_loop3A to %parallel_loop3A_16 step %parallel_loop3A_17  : i32 {
      %parallel_loop3A_27 = arith.index_cast %parallel_loop3A_26 : i32 to index
      %parallel_loop3A_28 = tpu.vector_load %arg8[%parallel_loop3A_27] {strides = array<i32>} : memref<2000xi32, #tpu.memory_space<vmem>>, vector<16xi32>,
      %parallel_loop3A_29 = arith.constant 1023 : i32
      %parallel_loop3A_30 = vector.broadcast %parallel_loop3A_29 : i32 to vector<16xi32>
      %parallel_loop3A_31 = arith.andi %parallel_loop3A_28, %parallel_loop3A_30 : vector<16xi32>
      %parallel_loop3A_32 = arith.constant 10 : i32
      %parallel_loop3A_33 = vector.broadcast %parallel_loop3A_32 : i32 to vector<16xi32>
      %parallel_loop3A_34 = arith.shrui %parallel_loop3A_28, %parallel_loop3A_33 : vector<16xi32>
      %parallel_loop3A_35 = arith.constant 1 : i32
      %parallel_loop3A_36 = vector.broadcast %parallel_loop3A_35 : i32 to vector<16xi32>
      %parallel_loop3A_37 = arith.subi %parallel_loop3A_34, %parallel_loop3A_36 : vector<16xi32>
      %parallel_loop3A_38 = arith.index_cast %parallel_loop3A_26 : i32 to index
      %parallel_loop3A_39 = tpu.vector_load %arg9[%parallel_loop3A_38] {strides = array<i32>} : memref<2000xi32, #tpu.memory_space<vmem>>, vector<16xi32>,
      tpu.vector_store %arg9[%parallel_loop3A_38], %parallel_loop3A_37 {strides = array<i32>} : memref<2000xi32, #tpu.memory_space<vmem>>, vector<16xi32>,
      %parallel_loop3A_40 = arith.constant 1 : i32
      %parallel_loop3A_41 = vector.broadcast %parallel_loop3A_40 : i32 to vector<16xi32>
      %parallel_loop3A_42 = arith.addi %parallel_loop3A_37, %parallel_loop3A_41 : vector<16xi32>
      %parallel_loop3A_43 = arith.index_cast %parallel_loop3A_26 : i32 to index
      %parallel_loop3A_44 = tpu.vector_load %arg11[%parallel_loop3A_43] {strides = array<i32>} : memref<2000xi32, #tpu.memory_space<vmem>>, vector<16xi32>,
      tpu.vector_store %arg11[%parallel_loop3A_43], %parallel_loop3A_42 {strides = array<i32>} : memref<2000xi32, #tpu.memory_space<vmem>>, vector<16xi32>,
      %parallel_loop3A_45 = arith.constant 20 : i32
      %parallel_loop3A_46 = vector.broadcast %parallel_loop3A_45 : i32 to vector<16xi32>
      %parallel_loop3A_47 = arith.shrui %parallel_loop3A_28, %parallel_loop3A_46 : vector<16xi32>
      %parallel_loop3A_48 = tpu.vector_load_idx %arg22[%parallel_loop3A_47] : memref<1000xf32, #tpu.memory_space<vmem>>[vector<16xi32>], vector<16xf32>,
      %parallel_loop3A_49 = arith.index_cast %parallel_loop3A_26 : i32 to index
      %parallel_loop3A_50 = tpu.vector_load %arg17[%parallel_loop3A_49] {strides = array<i32>} : memref<2000xf32, #tpu.memory_space<vmem>>, vector<16xf32>,
      tpu.vector_store %arg17[%parallel_loop3A_49], %parallel_loop3A_48 {strides = array<i32>} : memref<2000xf32, #tpu.memory_space<vmem>>, vector<16xf32>,
      %parallel_loop3A_51 = tpu.vector_load_idx %arg23[%parallel_loop3A_31] : memref<1000xf32, #tpu.memory_space<vmem>>[vector<16xi32>], vector<16xf32>,
      %parallel_loop3A_52 = arith.index_cast %parallel_loop3A_26 : i32 to index
      %parallel_loop3A_53 = tpu.vector_load %arg19[%parallel_loop3A_52] {strides = array<i32>} : memref<2000xf32, #tpu.memory_space<vmem>>, vector<16xf32>,
      tpu.vector_store %arg19[%parallel_loop3A_52], %parallel_loop3A_51 {strides = array<i32>} : memref<2000xf32, #tpu.memory_space<vmem>>, vector<16xf32>,
    } {sc.loop_unroll_factor = 8 : i64, sc.parallel_access}
    %dma_start3A = arith.constant 0 : i32
    %dma_start3A_18 = tpu.memref_slice %arg25[%dma_start3A] : memref<1024000xf32, #tpu.memory_space<vmem_shared>> -> memref<1024000xf32, #tpu.memory_space<vmem_shared>>
    tpu.enqueue_indirect_dma source(%dma_start3A_18 : memref<1024000xf32, #tpu.memory_space<vmem_shared>>) target(%arg13 : memref<2000xf32, #tpu.memory_space<vmem>>) offsets(%arg9 : memref<2000xi32, #tpu.memory_space<vmem>>) semaphore(%arg26 : memref<!tpu.dma_semaphore, #tpu.memory_space<semaphore_mem>>)
    %dma_start3A_19 = arith.constant 0 : i32
    %dma_start3A_20 = tpu.memref_slice %arg25[%dma_start3A_19] : memref<1024000xf32, #tpu.memory_space<vmem_shared>> -> memref<1024000xf32, #tpu.memory_space<vmem_shared>>
    tpu.enqueue_indirect_dma source(%dma_start3A_20 : memref<1024000xf32, #tpu.memory_space<vmem_shared>>) target(%arg15 : memref<2000xf32, #tpu.memory_space<vmem>>) offsets(%arg11 : memref<2000xi32, #tpu.memory_space<vmem>>) semaphore(%arg26 : memref<!tpu.dma_semaphore, #tpu.memory_space<semaphore_mem>>)
    %scan3A = arith.constant 0 : i32
    %scan3A_21 = arith.constant 0 : i32
    %scan3A_22 = arith.constant 8 : i32
    %scan3A_23 = arith.addi %scan3A_21, %scan3A_22 : i32
    %scan3A_24 = arith.constant 1 : i32
    scf.for %scan3A_26 = %scan3A_21 to %scan3A_23 step %scan3A_24  : i32 {
      %mul3A_27 = arith.constant 2 : i32
      %mul3A_28 = arith.muli %mul3A_27, %scan3A_26 : i32
      %add3A_29 = arith.constant 0 : i32
      %add3A_30 = arith.addi %mul3A_28, %add3A_29 : i32
      %add3A_31 = arith.constant 1 : i32
      %add3A_32 = arith.addi %add3A_30, %add3A_31 : i32
      %lt3A_33 = arith.cmpi slt, %add3A_32, %add3A_11 : i32
      %convert_element_type3A_34 = arith.extui %lt3A_33 : i1 to i32
      %cond3A_35 = arith.constant 0 : i32
      %cond3A_36 = arith.cmpi ne, %convert_element_type3A_34, %cond3A_35 : i32
      scf.if %cond3A_36 {
        %add3A_55 = arith.addi %add3A_7, %add3A_32 : i32
        %mul3A_56 = arith.constant 2000 : i32
        %mul3A_57 = arith.muli %add3A_55, %mul3A_56 : i32
        "tpu.region"() ({
          %run_scoped3A = tpu.sem_alloc : memref<!tpu.dma_semaphore, #tpu.memory_space<semaphore_mem>>
          %dma_start3A_65 = tpu.memref_slice %arg2[%mul3A_57] : memref<1000000xi32, #tpu.memory_space<hbm>> -> memref<2000xi32, #tpu.memory_space<hbm>>
          %dma_start3A_66 = tpu.memref_slice %arg2[%mul3A_57] : memref<1000000xi32, #tpu.memory_space<hbm>> -> memref<2000xi32, #tpu.memory_space<hbm>>
          tpu.enqueue_dma source(%dma_start3A_66 : memref<2000xi32, #tpu.memory_space<hbm>>) target(%arg8 : memref<2000xi32, #tpu.memory_space<vmem>>) target_semaphore(%run_scoped3A : memref<!tpu.dma_semaphore, #tpu.memory_space<semaphore_mem>>)
          %dma_wait3A = tpu.memref_slice %arg2[%mul3A_57] : memref<1000000xi32, #tpu.memory_space<hbm>> -> memref<2000xi32, #tpu.memory_space<hbm>>
          %dma_wait3A_67 = tpu.memref_slice %arg2[%mul3A_57] : memref<1000000xi32, #tpu.memory_space<hbm>> -> memref<2000xi32, #tpu.memory_space<hbm>>
          tpu.wait_dma2 semaphore(%run_scoped3A : memref<!tpu.dma_semaphore, #tpu.memory_space<semaphore_mem>>) src(%dma_wait3A_67 : memref<2000xi32, #tpu.memory_space<hbm>>) dst(%arg8 : memref<2000xi32, #tpu.memory_space<vmem>>)
          tpu.yield
        }) : () -> ()
        %parallel_loop3A_58 = arith.constant 0 : i32
        %parallel_loop3A_59 = arith.constant 2000 : i32
        %parallel_loop3A_60 = arith.constant 16 : i32
        scf.for %parallel_loop3A_65 = %parallel_loop3A_58 to %parallel_loop3A_59 step %parallel_loop3A_60  : i32 {
          %parallel_loop3A_66 = arith.index_cast %parallel_loop3A_65 : i32 to index
          %parallel_loop3A_67 = tpu.vector_load %arg8[%parallel_loop3A_66] {strides = array<i32>} : memref<2000xi32, #tpu.memory_space<vmem>>, vector<16xi32>,
          %parallel_loop3A_68 = arith.constant 1023 : i32
          %parallel_loop3A_69 = vector.broadcast %parallel_loop3A_68 : i32 to vector<16xi32>
          %parallel_loop3A_70 = arith.andi %parallel_loop3A_67, %parallel_loop3A_69 : vector<16xi32>
          %parallel_loop3A_71 = arith.constant 10 : i32
          %parallel_loop3A_72 = vector.broadcast %parallel_loop3A_71 : i32 to vector<16xi32>
          %parallel_loop3A_73 = arith.shrui %parallel_loop3A_67, %parallel_loop3A_72 : vector<16xi32>
          %parallel_loop3A_74 = arith.constant 1 : i32
          %parallel_loop3A_75 = vector.broadcast %parallel_loop3A_74 : i32 to vector<16xi32>
          %parallel_loop3A_76 = arith.subi %parallel_loop3A_73, %parallel_loop3A_75 : vector<16xi32>
          %parallel_loop3A_77 = arith.index_cast %parallel_loop3A_65 : i32 to index
          %parallel_loop3A_78 = tpu.vector_load %arg10[%parallel_loop3A_77] {strides = array<i32>} : memref<2000xi32, #tpu.memory_space<vmem>>, vector<16xi32>,
          tpu.vector_store %arg10[%parallel_loop3A_77], %parallel_loop3A_76 {strides = array<i32>} : memref<2000xi32, #tpu.memory_space<vmem>>, vector<16xi32>,
          %parallel_loop3A_79 = arith.constant 1 : i32
          %parallel_loop3A_80 = vector.broadcast %parallel_loop3A_79 : i32 to vector<16xi32>
          %parallel_loop3A_81 = arith.addi %parallel_loop3A_76, %parallel_loop3A_80 : vector<16xi32>
          %parallel_loop3A_82 = arith.index_cast %parallel_loop3A_65 : i32 to index
          %parallel_loop3A_83 = tpu.vector_load %arg12[%parallel_loop3A_82] {strides = array<i32>} : memref<2000xi32, #tpu.memory_space<vmem>>, vector<16xi32>,
          tpu.vector_store %arg12[%parallel_loop3A_82], %parallel_loop3A_81 {strides = array<i32>} : memref<2000xi32, #tpu.memory_space<vmem>>, vector<16xi32>,
          %parallel_loop3A_84 = arith.constant 20 : i32
          %parallel_loop3A_85 = vector.broadcast %parallel_loop3A_84 : i32 to vector<16xi32>
          %parallel_loop3A_86 = arith.shrui %parallel_loop3A_67, %parallel_loop3A_85 : vector<16xi32>
          %parallel_loop3A_87 = tpu.vector_load_idx %arg22[%parallel_loop3A_86] : memref<1000xf32, #tpu.memory_space<vmem>>[vector<16xi32>], vector<16xf32>,
          %parallel_loop3A_88 = arith.index_cast %parallel_loop3A_65 : i32 to index
          %parallel_loop3A_89 = tpu.vector_load %arg18[%parallel_loop3A_88] {strides = array<i32>} : memref<2000xf32, #tpu.memory_space<vmem>>, vector<16xf32>,
          tpu.vector_store %arg18[%parallel_loop3A_88], %parallel_loop3A_87 {strides = array<i32>} : memref<2000xf32, #tpu.memory_space<vmem>>, vector<16xf32>,
          %parallel_loop3A_90 = tpu.vector_load_idx %arg23[%parallel_loop3A_70] : memref<1000xf32, #tpu.memory_space<vmem>>[vector<16xi32>], vector<16xf32>,
          %parallel_loop3A_91 = arith.index_cast %parallel_loop3A_65 : i32 to index
          %parallel_loop3A_92 = tpu.vector_load %arg20[%parallel_loop3A_91] {strides = array<i32>} : memref<2000xf32, #tpu.memory_space<vmem>>, vector<16xf32>,
          tpu.vector_store %arg20[%parallel_loop3A_91], %parallel_loop3A_90 {strides = array<i32>} : memref<2000xf32, #tpu.memory_space<vmem>>, vector<16xf32>,
        } {sc.loop_unroll_factor = 8 : i64, sc.parallel_access}
        %dma_start3A_61 = arith.constant 0 : i32
        %dma_start3A_62 = tpu.memref_slice %arg25[%dma_start3A_61] : memref<1024000xf32, #tpu.memory_space<vmem_shared>> -> memref<1024000xf32, #tpu.memory_space<vmem_shared>>
        tpu.enqueue_indirect_dma source(%dma_start3A_62 : memref<1024000xf32, #tpu.memory_space<vmem_shared>>) target(%arg14 : memref<2000xf32, #tpu.memory_space<vmem>>) offsets(%arg10 : memref<2000xi32, #tpu.memory_space<vmem>>) semaphore(%arg27 : memref<!tpu.dma_semaphore, #tpu.memory_space<semaphore_mem>>)
        %dma_start3A_63 = arith.constant 0 : i32
        %dma_start3A_64 = tpu.memref_slice %arg25[%dma_start3A_63] : memref<1024000xf32, #tpu.memory_space<vmem_shared>> -> memref<1024000xf32, #tpu.memory_space<vmem_shared>>
        tpu.enqueue_indirect_dma source(%dma_start3A_64 : memref<1024000xf32, #tpu.memory_space<vmem_shared>>) target(%arg16 : memref<2000xf32, #tpu.memory_space<vmem>>) offsets(%arg12 : memref<2000xi32, #tpu.memory_space<vmem>>) semaphore(%arg27 : memref<!tpu.dma_semaphore, #tpu.memory_space<semaphore_mem>>)
      } else {
      }
      %lt3A_37 = arith.cmpi slt, %add3A_30, %add3A_11 : i32
      %convert_element_type3A_38 = arith.extui %lt3A_37 : i1 to i32
      %cond3A_39 = arith.constant 0 : i32
      %cond3A_40 = arith.cmpi ne, %convert_element_type3A_38, %cond3A_39 : i32
      scf.if %cond3A_40 {
        %add3A_55 = arith.addi %add3A_7, %add3A_30 : i32
        %mul3A_56 = arith.constant 2000 : i32
        %mul3A_57 = arith.muli %add3A_55, %mul3A_56 : i32
        %dma_wait3A = arith.constant 0 : i32
        %dma_wait3A_58 = tpu.memref_slice %arg25[%dma_wait3A] : memref<1024000xf32, #tpu.memory_space<vmem_shared>> -> memref<1024000xf32, #tpu.memory_space<vmem_shared>>
        tpu.wait_indirect_dma semaphore(%arg26 : memref<!tpu.dma_semaphore, #tpu.memory_space<semaphore_mem>>) src(%dma_wait3A_58 : memref<1024000xf32, #tpu.memory_space<vmem_shared>>) dst(%arg13 : memref<2000xf32, #tpu.memory_space<vmem>>)
        %dma_wait3A_59 = arith.constant 0 : i32
        %dma_wait3A_60 = tpu.memref_slice %arg25[%dma_wait3A_59] : memref<1024000xf32, #tpu.memory_space<vmem_shared>> -> memref<1024000xf32, #tpu.memory_space<vmem_shared>>
        tpu.wait_indirect_dma semaphore(%arg26 : memref<!tpu.dma_semaphore, #tpu.memory_space<semaphore_mem>>) src(%dma_wait3A_60 : memref<1024000xf32, #tpu.memory_space<vmem_shared>>) dst(%arg15 : memref<2000xf32, #tpu.memory_space<vmem>>)
        %parallel_loop3A_61 = arith.constant 0 : i32
        %parallel_loop3A_62 = arith.constant 2000 : i32
        %parallel_loop3A_63 = arith.constant 16 : i32
        scf.for %parallel_loop3A_64 = %parallel_loop3A_61 to %parallel_loop3A_62 step %parallel_loop3A_63  : i32 {
          %parallel_loop3A_65 = arith.index_cast %parallel_loop3A_64 : i32 to index
          %parallel_loop3A_66 = tpu.vector_load %arg13[%parallel_loop3A_65] {strides = array<i32>} : memref<2000xf32, #tpu.memory_space<vmem>>, vector<16xf32>,
          %parallel_loop3A_67 = arith.index_cast %parallel_loop3A_64 : i32 to index
          %parallel_loop3A_68 = tpu.vector_load %arg15[%parallel_loop3A_67] {strides = array<i32>} : memref<2000xf32, #tpu.memory_space<vmem>>, vector<16xf32>,
          %parallel_loop3A_69 = arith.index_cast %parallel_loop3A_64 : i32 to index
          %parallel_loop3A_70 = tpu.vector_load %arg17[%parallel_loop3A_69] {strides = array<i32>} : memref<2000xf32, #tpu.memory_space<vmem>>, vector<16xf32>,
          %parallel_loop3A_71 = arith.index_cast %parallel_loop3A_64 : i32 to index
          %parallel_loop3A_72 = tpu.vector_load %arg19[%parallel_loop3A_71] {strides = array<i32>} : memref<2000xf32, #tpu.memory_space<vmem>>, vector<16xf32>,
          %parallel_loop3A_73 = arith.subf %parallel_loop3A_72, %parallel_loop3A_66 : vector<16xf32>
          %parallel_loop3A_74 = arith.mulf %parallel_loop3A_70, %parallel_loop3A_73 : vector<16xf32>
          %parallel_loop3A_75 = arith.constant -8.500000e+01 : f32
          %parallel_loop3A_76 = arith.constant 8.500000e+01 : f32
          %parallel_loop3A_77 = vector.broadcast %parallel_loop3A_75 : f32 to vector<16xf32>
          %parallel_loop3A_78 = arith.maximumf %parallel_loop3A_77, %parallel_loop3A_74 : vector<16xf32>
          %parallel_loop3A_79 = vector.broadcast %parallel_loop3A_76 : f32 to vector<16xf32>
          %parallel_loop3A_80 = arith.minimumf %parallel_loop3A_79, %parallel_loop3A_78 : vector<16xf32>
          %parallel_loop3A_81 = arith.subf %parallel_loop3A_72, %parallel_loop3A_68 : vector<16xf32>
          %parallel_loop3A_82 = arith.mulf %parallel_loop3A_70, %parallel_loop3A_81 : vector<16xf32>
          %parallel_loop3A_83 = arith.constant -8.500000e+01 : f32
          %parallel_loop3A_84 = arith.constant 8.500000e+01 : f32
          %parallel_loop3A_85 = vector.broadcast %parallel_loop3A_83 : f32 to vector<16xf32>
          %parallel_loop3A_86 = arith.maximumf %parallel_loop3A_85, %parallel_loop3A_82 : vector<16xf32>
          %parallel_loop3A_87 = vector.broadcast %parallel_loop3A_84 : f32 to vector<16xf32>
          %parallel_loop3A_88 = arith.minimumf %parallel_loop3A_87, %parallel_loop3A_86 : vector<16xf32>
          %parallel_loop3A_89 = arith.constant 0.000000e+00 : f32
          %parallel_loop3A_90 = vector.broadcast %parallel_loop3A_89 : f32 to vector<16xf32>
          %parallel_loop3A_91 = arith.subf %parallel_loop3A_90, %parallel_loop3A_80 : vector<16xf32>
          %parallel_loop3A_92 = math.exp %parallel_loop3A_91 : vector<16xf32>
          %parallel_loop3A_93 = arith.constant 1.000000e+00 : f32
          %parallel_loop3A_94 = vector.broadcast %parallel_loop3A_93 : f32 to vector<16xf32>
          %parallel_loop3A_95 = arith.addf %parallel_loop3A_94, %parallel_loop3A_92 : vector<16xf32>
          %parallel_loop3A_96 = arith.constant 1.000000e+00 : f32
          %parallel_loop3A_97 = vector.broadcast %parallel_loop3A_96 : f32 to vector<16xf32>
          %parallel_loop3A_98 = arith.divf %parallel_loop3A_97, %parallel_loop3A_95 : vector<16xf32>
          %parallel_loop3A_99 = arith.constant 0.000000e+00 : f32
          %parallel_loop3A_100 = vector.broadcast %parallel_loop3A_99 : f32 to vector<16xf32>
          %parallel_loop3A_101 = arith.subf %parallel_loop3A_100, %parallel_loop3A_88 : vector<16xf32>
          %parallel_loop3A_102 = math.exp %parallel_loop3A_101 : vector<16xf32>
          %parallel_loop3A_103 = arith.constant 1.000000e+00 : f32
          %parallel_loop3A_104 = vector.broadcast %parallel_loop3A_103 : f32 to vector<16xf32>
          %parallel_loop3A_105 = arith.addf %parallel_loop3A_104, %parallel_loop3A_102 : vector<16xf32>
          %parallel_loop3A_106 = arith.constant 1.000000e+00 : f32
          %parallel_loop3A_107 = vector.broadcast %parallel_loop3A_106 : f32 to vector<16xf32>
          %parallel_loop3A_108 = arith.divf %parallel_loop3A_107, %parallel_loop3A_105 : vector<16xf32>
          %parallel_loop3A_109 = arith.subf %parallel_loop3A_98, %parallel_loop3A_108 : vector<16xf32>
          %parallel_loop3A_110 = tpu.bitcast %parallel_loop3A_109 : vector<16xf32> -> vector<16xi32>
          %parallel_loop3A_111 = arith.constant 23 : i32
          %parallel_loop3A_112 = vector.broadcast %parallel_loop3A_111 : i32 to vector<16xi32>
          %parallel_loop3A_113 = arith.shrui %parallel_loop3A_110, %parallel_loop3A_112 : vector<16xi32>
          %parallel_loop3A_114 = arith.constant 127 : i32
          %parallel_loop3A_115 = vector.broadcast %parallel_loop3A_114 : i32 to vector<16xi32>
          %parallel_loop3A_116 = arith.subi %parallel_loop3A_113, %parallel_loop3A_115 : vector<16xi32>
          %parallel_loop3A_117 = arith.constant 8388607 : i32
          %parallel_loop3A_118 = vector.broadcast %parallel_loop3A_117 : i32 to vector<16xi32>
          %parallel_loop3A_119 = arith.andi %parallel_loop3A_110, %parallel_loop3A_118 : vector<16xi32>
          %parallel_loop3A_120 = arith.constant 1065353216 : i32
          %parallel_loop3A_121 = vector.broadcast %parallel_loop3A_120 : i32 to vector<16xi32>
          %parallel_loop3A_122 = arith.ori %parallel_loop3A_119, %parallel_loop3A_121 : vector<16xi32>
          %parallel_loop3A_123 = tpu.bitcast %parallel_loop3A_122 : vector<16xi32> -> vector<16xf32>
          %parallel_loop3A_124 = arith.constant 1.41421354 : f32
          %parallel_loop3A_125 = vector.broadcast %parallel_loop3A_124 : f32 to vector<16xf32>
          %parallel_loop3A_126 = arith.cmpf oge, %parallel_loop3A_123, %parallel_loop3A_125 : vector<16xf32>
          %parallel_loop3A_127 = arith.constant 5.000000e-01 : f32
          %parallel_loop3A_128 = vector.broadcast %parallel_loop3A_127 : f32 to vector<16xf32>
          %parallel_loop3A_129 = arith.mulf %parallel_loop3A_123, %parallel_loop3A_128 : vector<16xf32>
          %parallel_loop3A_130 = arith.select %parallel_loop3A_126, %parallel_loop3A_129, %parallel_loop3A_123 : vector<16xi1>, vector<16xf32>
          %parallel_loop3A_131 = arith.constant 1 : i32
          %parallel_loop3A_132 = arith.constant 0 : i32
          %parallel_loop3A_133 = vector.broadcast %parallel_loop3A_131 : i32 to vector<16xi32>
          %parallel_loop3A_134 = vector.broadcast %parallel_loop3A_132 : i32 to vector<16xi32>
          %parallel_loop3A_135 = arith.select %parallel_loop3A_126, %parallel_loop3A_133, %parallel_loop3A_134 : vector<16xi1>, vector<16xi32>
          %parallel_loop3A_136 = arith.addi %parallel_loop3A_116, %parallel_loop3A_135 : vector<16xi32>
          %parallel_loop3A_137 = arith.constant 1.000000e+00 : f32
          %parallel_loop3A_138 = vector.broadcast %parallel_loop3A_137 : f32 to vector<16xf32>
          %parallel_loop3A_139 = arith.subf %parallel_loop3A_130, %parallel_loop3A_138 : vector<16xf32>
          %parallel_loop3A_140 = arith.constant 1.000000e+00 : f32
          %parallel_loop3A_141 = vector.broadcast %parallel_loop3A_140 : f32 to vector<16xf32>
          %parallel_loop3A_142 = arith.addf %parallel_loop3A_130, %parallel_loop3A_141 : vector<16xf32>
          %parallel_loop3A_143 = arith.divf %parallel_loop3A_139, %parallel_loop3A_142 : vector<16xf32>
          %parallel_loop3A_144 = arith.mulf %parallel_loop3A_143, %parallel_loop3A_143 : vector<16xf32>
          %parallel_loop3A_145 = arith.constant 2.000000e+00 : f32
          %parallel_loop3A_146 = vector.broadcast %parallel_loop3A_145 : f32 to vector<16xf32>
          %parallel_loop3A_147 = arith.mulf %parallel_loop3A_146, %parallel_loop3A_143 : vector<16xf32>
          %parallel_loop3A_148 = arith.constant 0.142857149 : f32
          %parallel_loop3A_149 = vector.broadcast %parallel_loop3A_148 : f32 to vector<16xf32>
          %parallel_loop3A_150 = arith.mulf %parallel_loop3A_144, %parallel_loop3A_149 : vector<16xf32>
          %parallel_loop3A_151 = arith.constant 2.000000e-01 : f32
          %parallel_loop3A_152 = vector.broadcast %parallel_loop3A_151 : f32 to vector<16xf32>
          %parallel_loop3A_153 = arith.addf %parallel_loop3A_152, %parallel_loop3A_150 : vector<16xf32>
          %parallel_loop3A_154 = arith.mulf %parallel_loop3A_144, %parallel_loop3A_153 : vector<16xf32>
          %parallel_loop3A_155 = arith.constant 0.333333343 : f32
          %parallel_loop3A_156 = vector.broadcast %parallel_loop3A_155 : f32 to vector<16xf32>
          %parallel_loop3A_157 = arith.addf %parallel_loop3A_156, %parallel_loop3A_154 : vector<16xf32>
          %parallel_loop3A_158 = arith.mulf %parallel_loop3A_144, %parallel_loop3A_157 : vector<16xf32>
          %parallel_loop3A_159 = arith.constant 1.000000e+00 : f32
          %parallel_loop3A_160 = vector.broadcast %parallel_loop3A_159 : f32 to vector<16xf32>
          %parallel_loop3A_161 = arith.addf %parallel_loop3A_160, %parallel_loop3A_158 : vector<16xf32>
          %parallel_loop3A_162 = arith.mulf %parallel_loop3A_147, %parallel_loop3A_161 : vector<16xf32>
          %parallel_loop3A_163 = arith.sitofp %parallel_loop3A_136 : vector<16xi32> to vector<16xf32>
          %parallel_loop3A_164 = arith.constant 0.693147182 : f32
          %parallel_loop3A_165 = vector.broadcast %parallel_loop3A_164 : f32 to vector<16xf32>
          %parallel_loop3A_166 = arith.mulf %parallel_loop3A_163, %parallel_loop3A_165 : vector<16xf32>
          %parallel_loop3A_167 = arith.addf %parallel_loop3A_166, %parallel_loop3A_162 : vector<16xf32>
          %parallel_loop3A_168 = arith.subf %get3A_3, %parallel_loop3A_167 : vector<16xf32>
          %parallel_loop3A_169 = arith.index_cast %parallel_loop3A_64 : i32 to index
          %parallel_loop3A_170 = tpu.vector_load %arg21[%parallel_loop3A_169] {strides = array<i32>} : memref<2000xf32, #tpu.memory_space<vmem>>, vector<16xf32>,
          tpu.vector_store %arg21[%parallel_loop3A_169], %parallel_loop3A_168 {strides = array<i32>} : memref<2000xf32, #tpu.memory_space<vmem>>, vector<16xf32>,
        } {sc.loop_unroll_factor = 8 : i64, sc.parallel_access}
        "tpu.region"() ({
          %run_scoped3A = tpu.sem_alloc : memref<!tpu.dma_semaphore, #tpu.memory_space<semaphore_mem>>
          %dma_start3A_64 = tpu.memref_slice %arg7[%mul3A_57] : memref<1000000xf32, #tpu.memory_space<hbm>> -> memref<2000xf32, #tpu.memory_space<hbm>>
          %dma_start3A_65 = tpu.memref_slice %arg7[%mul3A_57] : memref<1000000xf32, #tpu.memory_space<hbm>> -> memref<2000xf32, #tpu.memory_space<hbm>>
          tpu.enqueue_dma source(%arg21 : memref<2000xf32, #tpu.memory_space<vmem>>) target(%dma_start3A_65 : memref<2000xf32, #tpu.memory_space<hbm>>) target_semaphore(%run_scoped3A : memref<!tpu.dma_semaphore, #tpu.memory_space<semaphore_mem>>)
          %dma_wait3A_66 = tpu.memref_slice %arg7[%mul3A_57] : memref<1000000xf32, #tpu.memory_space<hbm>> -> memref<2000xf32, #tpu.memory_space<hbm>>
          %dma_wait3A_67 = tpu.memref_slice %arg7[%mul3A_57] : memref<1000000xf32, #tpu.memory_space<hbm>> -> memref<2000xf32, #tpu.memory_space<hbm>>
          tpu.wait_dma2 semaphore(%run_scoped3A : memref<!tpu.dma_semaphore, #tpu.memory_space<semaphore_mem>>) src(%arg21 : memref<2000xf32, #tpu.memory_space<vmem>>) dst(%dma_wait3A_67 : memref<2000xf32, #tpu.memory_space<hbm>>)
          tpu.yield
        }) : () -> ()
      } else {
      }
      %mul3A_41 = arith.constant 2 : i32
      %mul3A_42 = arith.muli %mul3A_41, %scan3A_26 : i32
      %add3A_43 = arith.constant 1 : i32
      %add3A_44 = arith.addi %mul3A_42, %add3A_43 : i32
      %add3A_45 = arith.constant 1 : i32
      %add3A_46 = arith.addi %add3A_44, %add3A_45 : i32
      %lt3A_47 = arith.cmpi slt, %add3A_46, %add3A_11 : i32
      %convert_element_type3A_48 = arith.extui %lt3A_47 : i1 to i32
      %cond3A_49 = arith.constant 0 : i32
      %cond3A_50 = arith.cmpi ne, %convert_element_type3A_48, %cond3A_49 : i32
      scf.if %cond3A_50 {
        %add3A_55 = arith.addi %add3A_7, %add3A_46 : i32
        %mul3A_56 = arith.constant 2000 : i32
        %mul3A_57 = arith.muli %add3A_55, %mul3A_56 : i32
        "tpu.region"() ({
          %run_scoped3A = tpu.sem_alloc : memref<!tpu.dma_semaphore, #tpu.memory_space<semaphore_mem>>
          %dma_start3A_65 = tpu.memref_slice %arg2[%mul3A_57] : memref<1000000xi32, #tpu.memory_space<hbm>> -> memref<2000xi32, #tpu.memory_space<hbm>>
          %dma_start3A_66 = tpu.memref_slice %arg2[%mul3A_57] : memref<1000000xi32, #tpu.memory_space<hbm>> -> memref<2000xi32, #tpu.memory_space<hbm>>
          tpu.enqueue_dma source(%dma_start3A_66 : memref<2000xi32, #tpu.memory_space<hbm>>) target(%arg8 : memref<2000xi32, #tpu.memory_space<vmem>>) target_semaphore(%run_scoped3A : memref<!tpu.dma_semaphore, #tpu.memory_space<semaphore_mem>>)
          %dma_wait3A = tpu.memref_slice %arg2[%mul3A_57] : memref<1000000xi32, #tpu.memory_space<hbm>> -> memref<2000xi32, #tpu.memory_space<hbm>>
          %dma_wait3A_67 = tpu.memref_slice %arg2[%mul3A_57] : memref<1000000xi32, #tpu.memory_space<hbm>> -> memref<2000xi32, #tpu.memory_space<hbm>>
          tpu.wait_dma2 semaphore(%run_scoped3A : memref<!tpu.dma_semaphore, #tpu.memory_space<semaphore_mem>>) src(%dma_wait3A_67 : memref<2000xi32, #tpu.memory_space<hbm>>) dst(%arg8 : memref<2000xi32, #tpu.memory_space<vmem>>)
          tpu.yield
        }) : () -> ()
        %parallel_loop3A_58 = arith.constant 0 : i32
        %parallel_loop3A_59 = arith.constant 2000 : i32
        %parallel_loop3A_60 = arith.constant 16 : i32
        scf.for %parallel_loop3A_65 = %parallel_loop3A_58 to %parallel_loop3A_59 step %parallel_loop3A_60  : i32 {
          %parallel_loop3A_66 = arith.index_cast %parallel_loop3A_65 : i32 to index
          %parallel_loop3A_67 = tpu.vector_load %arg8[%parallel_loop3A_66] {strides = array<i32>} : memref<2000xi32, #tpu.memory_space<vmem>>, vector<16xi32>,
          %parallel_loop3A_68 = arith.constant 1023 : i32
          %parallel_loop3A_69 = vector.broadcast %parallel_loop3A_68 : i32 to vector<16xi32>
          %parallel_loop3A_70 = arith.andi %parallel_loop3A_67, %parallel_loop3A_69 : vector<16xi32>
          %parallel_loop3A_71 = arith.constant 10 : i32
          %parallel_loop3A_72 = vector.broadcast %parallel_loop3A_71 : i32 to vector<16xi32>
          %parallel_loop3A_73 = arith.shrui %parallel_loop3A_67, %parallel_loop3A_72 : vector<16xi32>
          %parallel_loop3A_74 = arith.constant 1 : i32
          %parallel_loop3A_75 = vector.broadcast %parallel_loop3A_74 : i32 to vector<16xi32>
          %parallel_loop3A_76 = arith.subi %parallel_loop3A_73, %parallel_loop3A_75 : vector<16xi32>
          %parallel_loop3A_77 = arith.index_cast %parallel_loop3A_65 : i32 to index
          %parallel_loop3A_78 = tpu.vector_load %arg9[%parallel_loop3A_77] {strides = array<i32>} : memref<2000xi32, #tpu.memory_space<vmem>>, vector<16xi32>,
          tpu.vector_store %arg9[%parallel_loop3A_77], %parallel_loop3A_76 {strides = array<i32>} : memref<2000xi32, #tpu.memory_space<vmem>>, vector<16xi32>,
          %parallel_loop3A_79 = arith.constant 1 : i32
          %parallel_loop3A_80 = vector.broadcast %parallel_loop3A_79 : i32 to vector<16xi32>
          %parallel_loop3A_81 = arith.addi %parallel_loop3A_76, %parallel_loop3A_80 : vector<16xi32>
          %parallel_loop3A_82 = arith.index_cast %parallel_loop3A_65 : i32 to index
          %parallel_loop3A_83 = tpu.vector_load %arg11[%parallel_loop3A_82] {strides = array<i32>} : memref<2000xi32, #tpu.memory_space<vmem>>, vector<16xi32>,
          tpu.vector_store %arg11[%parallel_loop3A_82], %parallel_loop3A_81 {strides = array<i32>} : memref<2000xi32, #tpu.memory_space<vmem>>, vector<16xi32>,
          %parallel_loop3A_84 = arith.constant 20 : i32
          %parallel_loop3A_85 = vector.broadcast %parallel_loop3A_84 : i32 to vector<16xi32>
          %parallel_loop3A_86 = arith.shrui %parallel_loop3A_67, %parallel_loop3A_85 : vector<16xi32>
          %parallel_loop3A_87 = tpu.vector_load_idx %arg22[%parallel_loop3A_86] : memref<1000xf32, #tpu.memory_space<vmem>>[vector<16xi32>], vector<16xf32>,
          %parallel_loop3A_88 = arith.index_cast %parallel_loop3A_65 : i32 to index
          %parallel_loop3A_89 = tpu.vector_load %arg17[%parallel_loop3A_88] {strides = array<i32>} : memref<2000xf32, #tpu.memory_space<vmem>>, vector<16xf32>,
          tpu.vector_store %arg17[%parallel_loop3A_88], %parallel_loop3A_87 {strides = array<i32>} : memref<2000xf32, #tpu.memory_space<vmem>>, vector<16xf32>,
          %parallel_loop3A_90 = tpu.vector_load_idx %arg23[%parallel_loop3A_70] : memref<1000xf32, #tpu.memory_space<vmem>>[vector<16xi32>], vector<16xf32>,
          %parallel_loop3A_91 = arith.index_cast %parallel_loop3A_65 : i32 to index
          %parallel_loop3A_92 = tpu.vector_load %arg19[%parallel_loop3A_91] {strides = array<i32>} : memref<2000xf32, #tpu.memory_space<vmem>>, vector<16xf32>,
          tpu.vector_store %arg19[%parallel_loop3A_91], %parallel_loop3A_90 {strides = array<i32>} : memref<2000xf32, #tpu.memory_space<vmem>>, vector<16xf32>,
        } {sc.loop_unroll_factor = 8 : i64, sc.parallel_access}
        %dma_start3A_61 = arith.constant 0 : i32
        %dma_start3A_62 = tpu.memref_slice %arg25[%dma_start3A_61] : memref<1024000xf32, #tpu.memory_space<vmem_shared>> -> memref<1024000xf32, #tpu.memory_space<vmem_shared>>
        tpu.enqueue_indirect_dma source(%dma_start3A_62 : memref<1024000xf32, #tpu.memory_space<vmem_shared>>) target(%arg13 : memref<2000xf32, #tpu.memory_space<vmem>>) offsets(%arg9 : memref<2000xi32, #tpu.memory_space<vmem>>) semaphore(%arg26 : memref<!tpu.dma_semaphore, #tpu.memory_space<semaphore_mem>>)
        %dma_start3A_63 = arith.constant 0 : i32
        %dma_start3A_64 = tpu.memref_slice %arg25[%dma_start3A_63] : memref<1024000xf32, #tpu.memory_space<vmem_shared>> -> memref<1024000xf32, #tpu.memory_space<vmem_shared>>
        tpu.enqueue_indirect_dma source(%dma_start3A_64 : memref<1024000xf32, #tpu.memory_space<vmem_shared>>) target(%arg15 : memref<2000xf32, #tpu.memory_space<vmem>>) offsets(%arg11 : memref<2000xi32, #tpu.memory_space<vmem>>) semaphore(%arg26 : memref<!tpu.dma_semaphore, #tpu.memory_space<semaphore_mem>>)
      } else {
      }
      %lt3A_51 = arith.cmpi slt, %add3A_44, %add3A_11 : i32
      %convert_element_type3A_52 = arith.extui %lt3A_51 : i1 to i32
      %cond3A_53 = arith.constant 0 : i32
      %cond3A_54 = arith.cmpi ne, %convert_element_type3A_52, %cond3A_53 : i32
      scf.if %cond3A_54 {
        %add3A_55 = arith.addi %add3A_7, %add3A_44 : i32
        %mul3A_56 = arith.constant 2000 : i32
        %mul3A_57 = arith.muli %add3A_55, %mul3A_56 : i32
        %dma_wait3A = arith.constant 0 : i32
        %dma_wait3A_58 = tpu.memref_slice %arg25[%dma_wait3A] : memref<1024000xf32, #tpu.memory_space<vmem_shared>> -> memref<1024000xf32, #tpu.memory_space<vmem_shared>>
        tpu.wait_indirect_dma semaphore(%arg27 : memref<!tpu.dma_semaphore, #tpu.memory_space<semaphore_mem>>) src(%dma_wait3A_58 : memref<1024000xf32, #tpu.memory_space<vmem_shared>>) dst(%arg14 : memref<2000xf32, #tpu.memory_space<vmem>>)
        %dma_wait3A_59 = arith.constant 0 : i32
        %dma_wait3A_60 = tpu.memref_slice %arg25[%dma_wait3A_59] : memref<1024000xf32, #tpu.memory_space<vmem_shared>> -> memref<1024000xf32, #tpu.memory_space<vmem_shared>>
        tpu.wait_indirect_dma semaphore(%arg27 : memref<!tpu.dma_semaphore, #tpu.memory_space<semaphore_mem>>) src(%dma_wait3A_60 : memref<1024000xf32, #tpu.memory_space<vmem_shared>>) dst(%arg16 : memref<2000xf32, #tpu.memory_space<vmem>>)
        %parallel_loop3A_61 = arith.constant 0 : i32
        %parallel_loop3A_62 = arith.constant 2000 : i32
        %parallel_loop3A_63 = arith.constant 16 : i32
        scf.for %parallel_loop3A_64 = %parallel_loop3A_61 to %parallel_loop3A_62 step %parallel_loop3A_63  : i32 {
          %parallel_loop3A_65 = arith.index_cast %parallel_loop3A_64 : i32 to index
          %parallel_loop3A_66 = tpu.vector_load %arg14[%parallel_loop3A_65] {strides = array<i32>} : memref<2000xf32, #tpu.memory_space<vmem>>, vector<16xf32>,
          %parallel_loop3A_67 = arith.index_cast %parallel_loop3A_64 : i32 to index
          %parallel_loop3A_68 = tpu.vector_load %arg16[%parallel_loop3A_67] {strides = array<i32>} : memref<2000xf32, #tpu.memory_space<vmem>>, vector<16xf32>,
          %parallel_loop3A_69 = arith.index_cast %parallel_loop3A_64 : i32 to index
          %parallel_loop3A_70 = tpu.vector_load %arg18[%parallel_loop3A_69] {strides = array<i32>} : memref<2000xf32, #tpu.memory_space<vmem>>, vector<16xf32>,
          %parallel_loop3A_71 = arith.index_cast %parallel_loop3A_64 : i32 to index
          %parallel_loop3A_72 = tpu.vector_load %arg20[%parallel_loop3A_71] {strides = array<i32>} : memref<2000xf32, #tpu.memory_space<vmem>>, vector<16xf32>,
          %parallel_loop3A_73 = arith.subf %parallel_loop3A_72, %parallel_loop3A_66 : vector<16xf32>
          %parallel_loop3A_74 = arith.mulf %parallel_loop3A_70, %parallel_loop3A_73 : vector<16xf32>
          %parallel_loop3A_75 = arith.constant -8.500000e+01 : f32
          %parallel_loop3A_76 = arith.constant 8.500000e+01 : f32
          %parallel_loop3A_77 = vector.broadcast %parallel_loop3A_75 : f32 to vector<16xf32>
          %parallel_loop3A_78 = arith.maximumf %parallel_loop3A_77, %parallel_loop3A_74 : vector<16xf32>
          %parallel_loop3A_79 = vector.broadcast %parallel_loop3A_76 : f32 to vector<16xf32>
          %parallel_loop3A_80 = arith.minimumf %parallel_loop3A_79, %parallel_loop3A_78 : vector<16xf32>
          %parallel_loop3A_81 = arith.subf %parallel_loop3A_72, %parallel_loop3A_68 : vector<16xf32>
          %parallel_loop3A_82 = arith.mulf %parallel_loop3A_70, %parallel_loop3A_81 : vector<16xf32>
          %parallel_loop3A_83 = arith.constant -8.500000e+01 : f32
          %parallel_loop3A_84 = arith.constant 8.500000e+01 : f32
          %parallel_loop3A_85 = vector.broadcast %parallel_loop3A_83 : f32 to vector<16xf32>
          %parallel_loop3A_86 = arith.maximumf %parallel_loop3A_85, %parallel_loop3A_82 : vector<16xf32>
          %parallel_loop3A_87 = vector.broadcast %parallel_loop3A_84 : f32 to vector<16xf32>
          %parallel_loop3A_88 = arith.minimumf %parallel_loop3A_87, %parallel_loop3A_86 : vector<16xf32>
          %parallel_loop3A_89 = arith.constant 0.000000e+00 : f32
          %parallel_loop3A_90 = vector.broadcast %parallel_loop3A_89 : f32 to vector<16xf32>
          %parallel_loop3A_91 = arith.subf %parallel_loop3A_90, %parallel_loop3A_80 : vector<16xf32>
          %parallel_loop3A_92 = math.exp %parallel_loop3A_91 : vector<16xf32>
          %parallel_loop3A_93 = arith.constant 1.000000e+00 : f32
          %parallel_loop3A_94 = vector.broadcast %parallel_loop3A_93 : f32 to vector<16xf32>
          %parallel_loop3A_95 = arith.addf %parallel_loop3A_94, %parallel_loop3A_92 : vector<16xf32>
          %parallel_loop3A_96 = arith.constant 1.000000e+00 : f32
          %parallel_loop3A_97 = vector.broadcast %parallel_loop3A_96 : f32 to vector<16xf32>
          %parallel_loop3A_98 = arith.divf %parallel_loop3A_97, %parallel_loop3A_95 : vector<16xf32>
          %parallel_loop3A_99 = arith.constant 0.000000e+00 : f32
          %parallel_loop3A_100 = vector.broadcast %parallel_loop3A_99 : f32 to vector<16xf32>
          %parallel_loop3A_101 = arith.subf %parallel_loop3A_100, %parallel_loop3A_88 : vector<16xf32>
          %parallel_loop3A_102 = math.exp %parallel_loop3A_101 : vector<16xf32>
          %parallel_loop3A_103 = arith.constant 1.000000e+00 : f32
          %parallel_loop3A_104 = vector.broadcast %parallel_loop3A_103 : f32 to vector<16xf32>
          %parallel_loop3A_105 = arith.addf %parallel_loop3A_104, %parallel_loop3A_102 : vector<16xf32>
          %parallel_loop3A_106 = arith.constant 1.000000e+00 : f32
          %parallel_loop3A_107 = vector.broadcast %parallel_loop3A_106 : f32 to vector<16xf32>
          %parallel_loop3A_108 = arith.divf %parallel_loop3A_107, %parallel_loop3A_105 : vector<16xf32>
          %parallel_loop3A_109 = arith.subf %parallel_loop3A_98, %parallel_loop3A_108 : vector<16xf32>
          %parallel_loop3A_110 = tpu.bitcast %parallel_loop3A_109 : vector<16xf32> -> vector<16xi32>
          %parallel_loop3A_111 = arith.constant 23 : i32
          %parallel_loop3A_112 = vector.broadcast %parallel_loop3A_111 : i32 to vector<16xi32>
          %parallel_loop3A_113 = arith.shrui %parallel_loop3A_110, %parallel_loop3A_112 : vector<16xi32>
          %parallel_loop3A_114 = arith.constant 127 : i32
          %parallel_loop3A_115 = vector.broadcast %parallel_loop3A_114 : i32 to vector<16xi32>
          %parallel_loop3A_116 = arith.subi %parallel_loop3A_113, %parallel_loop3A_115 : vector<16xi32>
          %parallel_loop3A_117 = arith.constant 8388607 : i32
          %parallel_loop3A_118 = vector.broadcast %parallel_loop3A_117 : i32 to vector<16xi32>
          %parallel_loop3A_119 = arith.andi %parallel_loop3A_110, %parallel_loop3A_118 : vector<16xi32>
          %parallel_loop3A_120 = arith.constant 1065353216 : i32
          %parallel_loop3A_121 = vector.broadcast %parallel_loop3A_120 : i32 to vector<16xi32>
          %parallel_loop3A_122 = arith.ori %parallel_loop3A_119, %parallel_loop3A_121 : vector<16xi32>
          %parallel_loop3A_123 = tpu.bitcast %parallel_loop3A_122 : vector<16xi32> -> vector<16xf32>
          %parallel_loop3A_124 = arith.constant 1.41421354 : f32
          %parallel_loop3A_125 = vector.broadcast %parallel_loop3A_124 : f32 to vector<16xf32>
          %parallel_loop3A_126 = arith.cmpf oge, %parallel_loop3A_123, %parallel_loop3A_125 : vector<16xf32>
          %parallel_loop3A_127 = arith.constant 5.000000e-01 : f32
          %parallel_loop3A_128 = vector.broadcast %parallel_loop3A_127 : f32 to vector<16xf32>
          %parallel_loop3A_129 = arith.mulf %parallel_loop3A_123, %parallel_loop3A_128 : vector<16xf32>
          %parallel_loop3A_130 = arith.select %parallel_loop3A_126, %parallel_loop3A_129, %parallel_loop3A_123 : vector<16xi1>, vector<16xf32>
          %parallel_loop3A_131 = arith.constant 1 : i32
          %parallel_loop3A_132 = arith.constant 0 : i32
          %parallel_loop3A_133 = vector.broadcast %parallel_loop3A_131 : i32 to vector<16xi32>
          %parallel_loop3A_134 = vector.broadcast %parallel_loop3A_132 : i32 to vector<16xi32>
          %parallel_loop3A_135 = arith.select %parallel_loop3A_126, %parallel_loop3A_133, %parallel_loop3A_134 : vector<16xi1>, vector<16xi32>
          %parallel_loop3A_136 = arith.addi %parallel_loop3A_116, %parallel_loop3A_135 : vector<16xi32>
          %parallel_loop3A_137 = arith.constant 1.000000e+00 : f32
          %parallel_loop3A_138 = vector.broadcast %parallel_loop3A_137 : f32 to vector<16xf32>
          %parallel_loop3A_139 = arith.subf %parallel_loop3A_130, %parallel_loop3A_138 : vector<16xf32>
          %parallel_loop3A_140 = arith.constant 1.000000e+00 : f32
          %parallel_loop3A_141 = vector.broadcast %parallel_loop3A_140 : f32 to vector<16xf32>
          %parallel_loop3A_142 = arith.addf %parallel_loop3A_130, %parallel_loop3A_141 : vector<16xf32>
          %parallel_loop3A_143 = arith.divf %parallel_loop3A_139, %parallel_loop3A_142 : vector<16xf32>
          %parallel_loop3A_144 = arith.mulf %parallel_loop3A_143, %parallel_loop3A_143 : vector<16xf32>
          %parallel_loop3A_145 = arith.constant 2.000000e+00 : f32
          %parallel_loop3A_146 = vector.broadcast %parallel_loop3A_145 : f32 to vector<16xf32>
          %parallel_loop3A_147 = arith.mulf %parallel_loop3A_146, %parallel_loop3A_143 : vector<16xf32>
          %parallel_loop3A_148 = arith.constant 0.142857149 : f32
          %parallel_loop3A_149 = vector.broadcast %parallel_loop3A_148 : f32 to vector<16xf32>
          %parallel_loop3A_150 = arith.mulf %parallel_loop3A_144, %parallel_loop3A_149 : vector<16xf32>
          %parallel_loop3A_151 = arith.constant 2.000000e-01 : f32
          %parallel_loop3A_152 = vector.broadcast %parallel_loop3A_151 : f32 to vector<16xf32>
          %parallel_loop3A_153 = arith.addf %parallel_loop3A_152, %parallel_loop3A_150 : vector<16xf32>
          %parallel_loop3A_154 = arith.mulf %parallel_loop3A_144, %parallel_loop3A_153 : vector<16xf32>
          %parallel_loop3A_155 = arith.constant 0.333333343 : f32
          %parallel_loop3A_156 = vector.broadcast %parallel_loop3A_155 : f32 to vector<16xf32>
          %parallel_loop3A_157 = arith.addf %parallel_loop3A_156, %parallel_loop3A_154 : vector<16xf32>
          %parallel_loop3A_158 = arith.mulf %parallel_loop3A_144, %parallel_loop3A_157 : vector<16xf32>
          %parallel_loop3A_159 = arith.constant 1.000000e+00 : f32
          %parallel_loop3A_160 = vector.broadcast %parallel_loop3A_159 : f32 to vector<16xf32>
          %parallel_loop3A_161 = arith.addf %parallel_loop3A_160, %parallel_loop3A_158 : vector<16xf32>
          %parallel_loop3A_162 = arith.mulf %parallel_loop3A_147, %parallel_loop3A_161 : vector<16xf32>
          %parallel_loop3A_163 = arith.sitofp %parallel_loop3A_136 : vector<16xi32> to vector<16xf32>
          %parallel_loop3A_164 = arith.constant 0.693147182 : f32
          %parallel_loop3A_165 = vector.broadcast %parallel_loop3A_164 : f32 to vector<16xf32>
          %parallel_loop3A_166 = arith.mulf %parallel_loop3A_163, %parallel_loop3A_165 : vector<16xf32>
          %parallel_loop3A_167 = arith.addf %parallel_loop3A_166, %parallel_loop3A_162 : vector<16xf32>
          %parallel_loop3A_168 = arith.subf %get3A_3, %parallel_loop3A_167 : vector<16xf32>
          %parallel_loop3A_169 = arith.index_cast %parallel_loop3A_64 : i32 to index
          %parallel_loop3A_170 = tpu.vector_load %arg21[%parallel_loop3A_169] {strides = array<i32>} : memref<2000xf32, #tpu.memory_space<vmem>>, vector<16xf32>,
          tpu.vector_store %arg21[%parallel_loop3A_169], %parallel_loop3A_168 {strides = array<i32>} : memref<2000xf32, #tpu.memory_space<vmem>>, vector<16xf32>,
        } {sc.loop_unroll_factor = 8 : i64, sc.parallel_access}
        "tpu.region"() ({
          %run_scoped3A = tpu.sem_alloc : memref<!tpu.dma_semaphore, #tpu.memory_space<semaphore_mem>>
          %dma_start3A_64 = tpu.memref_slice %arg7[%mul3A_57] : memref<1000000xf32, #tpu.memory_space<hbm>> -> memref<2000xf32, #tpu.memory_space<hbm>>
          %dma_start3A_65 = tpu.memref_slice %arg7[%mul3A_57] : memref<1000000xf32, #tpu.memory_space<hbm>> -> memref<2000xf32, #tpu.memory_space<hbm>>
          tpu.enqueue_dma source(%arg21 : memref<2000xf32, #tpu.memory_space<vmem>>) target(%dma_start3A_65 : memref<2000xf32, #tpu.memory_space<hbm>>) target_semaphore(%run_scoped3A : memref<!tpu.dma_semaphore, #tpu.memory_space<semaphore_mem>>)
          %dma_wait3A_66 = tpu.memref_slice %arg7[%mul3A_57] : memref<1000000xf32, #tpu.memory_space<hbm>> -> memref<2000xf32, #tpu.memory_space<hbm>>
          %dma_wait3A_67 = tpu.memref_slice %arg7[%mul3A_57] : memref<1000000xf32, #tpu.memory_space<hbm>> -> memref<2000xf32, #tpu.memory_space<hbm>>
          tpu.wait_dma2 semaphore(%run_scoped3A : memref<!tpu.dma_semaphore, #tpu.memory_space<semaphore_mem>>) src(%arg21 : memref<2000xf32, #tpu.memory_space<vmem>>) dst(%dma_wait3A_67 : memref<2000xf32, #tpu.memory_space<hbm>>)
          tpu.yield
        }) : () -> ()
      } else {
      }
    }
    %scan3A_25 = arith.constant 8 : i32
    return
  }
}

</mosaic_0001>

<sc_bundles>
// kernel: _sc_call.3.cloned.1.call-start
scs
__scs_entry_jumppad:
0x0: {  	(pc) =	sbr.rel $0x88, $3  }
0x1: {  	(tag) =	ssettag $0x0;
	lr =	simm.s32 $0x1  }
0x2: {  	[smem:$0x3F9C] =	sst lr;
	_ =	strace $0xD0000000  }
0x3: {  	_ = 	snop  }
0x4: {  	_ = 	snop  }
0x5: {  	_ = 	snop  }
0x6: {  	_ = 	snop  }
0x7: {  	_ = 	snop  }
__scs_overlays_trampoline_lowered:
0x8: {  	[smem:$0x3FAB] =	sst s0  }
0x9: {  	[smem:$0x3FAC] =	sst s1  }
0xa: {  	[smem:$0x3FAD] =	sst s2  }
0xb: {  	[smem:$0x3FAE] =	sst s3  }
0xc: {  	[smem:$0x3FAF] =	sst s4  }
0xd: {  	[smem:$0x3FB0] =	sst s5  }
0xe: {  	[smem:$0x3FB1] =	sst s6  }
0xf: {  	[smem:$0x3FB2] =	sst s7  }
0x10: {  	[smem:$0x3FB3] =	sst s8  }
0x11: {  	[smem:$0x3FB4] =	sst s9;
	s0 =	simm.s32 @!p0 $0x0  }
0x12: {  	s1 =	sld [smem:$0x3F9A];
	s0 =	simm.s32 @p0 $0x1  }
0x13: {  	[smem:$0x3FB5] =	sst s0;
	s0 =	simm.s32 @!p1 $0x0  }
0x14: {  	s2 =	sld [smem:$0x3F99];
	s0 =	simm.s32 @p1 $0x1  }
0x15: {  	[smem:$0x3FB6] =	sst s0;
	s0 =	simm.s32 @!p2 $0x0  }
0x16: {  	s3 =	sld [smem:$0x3FDB];
	s0 =	simm.s32 @p2 $0x1  }
0x17: {  	s4 =	simm.s32 $0x1BF5;
	[smem:$0x3FB8] =	sst s0  }
0x18: {  	s0 =	sld [smem:$0x3F9B];
	_ =	swait.ge [sflag:s4], $0x0  }
0x19: {  	s7 =	sld [smem:$0x3F9C]  }
0x1a: {  	s8 =	sadd.s32 $0xFFFFE003, lr  }
0x1b: {  	s9 =	sadd.s32 $0xFFFFFEF7, lr;
	s5 =	simm.s32 $0xFFFFFFFF;
	p2 =	slt.u32 s8, $0xFFFFF086  }
0x1c: {  	p1 =	slt.u32 s9, $0xF7A;
	s5 =	simm.s32 @!p2 $0x0  }
0x1d: {  	s5 =	simm.s32 @p1 $0x1;
	p0 =	seq.s32 s7, s2  }
0x1e: {  	s7 =	smul.u32 @!p0 $0xF7A, s2;
	p2 =	seq.s32 @!p0 s5, $0x0  }
0x1f: {  	s9 =	smul.u32 $0xF7A, s1;
	s8 =	simm.s32 @!p0 $0x1BF5;
	p2 =	por !p2, p0  }
0x20: {  	[sflag:s8] =	ssyncset.s32 @!p0 $0xFFFFF086;
	s6 =	sadd.s32 @!p0 s3, s7;
	s7 =	simm.s32 @!p0 $0x108  }
0x21: {  	s3 =	sadd.s32 s3, s9;
	s6 =	sadd.s32 @!p0 $0x88, s6;
	s7 =	simm.s32 @p2 $0x1082  }
0x22: {  	[simem:s7], [sflag:s8] =	dma.local @!p0 [hbm:s6], $0xF7A  }
0x23: {  	s9 =	sor.u32 $0xD0000000, s2;
	s6 =	simm.s32 $0x108;
	_ =	swait.ge @!p0 [sflag:s8], $0x0  }
0x24: {  	s3 =	sadd.s32 $0x88, s3;
	s6 =	simm.s32 @!p1 $0x1082;
	[sflag:s4] =	ssyncset.s32 $0xFFFFF086  }
0x25: {  	[simem:s6], [sflag:s4] =	dma.local [hbm:s3], $0xF7A  }
0x26: {  	[smem:$0x3F9C] =	sst s1;
	(tag) =	ssettag s2;
	_ =	strace s9  }
0x27: {  	s1 =	sld [smem:$0x3FAC]  }
0x28: {  	s2 =	sld [smem:$0x3FAD]  }
0x29: {  	s4 =	sld [smem:$0x3FAF]  }
0x2a: {  	p0 =	seq.s32 s5, $0x0;
	s5 =	sld [smem:$0x3FB0]  }
0x2b: {  	s6 =	sld [smem:$0x3FB1]  }
0x2c: {  	s7 =	sld [smem:$0x3FB2]  }
0x2d: {  	s3 =	simm.s32 $0x108;
	s8 =	sld [smem:$0x3FB3]  }
0x2e: {  	s3 =	simm.s32 @!p0 $0x1082;
	s9 =	sld [smem:$0x3FB4]  }
0x2f: {  	lr =	sadd.s32 s0, s3;
	s0 =	sld [smem:$0x3FAB]  }
0x30: {  	s3 =	sld [smem:$0x3FAE]  }
0x31: {  	[smem:$0x3FB7] =	sst s10  }
0x32: {  	s10 =	sld [smem:$0x3FB5];
	_ =	sdelay $0x3  }
0x33: {  	p0 =	seq.s32 s10, $0x1;
	s10 =	sld [smem:$0x3FB7];
	_ =	sdelay $0x3  }
0x34: {  	[smem:$0x3FB7] =	sst s10  }
0x35: {  	s10 =	sld [smem:$0x3FB6];
	_ =	sdelay $0x3  }
0x36: {  	p1 =	seq.s32 s10, $0x1;
	s10 =	sld [smem:$0x3FB7];
	_ =	sdelay $0x3  }
0x37: {  	[smem:$0x3FB7] =	sst s10  }
0x38: {  	s10 =	sld [smem:$0x3FB8]  }
0x39: {  	_ = 	snop;
	(pc) =	sbr.ind lr, $3  }
0x3a: {  	_ = 	snop  }
0x3b: {  	_ = 	snop  }
0x3c: {  	p2 =	seq.s32 s10, $0x1;
	s10 =	sld [smem:$0x3FB7]  }
0x3d: {  	_ =	shalt  }
0x3e: {  	_ =	shalt  }
0x3f: {  	_ =	shalt  }
0x40: {  	_ =	shalt  }
0x41: {  	_ =	shalt  }
0x42: {  	_ =	shalt  }
0x43: {  	_ =	shalt  }
0x44: {  	_ =	shalt  }
0x45: {  	_ =	shalt  }
0x46: {  	_ =	shalt  }
0x47: {  	_ =	shalt  }
0x48: {  	_ =	shalt  }
0x49: {  	_ =	shalt  }
0x4a: {  	_ =	shalt  }
0x4b: {  	_ =	shalt  }
0x4c: {  	_ =	shalt  }
0x4d: {  	_ =	shalt  }
0x4e: {  	_ =	shalt  }
0x4f: {  	_ =	shalt  }
0x50: {  	_ =	shalt  }
0x51: {  	_ =	shalt  }
0x52: {  	_ =	shalt  }
0x53: {  	_ =	shalt  }
0x54: {  	_ =	shalt  }
0x55: {  	_ =	shalt  }
0x56: {  	_ =	shalt  }
0x57: {  	_ =	shalt  }
0x58: {  	_ =	shalt  }
0x59: {  	_ =	shalt  }
0x5a: {  	_ =	shalt  }
0x5b: {  	_ =	shalt  }
0x5c: {  	_ =	shalt  }
0x5d: {  	_ =	shalt  }
0x5e: {  	_ =	shalt  }
0x5f: {  	_ =	shalt  }
0x60: {  	_ =	shalt  }
0x61: {  	_ =	shalt  }
0x62: {  	_ =	shalt  }
0x63: {  	_ =	shalt  }
0x64: {  	_ =	shalt  }
0x65: {  	_ =	shalt  }
0x66: {  	_ =	shalt  }
0x67: {  	_ =	shalt  }
0x68: {  	_ =	shalt  }
0x69: {  	_ =	shalt  }
0x6a: {  	_ =	shalt  }
0x6b: {  	_ =	shalt  }
0x6c: {  	_ =	shalt  }
0x6d: {  	_ =	shalt  }
0x6e: {  	_ =	shalt  }
0x6f: {  	_ =	shalt  }
0x70: {  	_ =	shalt  }
0x71: {  	_ =	shalt  }
0x72: {  	_ =	shalt  }
0x73: {  	_ =	shalt  }
0x74: {  	_ =	shalt  }
0x75: {  	_ =	shalt  }
0x76: {  	_ =	shalt  }
0x77: {  	_ =	shalt  }
0x78: {  	_ =	shalt  }
0x79: {  	_ =	shalt  }
0x7a: {  	_ =	shalt  }
0x7b: {  	_ =	shalt  }
0x7c: {  	_ =	shalt  }
0x7d: {  	_ =	shalt  }
0x7e: {  	_ =	shalt  }
0x7f: {  	_ =	shalt  }
0x80: {  	_ =	shalt  }
0x81: {  	_ =	shalt  }
0x82: {  	_ =	shalt  }
0x83: {  	_ =	shalt  }
0x84: {  	_ =	shalt  }
0x85: {  	_ =	shalt  }
0x86: {  	_ =	shalt  }
0x87: {  	_ =	shalt  }
.Lfunc_end0:
.L_simem_size_0:
called_computation_lowered:
.L_overlay_start_0:
0x88: {  	s2 =	sld [smem:$0x3FD9]  }
0x89: {  	s3 =	sld [smem:$0x3FFE];
	_ =	sdelay $0x1  }
0x8a: {  	s1 =	srdreg.scid  }
0x8b: {  	s0 =	sand.u32 $0x1, s1  }
0x8c: {  	s18 =	sshll.u32 s0, $0xA;
	s2 =	sadd.s32 s3, s2  }
0x8d: {  	s2 =	sadd.s32 s2, s18  }
0x8e: {  	[smem:$0x3FC3] =	sst s2  }
0x8f: {  	_ = 	snop  }
0x90: {  	s2 =	sld [smem:$0x3FC9]  }
0x91: {  	s19 =	sld [smem:$0x3FC8]  }
0x92: {  	s4 =	sld [smem:$0x3FC7]  }
0x93: {  	s5 =	sld [smem:$0x3FC6]  }
0x94: {  	s6 =	sld [smem:$0x3FC5]  }
0x95: {  	s7 =	sld [smem:$0x3FD0];
	(tm) =	ssettm $0x1  }
0x96: {  	s8 =	sld [smem:$0x3FFB];
	_ =	sdelay $0x3  }
0x97: {  	_ =	strace s8  }
0x98: {  	s8 =	sld [smem:$0x3FFC];
	_ =	sdelay $0x3  }
0x99: {  	_ =	strace s8  }
0x9a: {  	s8 =	sld [smem:$0x3FFD];
	_ =	sdelay $0x3  }
0x9b: {  	_ =	strace s8  }
0x9c: {  	_ =	strace $0x8FFFFFFF  }
0x9d: {  	s20 =	sld [smem:$0x3FDB];
	_ =	sdelay $0x1  }
0x9e: {  	s9 =	simm.s32 $_scs_section_size  }
0x9f: {  	s10 =	simm.s32 $_size__tile_overlayer_lowered;
	s11 =	simm.s32 $_tile_overlayer_lowered  }
0xa0: {  	s23 =	simm.s32 $0x1BFF;
	s22 =	sshll.u32 s11, $0x1;
	s8 =	sadd.s32 s9, s20  }
0xa1: {  	s12 =	simm.s32 $0x0;
	s21 =	sshll.u32 s10, $0x1;
	s10 =	sadd.s32 s22, s8  }
0xa2: {  	[timem:s12], [sflag:s23] =	dma.local [hbm:s10], s21  }
0xa3: {  	_ =	swait.ge [sflag:s23], s21  }
0xa4: {  	s9 =	ssub.s32 $0x0, s21;
	[sflag:s23] =	ssyncset.done $0x0  }
0xa5: {  	[sflag:s23] =	ssyncadd.s32 s9;
	_ =	sdelay $0x1  }
0xa6: {  	s24 =	simm.s32 $0x1B8B  }
0xa7: {  	_ =	swait.ge [sflag:s24], $0x1  }
0xa8: {  	[sflag:s24] =	ssyncset.done $0x0  }
0xa9: {  	s25 =	simm.s32 $0x1B8E;
	[sflag:s24] =	ssyncadd.s32 $0xFFFFFFFF  }
0xaa: {  	s26 =	simm.s32 $execute0_lowered;
	[smem:$0x3FD2] =	sst s25  }
0xab: {  	s9 =	sshll.u32 s26, $0x1;
	_ =	strace $0x80000046;
	[dreg:$0x1] =	wrdreg $0xFFFFFFFF  }
0xac: {  	s28 =	simm.s32 $_size_execute0_lowered;
	s8 =	sadd.s32 s8, s9;
	[dreg:$0x0] =	wrdreg $0x0  }
0xad: {  	s9 =	sshll.u32 s28, $0x1;
	[dreg:$0x2] =	wrdreg s8  }
0xae: {  	[dreg:$0x3] =	wrdreg s9  }
0xaf: {  	[dreg:$0x4] =	wrdreg $0xC0  }
0xb0: {  	_ =	task [dreg:s12], $0x5FFFF  }
0xb1: {  	[dreg:$0x1] =	wrdreg $0xFFFFFFFF  }
0xb2: {  	[dreg:$0x0] =	wrdreg $0x60  }
0xb3: {  	[dreg:$0x2] =	wrdreg s2  }
0xb4: {  	[dreg:$0x3] =	wrdreg s19  }
0xb5: {  	[dreg:$0x4] =	wrdreg s4  }
0xb6: {  	[dreg:$0x5] =	wrdreg s5  }
0xb7: {  	[dreg:$0x6] =	wrdreg s6  }
0xb8: {  	[dreg:$0x7] =	wrdreg s7  }
0xb9: {  	[dreg:$0x8] =	wrdreg $0x78800  }
0xba: {  	[dreg:$0x9] =	wrdreg $0x9  }
0xbb: {  	_ =	task.clear_ibuf [dreg:s12], $0xAFFFF;
	_ =	strace $0x90000046  }
0xbc: {  	s29 =	simm.s32 $0x9;
	_ =	strace $0x80000048  }
0xbd: {  	_ =	swait.ge [sflag:s29], $0x1  }
0xbe: {  	[sflag:s29] =	ssyncadd.s32 $0xFFFFFFFF  }
0xbf: {  	_ =	strace $0x90000048  }
0xc0: {  	_ =	sfence  }
0xc1: {  	s30 =	sld [smem:$0x0];
	_ =	sdelay $0x2  }
0xc2: {  	s31 =	sshll.u32 s1, $0xD;
	s1 =	sshrl.u32 s1, $0x2  }
0xc3: {  	s3 =	sand.u32 $0x4000, s31;
	s1 =	sadd.s32 s1, s30  }
0xc4: {  	s0 =	sor.u32 s3, s0;
	s1 =	sshll.u32 s1, $0x11  }
0xc5: {  	s0 =	sor.u32 s1, s0  }
0xc6: {  	s0 =	sadd.s32 $0x8F2B, s0  }
0xc7: {  	[sflag:s0] =	ssyncadd.remote.s32 $0x1  }
0xc8: {  	_ =	sfence.sel $0xFFFF  }
0xc9: {  	[dreg:$0x0] =	wrdreg $0xFFFFFFFF;
	(pc) =	sbr.abs _section_cstart, $3  }
0xca: {  	[dreg:$0x1] =	wrdreg $0xFFFFFFFF  }
0xcb: {  	_ =	task.clear_ibuf [dreg:s12], $0x2FFFF;
	_ =	strace $0x9FFFFFFF  }
0xcc: {  	(tm) =	ssettm $0x7FFFFFFF  }
0xcd: {  	_ =	shalt  }
tec
execute0_lowered:
.L_overlay_start_1:
0x0: {  	(tag) =	ssettag $0x1  }
0x1: {  	s0 =	rddreg [dreg:$0x0]  }
0x2: {  	s1 =	srdreg.scid;
	s6 =	rddreg [dreg:$0x5]  }
0x3: {  	s2 =	stileid.u32;
	s7 =	rddreg [dreg:$0x6];
	s8 =	simm.s32 $0x0  }
0x4: {  	s10 =	simm.s32 $0x10;
	s14 =	simm.s32 $0x7000;
	s15 =	simm.s32 $0x3  }
0x5: {  	s16 =	simm.s32 $0x7400;
	s18 =	simm.s32 $0x7D0;
	s22 =	simm.s32 $0x3800  }
0x6: {  	s23 =	simm.s32 $0x4;
	s1 =	sand.u32 $0x1, s1;
	s3 =	sshll.u32 s2, $0x1  }
0x7: {  	s29 =	simm.s32 $0x1;
	[smem:$0x7FF] =	sst s8;
	s3 =	sor.u32 s1, s3  }
0x8: {  	p0 =	slt.u32 s2, $0xA;
	s1 =	ssub.s32 $0x2, s1;
	s4 =	smul.u32 $0xF, s3  }
0x9: {  	s10 =	simm.s32 @!p0 $0xF;
	s3 =	smin.u32 s3, $0x14;
	s5 =	sshrl.u32 s1, $0x1  }
.Ltmp0:
0xa: {  	s1 =	ssub.s32 s1, s5;
	s9 =	sadd.s32 s3, s4;
	(pc) =	sbr.rel .LBB2_1-.Ltmp0, $4  }
0xb: {  	p0 =	sne.s32 s2, $0x0;
	s1 =	smax.u32 s1, $0x1;
	s3 =	smul.u32 $0xFA, s9  }
0xc: {  	_ =	strace $0x80000047;
	[dreg:$0x9] =	wrdreg s1;
	s1 =	sshrl.u32 @!p0 s7, $0x3  }
0xd: {  	s30 =	simm.s32 $0x6800;
	[dreg:$0xa] =	wrdreg s1;
	s28 =	sadd.s32 s0, s3  }
0xe: {  	v0 =	vimm.s32 $0x0;
	s31 =	simm.s32 $0x2;
	s2 =	simm.s32 $0x0;
	[dreg:$0x8] =	wrdreg s28  }
.LBB2_31:
0xf: {  	s2 =	rddreg [dreg:$0xb]  }
0x10: {  	s1 =	rddreg [dreg:$0x9];
	s2 =	sadd.s32 $0x1, s2  }
0x11: {  	p1 =	sne.s32 s2, s1  }
.Ltmp1:
0x12: {  	_ = 	snop;
	(pc) =	sbr.rel @!p1 .LBB2_32-.Ltmp1, $1  }
0x13: {  	_ =	sdelay $0x3  }
.LBB2_1:
0x14: {  	[dreg:$0xb] =	wrdreg s2  }
0x15: {  	s2 =	rddreg [dreg:$0x1]  }
0x16: {  	s1 =	simm.s32 @!p0 $0x1C03;
	s3 =	rddreg [dreg:$0xa]  }
0x17: {  	[spmem:s3], [sflag:s1] =	dma.local @!p0 [hbm:s2], $0x1F400  }
0x18: {  	s1 =	simm.s32 @!p0 $0x3  }
0x19: {  	_ =	swait.ge @!p0 [sflag:s1], $0x1F400  }
0x1a: {  	[sflag:s1] =	ssyncset.done @!p0 $0x0  }
0x1b: {  	[sflag:s1] =	ssyncadd.s32 @!p0 $0xFFFE0C00  }
0x1c: {  	s1 =	rddreg [dreg:$0x2]  }
0x1d: {  	[tilespmem:s14], [sflag:$0x3] =	stream.linear.gather [hbm4b:s1+s8], $0x400, $0x38;
	[tilespmem:$0x17280] =	vst v63  }
0x1e: {  	_ =	swait.ge [sflag:s15], $0x400  }
0x1f: {  	[sflag:s15] =	ssyncset.done $0x0  }
0x20: {  	[sflag:s15] =	ssyncadd.s32 $0xFFFFFC00  }
0x21: {  	s19 =	rddreg [dreg:$0x3]  }
0x22: {  	[tilespmem:s16], [sflag:$0x3] =	stream.linear.gather [hbm4b:s19+s8], $0x400, $0x38;
	[tilespmem:$0x17280] =	vst v63  }
0x23: {  	_ =	swait.ge [sflag:s15], $0x400  }
0x24: {  	[sflag:s15] =	ssyncset.done $0x0  }
0x25: {  	[sflag:s15] =	ssyncadd.s32 $0xFFFFFC00  }
0x26: {  	s21 =	simm.s32 $0x7800;
	s20 =	rddreg [dreg:$0x4]  }
0x27: {  	[tilespmem:s21], [sflag:$0x3] =	stream.linear.gather [hbm4b:s20+s8], $0x80, $0x38;
	[tilespmem:$0x17280] =	vst v63  }
0x28: {  	_ =	swait.ge [sflag:s15], $0x80  }
0x29: {  	[sflag:s15] =	ssyncset.done $0x0  }
0x2a: {  	[sflag:s15] =	ssyncadd.s32 $0xFFFFFF80  }
0x2b: {  	[bflag:$0x0] =	sbarrier.arrive $0xFFFF  }
0x2c: {  	s24 =	rddreg [dreg:$0x8]  }
0x2d: {  	v1 =	vld [tilespmem:$0x7800];
	[tilespmem:s8], [sflag:$0x3] =	stream.linear.gather [hbm4b:s24+s8], $0x7D0, $0x38  }
0x2e: {  	_ =	swait.ge [sflag:s15], $0x7D0  }
0x2f: {  	[sflag:s15] =	ssyncset.done $0x0  }
0x30: {  	s25 =	simm.s32 $0x40;
	[sflag:s15] =	ssyncadd.s32 $0xFFFFF830  }
0x31: {  	s5 =	simm.s32 $0xC0;
	v2 =	vld [tilespmem:s25+$0x30]  }
0x32: {  	v48 =	vld [tilespmem:s5+$0xFFFFFFF0]  }
0x33: {  	v51 =	vld [tilespmem:s5+$0x20];
	_ =	sdelay $0x1  }
0x34: {  	v3 =	vld [tilespmem:s25+$0xFFFFFFD0]  }
0x35: {  	v6 =	vshrl.u32 v2, $0xA  }
0x36: {  	s26 =	simm.s32 $0x840;
	v50 =	vshrl.u32 v48, $0xA;
	v8 =	vadd.s32 $0xFFFFFFFF, v6  }
0x37: {  	s2 =	simm.s32 $0x8C0;
	v4 =	vld [tilespmem:s25+$0xFFFFFFE0];
	v59 =	vshrl.u32 v51, $0xA;
	v52 =	vadd.s32 $0xFFFFFFFF, v50;
	[tilespmem:s26+$0x30] =	vst v8  }
0x38: {  	v5 =	vshrl.u32 v2, $0x14;
	v60 =	vadd.s32 $0xFFFFFFFF, v59;
	[tilespmem:s2+$0xFFFFFFF0] =	vst v52  }
0x39: {  	s28 =	simm.s32 $0x1840;
	v7 =	vld [tilespmem:s25+$0xFFFFFFC0];
	v9 =	vshrl.u32 v3, $0xA;
	[tilespmem:s2+$0x20] =	vst v60  }
0x3a: {  	v8 =	vadd.s32 $0xFFFFFFFF, v9;
	[tilespmem:s28+$0x30] =	vst v6  }
0x3b: {  	s3 =	simm.s32 $0x18C0;
	[tilespmem:s26+$0xFFFFFFD0] =	vst v8  }
0x3c: {  	v10 =	vshrl.u32 v4, $0xA;
	v6 =	vld [tilespmem:s25+$0xFFFFFFF0];
	[tilespmem:s3+$0xFFFFFFF0] =	vst v50  }
0x3d: {  	v8 =	vadd.s32 $0xFFFFFFFF, v10;
	[tilespmem:s28+$0xFFFFFFD0] =	vst v9;
	v5 =	vld.idx.msk [tilespmem:v5+s14+$0x0], $0xffff  }
0x3e: {  	v11 =	vshrl.u32 v7, $0xA;
	v14 =	vshrl.u32 v7, $0x14;
	v9 =	vld [tilespmem:s25+$0x0];
	[tilespmem:s26+$0xFFFFFFE0] =	vst v8  }
0x3f: {  	v8 =	vadd.s32 $0xFFFFFFFF, v11;
	[tilespmem:s28+$0xFFFFFFE0] =	vst v10  }
0x40: {  	v2 =	vand.u32 $0x3FF, v2;
	v10 =	vld [tilespmem:s25+$0x10];
	[tilespmem:s26+$0xFFFFFFC0] =	vst v8  }
0x41: {  	s4 =	simm.s32 $0x4840;
	[tilespmem:s28+$0xFFFFFFC0] =	vst v11;
	v12 =	vshrl.u32 v6, $0xA  }
0x42: {  	v8 =	vshrl.u32 v3, $0x14;
	v13 =	vadd.s32 $0xFFFFFFFF, v12;
	[tilespmem:s4+$0x30] =	vst v5  }
0x43: {  	v14 =	vld.idx.msk [tilespmem:v14+s14+$0x0], $0xffff;
	v40 =	vshrl.u32 v6, $0x14;
	v15 =	vshrl.u32 v9, $0xA;
	[tilespmem:s26+$0xFFFFFFF0] =	vst v13  }
0x44: {  	v11 =	vld [tilespmem:s25+$0x20];
	v5 =	vshrl.u32 v4, $0x14;
	v16 =	vadd.s32 $0xFFFFFFFF, v15;
	[tilespmem:s28+$0xFFFFFFF0] =	vst v12  }
0x45: {  	v7 =	vand.u32 $0x3FF, v7;
	v17 =	vshrl.u32 v10, $0xA;
	v2 =	vld.idx.msk [tilespmem:v2+s16+$0x0], $0xffff;
	[tilespmem:s26+$0x0] =	vst v16  }
0x46: {  	v41 =	vshrl.u32 v9, $0x14;
	v42 =	vadd.s32 $0xFFFFFFFF, v17;
	[tilespmem:s28+$0x0] =	vst v15  }
0x47: {  	v18 =	vshrl.u32 v10, $0x14;
	v8 =	vld.idx.msk [tilespmem:v8+s14+$0x0], $0xffff;
	[tilespmem:s26+$0x10] =	vst v42  }
0x48: {  	v3 =	vand.u32 $0x3FF, v3;
	[tilespmem:s4+$0xFFFFFFC0] =	vst v14;
	v13 =	vld.idx.msk [tilespmem:v40+s14+$0x0], $0xffff  }
0x49: {  	s1 =	simm.s32 $0x5840;
	v6 =	vand.u32 $0x3FF, v6;
	v44 =	vshrl.u32 v11, $0xA;
	[tilespmem:s28+$0x10] =	vst v17;
	v5 =	vld.idx.msk [tilespmem:v5+s14+$0x0], $0xffff  }
0x4a: {  	v45 =	vadd.s32 $0xFFFFFFFF, v44;
	v7 =	vld.idx.msk [tilespmem:v7+s16+$0x0], $0xffff;
	[tilespmem:s1+$0x30] =	vst v2;
	v2 =	vand.u32 $0x3FF, v4  }
0x4b: {  	[tilespmem:s26+$0x20] =	vst v45;
	v4 =	vld.idx.msk [tilespmem:v41+s14+$0x0], $0xffff  }
0x4c: {  	v9 =	vand.u32 $0x3FF, v9;
	v46 =	vld.idx.msk [tilespmem:v18+s14+$0x0], $0xffff;
	[tilespmem:s4+$0xFFFFFFD0] =	vst v8  }
0x4d: {  	v3 =	vld.idx.msk [tilespmem:v3+s16+$0x0], $0xffff;
	[tilespmem:s4+$0xFFFFFFF0] =	vst v13  }
0x4e: {  	[tilespmem:s4+$0xFFFFFFE0] =	vst v5;
	v5 =	vld.idx.msk [tilespmem:v6+s16+$0x0], $0xffff  }
0x4f: {  	[tilespmem:s28+$0x20] =	vst v44;
	v2 =	vld.idx.msk [tilespmem:v2+s16+$0x0], $0xffff  }
0x50: {  	[tilespmem:s4+$0x0] =	vst v4;
	v4 =	vld [tilespmem:s5+$0x30]  }
0x51: {  	[tilespmem:s1+$0xFFFFFFC0] =	vst v7;
	v6 =	vld.idx.msk [tilespmem:v9+s16+$0x0], $0xffff  }
0x52: {  	v8 =	vld [tilespmem:s5+$0xFFFFFFD0];
	[tilespmem:s4+$0x10] =	vst v46  }
0x53: {  	v55 =	vshrl.u32 v48, $0x14;
	[tilespmem:s1+$0xFFFFFFD0] =	vst v3  }
0x54: {  	v43 =	vshrl.u32 v11, $0x14;
	v7 =	vld [tilespmem:s5+$0xFFFFFFE0];
	[tilespmem:s1+$0xFFFFFFF0] =	vst v5  }
0x55: {  	[tilespmem:s1+$0xFFFFFFE0] =	vst v2;
	v3 =	vshrl.u32 v4, $0xA  }
0x56: {  	v5 =	vld [tilespmem:s5+$0xFFFFFFC0];
	v2 =	vshrl.u32 v4, $0x14;
	[tilespmem:s1+$0x0] =	vst v6;
	v6 =	vadd.s32 $0xFFFFFFFF, v3  }
0x57: {  	v9 =	vshrl.u32 v8, $0xA;
	[tilespmem:s2+$0x30] =	vst v6  }
0x58: {  	v15 =	vld.idx.msk [tilespmem:v55+s14+$0x0], $0xffff;
	v6 =	vadd.s32 $0xFFFFFFFF, v9;
	[tilespmem:s3+$0x30] =	vst v3  }
0x59: {  	v47 =	vld.idx.msk [tilespmem:v43+s14+$0x0], $0xffff;
	v3 =	vshrl.u32 v7, $0xA;
	[tilespmem:s2+$0xFFFFFFD0] =	vst v6  }
0x5a: {  	v54 =	vshrl.u32 v7, $0x14;
	v6 =	vadd.s32 $0xFFFFFFFF, v3;
	[tilespmem:s3+$0xFFFFFFD0] =	vst v9;
	v9 =	vand.u32 $0x3FF, v10;
	v10 =	vld [tilespmem:s5+$0x0]  }
0x5b: {  	v49 =	vshrl.u32 v5, $0xA;
	v2 =	vld.idx.msk [tilespmem:v2+s14+$0x0], $0xffff;
	[tilespmem:s2+$0xFFFFFFE0] =	vst v6  }
0x5c: {  	v4 =	vand.u32 $0x3FF, v4;
	v6 =	vadd.s32 $0xFFFFFFFF, v49;
	[tilespmem:s3+$0xFFFFFFE0] =	vst v3  }
0x5d: {  	v3 =	vand.u32 $0x3FF, v11;
	v11 =	vld [tilespmem:s5+$0x10];
	[tilespmem:s2+$0xFFFFFFC0] =	vst v6;
	v6 =	vshrl.u32 v8, $0x14  }
0x5e: {  	[tilespmem:s4+$0x20] =	vst v47;
	s4 =	simm.s32 $0x48C0;
	v53 =	vshrl.u32 v5, $0x14  }
0x5f: {  	v12 =	vand.u32 $0x3FF, v48;
	[tilespmem:s4+$0xFFFFFFF0] =	vst v15;
	v17 =	vld.idx.msk [tilespmem:v54+s14+$0x0], $0xffff  }
0x60: {  	[tilespmem:s4+$0x30] =	vst v2;
	v2 =	vld.idx.msk [tilespmem:v9+s16+$0x0], $0xffff;
	v9 =	vshrl.u32 v10, $0xA  }
0x61: {  	[tilespmem:s3+$0xFFFFFFC0] =	vst v49;
	v57 =	vshrl.u32 v10, $0x14;
	v56 =	vadd.s32 $0xFFFFFFFF, v9;
	v4 =	vld.idx.msk [tilespmem:v4+s16+$0x0], $0xffff  }
0x62: {  	v19 =	vshrl.u32 v11, $0xA;
	v20 =	vshrl.u32 v11, $0x14;
	v21 =	vld.idx.msk [tilespmem:v6+s14+$0x0], $0xffff;
	[tilespmem:s2+$0x0] =	vst v56  }
0x63: {  	v6 =	vshrl.u32 v51, $0x14;
	v58 =	vadd.s32 $0xFFFFFFFF, v19;
	[tilespmem:s3+$0x0] =	vst v9;
	v9 =	vld.idx.msk [tilespmem:v53+s14+$0x0], $0xffff  }
0x64: {  	v5 =	vand.u32 $0x3FF, v5;
	v63 =	vand.u32 $0x3FF, v10;
	v10 =	vld.idx.msk [tilespmem:v12+s16+$0x0], $0xffff;
	[tilespmem:s2+$0x10] =	vst v58  }
0x65: {  	s13 =	simm.s32 $0x58C0;
	v61 =	vand.u32 $0x3FF, v8;
	v3 =	vld.idx.msk [tilespmem:v3+s16+$0x0], $0xffff;
	[tilespmem:s3+$0x10] =	vst v19  }
0x66: {  	v14 =	vld.idx.msk [tilespmem:v57+s14+$0x0], $0xffff;
	[tilespmem:s13+$0x30] =	vst v4;
	v4 =	vand.u32 $0x3FF, v7  }
0x67: {  	[tilespmem:s3+$0x20] =	vst v59;
	v62 =	vld.idx.msk [tilespmem:v20+s14+$0x0], $0xffff  }
0x68: {  	v8 =	vld.idx.msk [tilespmem:v6+s14+$0x0], $0xffff;
	[tilespmem:s4+$0xFFFFFFC0] =	vst v9  }
0x69: {  	[tilespmem:s4+$0xFFFFFFD0] =	vst v21;
	v6 =	vld.idx.msk [tilespmem:v5+s16+$0x0], $0xffff  }
0x6a: {  	s11 =	simm.s32 $0x1F80;
	s12 =	simm.s32 $0xF80;
	[tilespmem:s4+$0xFFFFFFE0] =	vst v17;
	v7 =	vld.idx.msk [tilespmem:v61+s16+$0x0], $0xffff  }
0x6b: {  	s17 =	simm.s32 $0x770;
	s19 =	simm.s32 $0x5F80;
	s20 =	simm.s32 $0x4F80;
	[tilespmem:s4+$0x0] =	vst v14;
	v9 =	vld.idx.msk [tilespmem:v4+s16+$0x0], $0xffff  }
0x6c: {  	s21 =	simm.s32 $0x80;
	s24 =	simm.s32 $0x140;
	s5 =	simm.s32 $0x780;
	v5 =	vand.u32 $0x3FF, v11;
	v11 =	vld.idx.msk [tilespmem:v63+s16+$0x0], $0xffff;
	v4 =	vand.u32 $0x3FF, v51;
	[tilespmem:s4+$0x10] =	vst v62  }
.LBB2_2:
0x6d: {  	v12 =	vld [tilespmem:s24+$0x30];
	s21 =	sadd.s32 $0x80, s21;
	[tilespmem:s4+$0x20] =	vst v8  }
0x6e: {  	v8 =	vld [tilespmem:s24+$0xFFFFFFD0];
	p1 =	slt.u32 s21, $0x700;
	[tilespmem:s13+$0xFFFFFFC0] =	vst v6  }
0x6f: {  	v6 =	vld [tilespmem:s24+$0xFFFFFFE0];
	[tilespmem:s13+$0xFFFFFFD0] =	vst v7  }
0x70: {  	v7 =	vld [tilespmem:s24+$0xFFFFFFF0];
	[tilespmem:s13+$0xFFFFFFE0] =	vst v9  }
0x71: {  	v9 =	vld [tilespmem:s24+$0x0];
	[tilespmem:s13+$0xFFFFFFF0] =	vst v10  }
0x72: {  	v10 =	vld [tilespmem:s24+$0x10];
	v13 =	vshrl.u32 v12, $0x14;
	[tilespmem:s13+$0x0] =	vst v11  }
0x73: {  	v16 =	vshrl.u32 v12, $0xA;
	v11 =	vshrl.u32 v8, $0xA;
	v14 =	vshrl.u32 v8, $0x14;
	v15 =	vld [tilespmem:s24+$0x20];
	[tilespmem:s1+$0x10] =	vst v2  }
0x74: {  	s2 =	sadd.s32 $0x80, s2;
	v2 =	vadd.s32 $0xFFFFFFFF, v16;
	v17 =	vld [tilespmem:s24+$0xFFFFFFC0];
	v18 =	vadd.s32 $0xFFFFFFFF, v11;
	v19 =	vshrl.u32 v6, $0xA;
	[tilespmem:s1+$0x20] =	vst v3;
	s1 =	smov.u32 s13  }
0x75: {  	s3 =	sadd.s32 $0x80, s3;
	v21 =	vshrl.u32 v6, $0x14;
	v20 =	vadd.s32 $0xFFFFFFFF, v19;
	v22 =	vshrl.u32 v7, $0xA;
	[tilespmem:s2+$0x30] =	vst v2;
	v2 =	vld.idx.msk [tilespmem:v5+s16+$0x0], $0xffff  }
0x76: {  	v24 =	vshrl.u32 v7, $0x14;
	v23 =	vadd.s32 $0xFFFFFFFF, v22;
	v25 =	vshrl.u32 v9, $0xA;
	[tilespmem:s3+$0x30] =	vst v16;
	v3 =	vld.idx.msk [tilespmem:v4+s16+$0x0], $0xffff  }
0x77: {  	[tilespmem:s2+$0xFFFFFFD0] =	vst v18;
	v16 =	vadd.s32 $0xFFFFFFFF, v25;
	v18 =	vshrl.u32 v9, $0x14;
	v26 =	vshrl.u32 v10, $0xA;
	v13 =	vld.idx.msk [tilespmem:v13+s14+$0x0], $0xffff  }
0x78: {  	v27 =	vshrl.u32 v10, $0x14;
	[tilespmem:s3+$0xFFFFFFD0] =	vst v11;
	v11 =	vadd.s32 $0xFFFFFFFF, v26;
	v28 =	vshrl.u32 v15, $0xA  }
0x79: {  	v12 =	vand.u32 $0x3FF, v12;
	v4 =	vshrl.u32 v17, $0xA;
	v14 =	vld.idx.msk [tilespmem:v14+s14+$0x0], $0xffff;
	[tilespmem:s2+$0xFFFFFFE0] =	vst v20;
	v20 =	vadd.s32 $0xFFFFFFFF, v28  }
0x7a: {  	v29 =	vshrl.u32 v17, $0x14;
	v5 =	vadd.s32 $0xFFFFFFFF, v4;
	[tilespmem:s3+$0xFFFFFFE0] =	vst v19;
	v19 =	vshrl.u32 v15, $0x14  }
0x7b: {  	v30 =	vand.u32 $0x3FF, v8;
	v31 =	vand.u32 $0x3FF, v6;
	v17 =	vand.u32 $0x3FF, v17;
	[tilespmem:s2+$0xFFFFFFC0] =	vst v5;
	v21 =	vld.idx.msk [tilespmem:v21+s14+$0x0], $0xffff  }
0x7c: {  	s4 =	sadd.s32 $0x80, s4;
	v32 =	vand.u32 $0x3FF, v7;
	v33 =	vand.u32 $0x3FF, v9;
	v5 =	vand.u32 $0x3FF, v10;
	[tilespmem:s3+$0xFFFFFFC0] =	vst v4  }
0x7d: {  	v4 =	vand.u32 $0x3FF, v15;
	[tilespmem:s4+$0x30] =	vst v13  }
0x7e: {  	[tilespmem:s2+$0xFFFFFFF0] =	vst v23;
	v6 =	vld.idx.msk [tilespmem:v12+s16+$0x0], $0xffff  }
0x7f: {  	v7 =	vld.idx.msk [tilespmem:v29+s14+$0x0], $0xffff;
	[tilespmem:s3+$0xFFFFFFF0] =	vst v22  }
0x80: {  	v10 =	vld.idx.msk [tilespmem:v24+s14+$0x0], $0xffff;
	[tilespmem:s2+$0x0] =	vst v16  }
0x81: {  	[tilespmem:s3+$0x0] =	vst v25  }
0x82: {  	v12 =	vld.idx.msk [tilespmem:v18+s14+$0x0], $0xffff;
	[tilespmem:s2+$0x10] =	vst v11  }
0x83: {  	s13 =	sadd.s32 $0x80, s13;
	[tilespmem:s3+$0x10] =	vst v26  }
0x84: {  	v13 =	vld.idx.msk [tilespmem:v27+s14+$0x0], $0xffff;
	[tilespmem:s13+$0x30] =	vst v6  }
0x85: {  	[tilespmem:s2+$0x20] =	vst v20  }
0x86: {  	[tilespmem:s3+$0x20] =	vst v28  }
0x87: {  	[tilespmem:s4+$0xFFFFFFC0] =	vst v7;
	v8 =	vld.idx.msk [tilespmem:v19+s14+$0x0], $0xffff  }
.Ltmp2:
0x88: {  	v6 =	vld.idx.msk [tilespmem:v17+s16+$0x0], $0xffff;
	[tilespmem:s4+$0xFFFFFFD0] =	vst v14;
	(pc) =	sbr.rel @p1 .LBB2_2-.Ltmp2, $4  }
0x89: {  	v7 =	vld.idx.msk [tilespmem:v30+s16+$0x0], $0xffff;
	[tilespmem:s4+$0xFFFFFFE0] =	vst v21  }
0x8a: {  	v9 =	vld.idx.msk [tilespmem:v31+s16+$0x0], $0xffff;
	[tilespmem:s4+$0xFFFFFFF0] =	vst v10  }
0x8b: {  	v10 =	vld.idx.msk [tilespmem:v32+s16+$0x0], $0xffff;
	[tilespmem:s4+$0x0] =	vst v12  }
0x8c: {  	s24 =	sadd.s32 $0x80, s24;
	v11 =	vld.idx.msk [tilespmem:v33+s16+$0x0], $0xffff;
	[tilespmem:s4+$0x10] =	vst v13  }
0x8d: {  	_ = 	snop  }
0x8e: {  	[tilespmem:s4+$0x20] =	vst v8  }
0x8f: {  	[tilespmem:s13+$0xFFFFFFC0] =	vst v6  }
0x90: {  	[tilespmem:s1+$0x10] =	vst v2  }
0x91: {  	v5 =	vld.idx.msk [tilespmem:v5+s16+$0x0], $0xffff;
	[tilespmem:s1+$0x20] =	vst v3  }
0x92: {  	[tilespmem:s13+$0xFFFFFFD0] =	vst v7;
	v4 =	vld.idx.msk [tilespmem:v4+s16+$0x0], $0xffff  }
0x93: {  	[tilespmem:s13+$0xFFFFFFE0] =	vst v9  }
0x94: {  	[tilespmem:s13+$0xFFFFFFF0] =	vst v10  }
0x95: {  	[tilespmem:s13+$0x0] =	vst v11  }
0x96: {  	[tilespmem:s13+$0x10] =	vst v5  }
0x97: {  	[tilespmem:s13+$0x20] =	vst v4  }
.LBB2_4:
0x98: {  	v2 =	vld [tilespmem:s5+$0x0];
	_ =	sdelay $0x4  }
0x99: {  	v3 =	vshrl.u32 v2, $0x14  }
0x9a: {  	v4 =	vshrl.u32 v2, $0xA  }
0x9b: {  	v5 =	vadd.s32 $0xFFFFFFFF, v4  }
0x9c: {  	[tilespmem:s12+$0x0] =	vst v5  }
0x9d: {  	[tilespmem:s11+$0x0] =	vst v4  }
0x9e: {  	v3 =	vld.idx.msk [tilespmem:v3+s14+$0x0], $0xffff  }
0x9f: {  	v2 =	vand.u32 $0x3FF, v2;
	_ =	sdelay $0x3  }
0xa0: {  	s17 =	sadd.s32 $0x10, s17;
	[tilespmem:s20+$0x0] =	vst v3  }
0xa1: {  	p1 =	slt.u32 s17, $0x7C0;
	v2 =	vld.idx.msk [tilespmem:v2+s16+$0x0], $0xffff  }
.Ltmp3:
0xa2: {  	_ = 	snop;
	(pc) =	sbr.rel @p1 .LBB2_4-.Ltmp3, $3  }
0xa3: {  	_ =	sdelay $0x1  }
0xa4: {  	s5 =	sadd.s32 $0x10, s5;
	s12 =	sadd.s32 $0x10, s12  }
0xa5: {  	s11 =	sadd.s32 $0x10, s11;
	s20 =	sadd.s32 $0x10, s20;
	[tilespmem:s19+$0x0] =	vst v2;
	s19 =	sadd.s32 $0x10, s19  }
.Ltmp4:
0xa6: {  	(pc) =	sbr.rel .LBB2_6-.Ltmp4, $4  }
0xa7: {  	s1 =	simm.s32 $0x800;
	s2 =	simm.s32 $0x2800  }
0xa8: {  	[tilespmem:s2], [sflag:$0x1] =	stream.indirect.gather [spmem:s7], $0x1, s1, s18, $0xb8;
	[tilespmem:$0x17280] =	vst v63  }
0xa9: {  	s28 =	simm.s32 $0x1800;
	s1 =	simm.s32 $0x0  }
0xaa: {  	[tilespmem:s22], [sflag:$0x1] =	stream.indirect.gather [spmem:s7], $0x1, s28, s18, $0xb8;
	[tilespmem:$0x17280] =	vst v63  }
.LBB2_30:
0xab: {  	s1 =	sadd.s32 $0x1, s1  }
0xac: {  	p1 =	sne.s32 s1, $0x8  }
.Ltmp5:
0xad: {  	_ = 	snop;
	(pc) =	sbr.rel @!p1 .LBB2_31-.Ltmp5, $1  }
0xae: {  	_ =	sdelay $0x3  }
.LBB2_6:
0xaf: {  	s2 =	sshllo.u32 s1, $0x1  }
0xb0: {  	p1 =	sge.u32 s2, s10  }
.Ltmp6:
0xb1: {  	_ = 	snop;
	(pc) =	sbr.rel @p1 .LBB2_12-.Ltmp6, $3  }
0xb2: {  	_ =	sdelay $0x1  }
0xb3: {  	s2 =	sadd.s32 s9, s2  }
0xb4: {  	s2 =	smul.u32 $0xFA, s2  }
0xb5: {  	_ = 	snop  }
0xb6: {  	s3 =	sadd.s32 s0, s2  }
0xb7: {  	[tilespmem:s8], [sflag:$0x4] =	stream.linear.gather [hbm4b:s3+s8], $0x7D0, $0x38;
	[tilespmem:$0x17280] =	vst v63  }
0xb8: {  	_ =	swait.ge [sflag:s23], $0x7D0  }
0xb9: {  	[sflag:s23] =	ssyncset.done $0x0  }
0xba: {  	s28 =	simm.s32 $0x40;
	[sflag:s23] =	ssyncadd.s32 $0xFFFFF830  }
0xbb: {  	v2 =	vld [tilespmem:s28+$0x30];
	_ =	sdelay $0x1  }
0xbc: {  	v3 =	vld [tilespmem:s28+$0xFFFFFFD0];
	_ =	sdelay $0x1  }
0xbd: {  	v4 =	vld [tilespmem:s28+$0xFFFFFFE0]  }
0xbe: {  	v5 =	vshrl.u32 v2, $0x14;
	v6 =	vshrl.u32 v2, $0xA  }
0xbf: {  	s4 =	simm.s32 $0x1040;
	v7 =	vld [tilespmem:s28+$0xFFFFFFC0];
	v8 =	vadd.s32 $0xFFFFFFFF, v6  }
0xc0: {  	s5 =	simm.s32 $0x2040;
	v9 =	vshrl.u32 v3, $0xA;
	[tilespmem:s4+$0x30] =	vst v8  }
0xc1: {  	v8 =	vadd.s32 $0xFFFFFFFF, v9;
	[tilespmem:s5+$0x30] =	vst v6  }
0xc2: {  	v10 =	vshrl.u32 v4, $0xA;
	v6 =	vld [tilespmem:s28+$0xFFFFFFF0];
	[tilespmem:s4+$0xFFFFFFD0] =	vst v8  }
0xc3: {  	v8 =	vadd.s32 $0xFFFFFFFF, v10;
	[tilespmem:s5+$0xFFFFFFD0] =	vst v9;
	v5 =	vld.idx.msk [tilespmem:v5+s14+$0x0], $0xffff  }
0xc4: {  	v11 =	vshrl.u32 v7, $0xA;
	v14 =	vshrl.u32 v7, $0x14;
	v9 =	vld [tilespmem:s28+$0x0];
	[tilespmem:s4+$0xFFFFFFE0] =	vst v8  }
0xc5: {  	v8 =	vadd.s32 $0xFFFFFFFF, v11;
	[tilespmem:s5+$0xFFFFFFE0] =	vst v10  }
0xc6: {  	v10 =	vld [tilespmem:s28+$0x10];
	[tilespmem:s4+$0xFFFFFFC0] =	vst v8  }
0xc7: {  	s11 =	simm.s32 $0x5040;
	[tilespmem:s5+$0xFFFFFFC0] =	vst v11;
	v12 =	vshrl.u32 v6, $0xA  }
0xc8: {  	v11 =	vld [tilespmem:s28+$0x20];
	v13 =	vadd.s32 $0xFFFFFFFF, v12;
	[tilespmem:s11+$0x30] =	vst v5  }
0xc9: {  	v2 =	vand.u32 $0x3FF, v2;
	v14 =	vld.idx.msk [tilespmem:v14+s14+$0x0], $0xffff;
	v15 =	vshrl.u32 v9, $0xA;
	[tilespmem:s4+$0xFFFFFFF0] =	vst v13  }
0xca: {  	s12 =	simm.s32 $0xC0;
	v16 =	vadd.s32 $0xFFFFFFFF, v15;
	[tilespmem:s5+$0xFFFFFFF0] =	vst v12  }
0xcb: {  	v48 =	vld [tilespmem:s12+$0xFFFFFFF0];
	v8 =	vshrl.u32 v3, $0x14;
	v17 =	vshrl.u32 v10, $0xA;
	[tilespmem:s4+$0x0] =	vst v16  }
0xcc: {  	v40 =	vshrl.u32 v6, $0x14;
	v42 =	vadd.s32 $0xFFFFFFFF, v17;
	[tilespmem:s5+$0x0] =	vst v15  }
0xcd: {  	v51 =	vld [tilespmem:s12+$0x20];
	v5 =	vshrl.u32 v4, $0x14;
	[tilespmem:s4+$0x10] =	vst v42  }
0xce: {  	v7 =	vand.u32 $0x3FF, v7;
	v2 =	vld.idx.msk [tilespmem:v2+s16+$0x0], $0xffff;
	v44 =	vshrl.u32 v11, $0xA;
	[tilespmem:s11+$0xFFFFFFC0] =	vst v14  }
0xcf: {  	v41 =	vshrl.u32 v9, $0x14;
	v45 =	vadd.s32 $0xFFFFFFFF, v44;
	[tilespmem:s5+$0x10] =	vst v17  }
0xd0: {  	v50 =	vshrl.u32 v48, $0xA;
	v18 =	vshrl.u32 v10, $0x14;
	v8 =	vld.idx.msk [tilespmem:v8+s14+$0x0], $0xffff;
	[tilespmem:s4+$0x20] =	vst v45  }
0xd1: {  	v52 =	vadd.s32 $0xFFFFFFFF, v50;
	v3 =	vand.u32 $0x3FF, v3;
	v13 =	vld.idx.msk [tilespmem:v40+s14+$0x0], $0xffff;
	s4 =	simm.s32 $0x10C0;
	[tilespmem:s5+$0x20] =	vst v44  }
0xd2: {  	s3 =	simm.s32 $0x6040;
	v59 =	vshrl.u32 v51, $0xA;
	v6 =	vand.u32 $0x3FF, v6;
	[tilespmem:s4+$0xFFFFFFF0] =	vst v52;
	v5 =	vld.idx.msk [tilespmem:v5+s14+$0x0], $0xffff  }
0xd3: {  	v60 =	vadd.s32 $0xFFFFFFFF, v59;
	v7 =	vld.idx.msk [tilespmem:v7+s16+$0x0], $0xffff;
	[tilespmem:s3+$0x30] =	vst v2;
	v2 =	vand.u32 $0x3FF, v4  }
0xd4: {  	[tilespmem:s4+$0x20] =	vst v60;
	v4 =	vld.idx.msk [tilespmem:v41+s14+$0x0], $0xffff  }
0xd5: {  	v9 =	vand.u32 $0x3FF, v9;
	v46 =	vld.idx.msk [tilespmem:v18+s14+$0x0], $0xffff;
	[tilespmem:s11+$0xFFFFFFD0] =	vst v8  }
0xd6: {  	v3 =	vld.idx.msk [tilespmem:v3+s16+$0x0], $0xffff;
	[tilespmem:s11+$0xFFFFFFF0] =	vst v13  }
0xd7: {  	s5 =	simm.s32 $0x20C0;
	[tilespmem:s11+$0xFFFFFFE0] =	vst v5;
	v5 =	vld.idx.msk [tilespmem:v6+s16+$0x0], $0xffff  }
0xd8: {  	[tilespmem:s5+$0xFFFFFFF0] =	vst v50;
	v2 =	vld.idx.msk [tilespmem:v2+s16+$0x0], $0xffff  }
0xd9: {  	[tilespmem:s11+$0x0] =	vst v4;
	v4 =	vld [tilespmem:s12+$0x30]  }
0xda: {  	[tilespmem:s3+$0xFFFFFFC0] =	vst v7;
	v6 =	vld.idx.msk [tilespmem:v9+s16+$0x0], $0xffff  }
0xdb: {  	v8 =	vld [tilespmem:s12+$0xFFFFFFD0];
	[tilespmem:s11+$0x10] =	vst v46  }
0xdc: {  	v43 =	vshrl.u32 v11, $0x14;
	[tilespmem:s3+$0xFFFFFFD0] =	vst v3  }
0xdd: {  	v55 =	vshrl.u32 v48, $0x14;
	v7 =	vld [tilespmem:s12+$0xFFFFFFE0];
	[tilespmem:s3+$0xFFFFFFF0] =	vst v5  }
0xde: {  	[tilespmem:s3+$0xFFFFFFE0] =	vst v2;
	v3 =	vshrl.u32 v4, $0xA  }
0xdf: {  	v5 =	vld [tilespmem:s12+$0xFFFFFFC0];
	v2 =	vshrl.u32 v4, $0x14;
	[tilespmem:s3+$0x0] =	vst v6;
	v6 =	vadd.s32 $0xFFFFFFFF, v3  }
0xe0: {  	v9 =	vshrl.u32 v8, $0xA;
	[tilespmem:s4+$0x30] =	vst v6  }
0xe1: {  	v47 =	vld.idx.msk [tilespmem:v43+s14+$0x0], $0xffff;
	v6 =	vadd.s32 $0xFFFFFFFF, v9;
	[tilespmem:s5+$0x30] =	vst v3  }
0xe2: {  	v15 =	vld.idx.msk [tilespmem:v55+s14+$0x0], $0xffff;
	v3 =	vshrl.u32 v7, $0xA;
	[tilespmem:s4+$0xFFFFFFD0] =	vst v6  }
0xe3: {  	v54 =	vshrl.u32 v7, $0x14;
	v6 =	vadd.s32 $0xFFFFFFFF, v3;
	[tilespmem:s5+$0xFFFFFFD0] =	vst v9;
	v9 =	vand.u32 $0x3FF, v10;
	v10 =	vld [tilespmem:s12+$0x0]  }
0xe4: {  	v49 =	vshrl.u32 v5, $0xA;
	v2 =	vld.idx.msk [tilespmem:v2+s14+$0x0], $0xffff;
	[tilespmem:s4+$0xFFFFFFE0] =	vst v6  }
0xe5: {  	v4 =	vand.u32 $0x3FF, v4;
	v6 =	vadd.s32 $0xFFFFFFFF, v49;
	[tilespmem:s5+$0xFFFFFFE0] =	vst v3  }
0xe6: {  	v3 =	vand.u32 $0x3FF, v11;
	v11 =	vld [tilespmem:s12+$0x10];
	[tilespmem:s4+$0xFFFFFFC0] =	vst v6;
	v6 =	vshrl.u32 v8, $0x14  }
0xe7: {  	[tilespmem:s11+$0x20] =	vst v47;
	s11 =	simm.s32 $0x50C0;
	v53 =	vshrl.u32 v5, $0x14  }
0xe8: {  	v12 =	vand.u32 $0x3FF, v48;
	[tilespmem:s11+$0xFFFFFFF0] =	vst v15;
	v17 =	vld.idx.msk [tilespmem:v54+s14+$0x0], $0xffff  }
0xe9: {  	[tilespmem:s11+$0x30] =	vst v2;
	v2 =	vld.idx.msk [tilespmem:v9+s16+$0x0], $0xffff;
	v9 =	vshrl.u32 v10, $0xA  }
0xea: {  	[tilespmem:s5+$0xFFFFFFC0] =	vst v49;
	v57 =	vshrl.u32 v10, $0x14;
	v56 =	vadd.s32 $0xFFFFFFFF, v9;
	v4 =	vld.idx.msk [tilespmem:v4+s16+$0x0], $0xffff  }
0xeb: {  	v19 =	vshrl.u32 v11, $0xA;
	v20 =	vshrl.u32 v11, $0x14;
	v21 =	vld.idx.msk [tilespmem:v6+s14+$0x0], $0xffff;
	[tilespmem:s4+$0x0] =	vst v56  }
0xec: {  	v6 =	vshrl.u32 v51, $0x14;
	v58 =	vadd.s32 $0xFFFFFFFF, v19;
	[tilespmem:s5+$0x0] =	vst v9;
	v9 =	vld.idx.msk [tilespmem:v53+s14+$0x0], $0xffff  }
0xed: {  	v5 =	vand.u32 $0x3FF, v5;
	v63 =	vand.u32 $0x3FF, v10;
	v10 =	vld.idx.msk [tilespmem:v12+s16+$0x0], $0xffff;
	[tilespmem:s4+$0x10] =	vst v58  }
0xee: {  	s19 =	simm.s32 $0x60C0;
	v61 =	vand.u32 $0x3FF, v8;
	v3 =	vld.idx.msk [tilespmem:v3+s16+$0x0], $0xffff;
	[tilespmem:s5+$0x10] =	vst v19  }
0xef: {  	v14 =	vld.idx.msk [tilespmem:v57+s14+$0x0], $0xffff;
	[tilespmem:s19+$0x30] =	vst v4;
	v4 =	vand.u32 $0x3FF, v7  }
0xf0: {  	[tilespmem:s5+$0x20] =	vst v59;
	v62 =	vld.idx.msk [tilespmem:v20+s14+$0x0], $0xffff  }
0xf1: {  	v8 =	vld.idx.msk [tilespmem:v6+s14+$0x0], $0xffff;
	[tilespmem:s11+$0xFFFFFFC0] =	vst v9  }
0xf2: {  	[tilespmem:s11+$0xFFFFFFD0] =	vst v21;
	v6 =	vld.idx.msk [tilespmem:v5+s16+$0x0], $0xffff  }
0xf3: {  	[tilespmem:s11+$0xFFFFFFE0] =	vst v17;
	v7 =	vld.idx.msk [tilespmem:v61+s16+$0x0], $0xffff  }
0xf4: {  	s13 =	simm.s32 $0x1780;
	s17 =	simm.s32 $0x6780;
	s20 =	simm.s32 $0x5780;
	[tilespmem:s11+$0x0] =	vst v14;
	v9 =	vld.idx.msk [tilespmem:v4+s16+$0x0], $0xffff  }
0xf5: {  	s21 =	simm.s32 $0x80;
	s24 =	simm.s32 $0x140;
	s12 =	simm.s32 $0x2780;
	v5 =	vand.u32 $0x3FF, v11;
	v11 =	vld.idx.msk [tilespmem:v63+s16+$0x0], $0xffff;
	v4 =	vand.u32 $0x3FF, v51;
	[tilespmem:s11+$0x10] =	vst v62  }
.LBB2_8:
0xf6: {  	v12 =	vld [tilespmem:s24+$0x30];
	s21 =	sadd.s32 $0x80, s21;
	[tilespmem:s11+$0x20] =	vst v8  }
0xf7: {  	v8 =	vld [tilespmem:s24+$0xFFFFFFD0];
	p2 =	slt.u32 s21, $0x700;
	[tilespmem:s19+$0xFFFFFFC0] =	vst v6  }
0xf8: {  	v6 =	vld [tilespmem:s24+$0xFFFFFFE0];
	[tilespmem:s19+$0xFFFFFFD0] =	vst v7  }
0xf9: {  	v7 =	vld [tilespmem:s24+$0xFFFFFFF0];
	[tilespmem:s19+$0xFFFFFFE0] =	vst v9  }
0xfa: {  	v9 =	vld [tilespmem:s24+$0x0];
	[tilespmem:s19+$0xFFFFFFF0] =	vst v10  }
0xfb: {  	v10 =	vld [tilespmem:s24+$0x10];
	v13 =	vshrl.u32 v12, $0x14;
	[tilespmem:s19+$0x0] =	vst v11  }
0xfc: {  	v16 =	vshrl.u32 v12, $0xA;
	v11 =	vshrl.u32 v8, $0xA;
	v14 =	vshrl.u32 v8, $0x14;
	v15 =	vld [tilespmem:s24+$0x20];
	[tilespmem:s3+$0x10] =	vst v2  }
0xfd: {  	s4 =	sadd.s32 $0x80, s4;
	v2 =	vadd.s32 $0xFFFFFFFF, v16;
	v17 =	vld [tilespmem:s24+$0xFFFFFFC0];
	v18 =	vadd.s32 $0xFFFFFFFF, v11;
	v19 =	vshrl.u32 v6, $0xA;
	[tilespmem:s3+$0x20] =	vst v3;
	s3 =	smov.u32 s19  }
0xfe: {  	s5 =	sadd.s32 $0x80, s5;
	v21 =	vshrl.u32 v6, $0x14;
	v20 =	vadd.s32 $0xFFFFFFFF, v19;
	v22 =	vshrl.u32 v7, $0xA;
	[tilespmem:s4+$0x30] =	vst v2;
	v2 =	vld.idx.msk [tilespmem:v5+s16+$0x0], $0xffff  }
0xff: {  	v24 =	vshrl.u32 v7, $0x14;
	v23 =	vadd.s32 $0xFFFFFFFF, v22;
	v25 =	vshrl.u32 v9, $0xA;
	[tilespmem:s5+$0x30] =	vst v16;
	v3 =	vld.idx.msk [tilespmem:v4+s16+$0x0], $0xffff  }
0x100: {  	[tilespmem:s4+$0xFFFFFFD0] =	vst v18;
	v16 =	vadd.s32 $0xFFFFFFFF, v25;
	v18 =	vshrl.u32 v9, $0x14;
	v26 =	vshrl.u32 v10, $0xA;
	v13 =	vld.idx.msk [tilespmem:v13+s14+$0x0], $0xffff  }
0x101: {  	v27 =	vshrl.u32 v10, $0x14;
	[tilespmem:s5+$0xFFFFFFD0] =	vst v11;
	v11 =	vadd.s32 $0xFFFFFFFF, v26;
	v28 =	vshrl.u32 v15, $0xA  }
0x102: {  	v12 =	vand.u32 $0x3FF, v12;
	v4 =	vshrl.u32 v17, $0xA;
	v14 =	vld.idx.msk [tilespmem:v14+s14+$0x0], $0xffff;
	[tilespmem:s4+$0xFFFFFFE0] =	vst v20;
	v20 =	vadd.s32 $0xFFFFFFFF, v28  }
0x103: {  	v29 =	vshrl.u32 v17, $0x14;
	v5 =	vadd.s32 $0xFFFFFFFF, v4;
	[tilespmem:s5+$0xFFFFFFE0] =	vst v19;
	v19 =	vshrl.u32 v15, $0x14  }
0x104: {  	v30 =	vand.u32 $0x3FF, v8;
	v31 =	vand.u32 $0x3FF, v6;
	v17 =	vand.u32 $0x3FF, v17;
	[tilespmem:s4+$0xFFFFFFC0] =	vst v5;
	v21 =	vld.idx.msk [tilespmem:v21+s14+$0x0], $0xffff  }
0x105: {  	s11 =	sadd.s32 $0x80, s11;
	v32 =	vand.u32 $0x3FF, v7;
	v33 =	vand.u32 $0x3FF, v9;
	v5 =	vand.u32 $0x3FF, v10;
	[tilespmem:s5+$0xFFFFFFC0] =	vst v4  }
0x106: {  	v4 =	vand.u32 $0x3FF, v15;
	[tilespmem:s11+$0x30] =	vst v13  }
0x107: {  	[tilespmem:s4+$0xFFFFFFF0] =	vst v23;
	v6 =	vld.idx.msk [tilespmem:v12+s16+$0x0], $0xffff  }
0x108: {  	v7 =	vld.idx.msk [tilespmem:v29+s14+$0x0], $0xffff;
	[tilespmem:s5+$0xFFFFFFF0] =	vst v22  }
0x109: {  	v10 =	vld.idx.msk [tilespmem:v24+s14+$0x0], $0xffff;
	[tilespmem:s4+$0x0] =	vst v16  }
0x10a: {  	[tilespmem:s5+$0x0] =	vst v25  }
0x10b: {  	s25 =	simm.s32 $0x780;
	v12 =	vld.idx.msk [tilespmem:v18+s14+$0x0], $0xffff;
	[tilespmem:s4+$0x10] =	vst v11  }
0x10c: {  	s19 =	sadd.s32 $0x80, s19;
	[tilespmem:s5+$0x10] =	vst v26  }
0x10d: {  	s26 =	simm.s32 $0x770;
	v13 =	vld.idx.msk [tilespmem:v27+s14+$0x0], $0xffff;
	[tilespmem:s19+$0x30] =	vst v6  }
0x10e: {  	[tilespmem:s4+$0x20] =	vst v20  }
0x10f: {  	[tilespmem:s5+$0x20] =	vst v28  }
0x110: {  	[tilespmem:s11+$0xFFFFFFC0] =	vst v7;
	v8 =	vld.idx.msk [tilespmem:v19+s14+$0x0], $0xffff  }
.Ltmp7:
0x111: {  	v6 =	vld.idx.msk [tilespmem:v17+s16+$0x0], $0xffff;
	[tilespmem:s11+$0xFFFFFFD0] =	vst v14;
	(pc) =	sbr.rel @p2 .LBB2_8-.Ltmp7, $4  }
0x112: {  	v7 =	vld.idx.msk [tilespmem:v30+s16+$0x0], $0xffff;
	[tilespmem:s11+$0xFFFFFFE0] =	vst v21  }
0x113: {  	v9 =	vld.idx.msk [tilespmem:v31+s16+$0x0], $0xffff;
	[tilespmem:s11+$0xFFFFFFF0] =	vst v10  }
0x114: {  	v10 =	vld.idx.msk [tilespmem:v32+s16+$0x0], $0xffff;
	[tilespmem:s11+$0x0] =	vst v12  }
0x115: {  	s24 =	sadd.s32 $0x80, s24;
	v11 =	vld.idx.msk [tilespmem:v33+s16+$0x0], $0xffff;
	[tilespmem:s11+$0x10] =	vst v13  }
0x116: {  	_ = 	snop  }
0x117: {  	[tilespmem:s11+$0x20] =	vst v8  }
0x118: {  	[tilespmem:s19+$0xFFFFFFC0] =	vst v6  }
0x119: {  	[tilespmem:s3+$0x10] =	vst v2  }
0x11a: {  	v5 =	vld.idx.msk [tilespmem:v5+s16+$0x0], $0xffff;
	[tilespmem:s3+$0x20] =	vst v3  }
0x11b: {  	[tilespmem:s19+$0xFFFFFFD0] =	vst v7;
	v4 =	vld.idx.msk [tilespmem:v4+s16+$0x0], $0xffff  }
0x11c: {  	[tilespmem:s19+$0xFFFFFFE0] =	vst v9  }
0x11d: {  	[tilespmem:s19+$0xFFFFFFF0] =	vst v10  }
0x11e: {  	[tilespmem:s19+$0x0] =	vst v11  }
0x11f: {  	[tilespmem:s19+$0x10] =	vst v5  }
0x120: {  	[tilespmem:s19+$0x20] =	vst v4  }
.LBB2_10:
0x121: {  	v2 =	vld [tilespmem:s25+$0x0];
	_ =	sdelay $0x4  }
0x122: {  	v3 =	vshrl.u32 v2, $0x14  }
0x123: {  	v4 =	vshrl.u32 v2, $0xA  }
0x124: {  	v5 =	vadd.s32 $0xFFFFFFFF, v4  }
0x125: {  	[tilespmem:s13+$0x0] =	vst v5  }
0x126: {  	[tilespmem:s12+$0x0] =	vst v4  }
0x127: {  	v3 =	vld.idx.msk [tilespmem:v3+s14+$0x0], $0xffff  }
0x128: {  	v2 =	vand.u32 $0x3FF, v2;
	_ =	sdelay $0x3  }
0x129: {  	s26 =	sadd.s32 $0x10, s26;
	[tilespmem:s20+$0x0] =	vst v3  }
0x12a: {  	p2 =	slt.u32 s26, $0x7C0;
	v2 =	vld.idx.msk [tilespmem:v2+s16+$0x0], $0xffff  }
.Ltmp8:
0x12b: {  	_ = 	snop;
	(pc) =	sbr.rel @p2 .LBB2_10-.Ltmp8, $3  }
0x12c: {  	_ =	sdelay $0x1  }
0x12d: {  	s25 =	sadd.s32 $0x10, s25;
	s13 =	sadd.s32 $0x10, s13  }
0x12e: {  	s12 =	sadd.s32 $0x10, s12;
	s20 =	sadd.s32 $0x10, s20;
	[tilespmem:s17+$0x0] =	vst v2;
	s17 =	sadd.s32 $0x10, s17  }
0x12f: {  	s3 =	simm.s32 $0x1000;
	s4 =	simm.s32 $0x3000  }
0x130: {  	[tilespmem:s4], [sflag:$0x2] =	stream.indirect.gather [spmem:s7], $0x1, s3, s18, $0xb8;
	[tilespmem:$0x17280] =	vst v63  }
0x131: {  	s26 =	simm.s32 $0x2000;
	s28 =	simm.s32 $0x4000  }
0x132: {  	[tilespmem:s28], [sflag:$0x2] =	stream.indirect.gather [spmem:s7], $0x1, s26, s18, $0xb8;
	[tilespmem:$0x17280] =	vst v63  }
.LBB2_12:
0x133: {  	s3 =	sshll.u32 s1, $0x1  }
0x134: {  	p2 =	sge.u32 s3, s10  }
.Ltmp9:
0x135: {  	_ = 	snop;
	(pc) =	sbr.rel @p2 .LBB2_18-.Ltmp9, $1  }
0x136: {  	_ =	sdelay $0x3  }
0x137: {  	_ =	swait.ge [sflag:s29], $0x7D0  }
0x138: {  	[sflag:s29] =	ssyncset.done $0x0  }
0x139: {  	[sflag:s29] =	ssyncadd.s32 $0xFFFFF830  }
0x13a: {  	_ =	swait.ge [sflag:s29], $0x7D0  }
0x13b: {  	[sflag:s29] =	ssyncset.done $0x0  }
0x13c: {  	s5 =	simm.s32 $0x2840;
	[sflag:s29] =	ssyncadd.s32 $0xFFFFF830  }
0x13d: {  	s11 =	simm.s32 $0x5840;
	v2 =	vld [tilespmem:s5+$0x30]  }
0x13e: {  	s12 =	simm.s32 $0x3840;
	v3 =	vld [tilespmem:s11+$0x30]  }
0x13f: {  	s4 =	simm.s32 $0x4840;
	v4 =	vld [tilespmem:s12+$0x30]  }
0x140: {  	v5 =	vld [tilespmem:s4+$0x30];
	_ =	sdelay $0x2  }
0x141: {  	v2 =	vsub.f32 v3, v2  }
0x142: {  	v3 =	vsub.f32 v3, v4  }
0x143: {  	v6 =	vld [tilespmem:s11+$0xFFFFFFC0];
	v2 =	vmul.f32 v2, v5  }
0x144: {  	v7 =	vld [tilespmem:s12+$0xFFFFFFD0];
	v3 =	vmul.f32 v3, v5  }
0x145: {  	v8 =	vld [tilespmem:s11+$0xFFFFFFD0];
	v2 =	vmax.f32 v2, $-8.500000000e+01  }
0x146: {  	v9 =	vld [tilespmem:s5+$0xFFFFFFE0];
	v3 =	vmax.f32 v3, $-8.500000000e+01;
	v2 =	vmin.f32 v2, $8.500000000e+01  }
0x147: {  	v10 =	vld [tilespmem:s12+$0xFFFFFFE0];
	v3 =	vmin.f32 v3, $8.500000000e+01;
	v2 =	vsub.f32 $0.0e+00, v2  }
0x148: {  	v11 =	vld [tilespmem:s11+$0xFFFFFFE0];
	v3 =	vsub.f32 $0.0e+00, v3  }
0x149: {  	v12 =	vld [tilespmem:s5+$0xFFFFFFF0];
	v2 =	vmul.f32 $1.442695020e+00, v2  }
0x14a: {  	v13 =	vld [tilespmem:s5+$0x0];
	v3 =	vmul.f32 $1.442695020e+00, v3  }
0x14b: {  	v14 =	vld [tilespmem:s12+$0x0];
	(erf) = vpow2.f32 v2  }
0x14c: {  	v15 =	vld [tilespmem:s11+$0x0];
	(erf) = vpow2.f32 v3  }
0x14d: {  	v16 =	vld [tilespmem:s5+$0x10]  }
0x14e: {  	v17 =	vld [tilespmem:s12+$0x10]  }
0x14f: {  	v18 =	vld [tilespmem:s11+$0x10]  }
0x150: {  	v19 =	vld [tilespmem:s5+$0x20]  }
0x151: {  	v21 =	vld [tilespmem:s12+$0x20]  }
0x152: {  	v23 =	vld [tilespmem:s5+$0xFFFFFFC0]  }
0x153: {  	v5 =	vld [tilespmem:s5+$0xFFFFFFD0]  }
0x154: {  	v4 =	vld [tilespmem:s12+$0xFFFFFFC0];
	v20 =	vpop (erf)  }
0x155: {  	v3 =	vld [tilespmem:s11+$0xFFFFFFF0];
	v20 =	vadd.f32 $1.000000000e+00, v20;
	v22 =	vpop (erf)  }
0x156: {  	v7 =	vsub.f32 v8, v7;
	v2 =	vld [tilespmem:s12+$0xFFFFFFF0];
	v22 =	vadd.f32 $1.000000000e+00, v22  }
0x157: {  	v24 =	vld [tilespmem:s4+$0xFFFFFFC0];
	v10 =	vsub.f32 v11, v10;
	v14 =	vsub.f32 v15, v14;
	(erf) = vrcp.f32 v20  }
0x158: {  	v5 =	vsub.f32 v8, v5;
	v8 =	vsub.f32 v11, v9;
	v9 =	vld [tilespmem:s11+$0x20];
	(erf) = vrcp.f32 v22  }
0x159: {  	v16 =	vsub.f32 v18, v16;
	v4 =	vsub.f32 v6, v4  }
0x15a: {  	v6 =	vsub.f32 v6, v23;
	v11 =	vsub.f32 v3, v12;
	v12 =	vld [tilespmem:s4+$0xFFFFFFD0]  }
0x15b: {  	v2 =	vsub.f32 v3, v2;
	v3 =	vsub.f32 v15, v13;
	v13 =	vld [tilespmem:s4+$0xFFFFFFE0]  }
0x15c: {  	v17 =	vsub.f32 v18, v17;
	v18 =	vld [tilespmem:s4+$0x0];
	v4 =	vmul.f32 v4, v24;
	v6 =	vmul.f32 v6, v24  }
0x15d: {  	v19 =	vsub.f32 v9, v19;
	v9 =	vsub.f32 v9, v21;
	v21 =	vld [tilespmem:s4+$0x20]  }
0x15e: {  	v4 =	vmax.f32 v4, $-8.500000000e+01;
	v6 =	vmax.f32 v6, $-8.500000000e+01  }
0x15f: {  	v6 =	vmin.f32 v6, $8.500000000e+01;
	v4 =	vmin.f32 v4, $8.500000000e+01;
	v5 =	vmul.f32 v5, v12;
	v20 =	vld [tilespmem:s4+$0x10]  }
0x160: {  	v6 =	vsub.f32 $0.0e+00, v6;
	v15 =	vld [tilespmem:s4+$0xFFFFFFF0];
	v7 =	vmul.f32 v7, v12;
	v8 =	vmul.f32 v8, v13;
	v12 =	vpop (erf)  }
0x161: {  	v4 =	vsub.f32 $0.0e+00, v4;
	v10 =	vmul.f32 v10, v13;
	v13 =	vmul.f32 v14, v18;
	v14 =	vpop (erf)  }
0x162: {  	v6 =	vmul.f32 $1.442695020e+00, v6;
	v9 =	vmul.f32 v9, v21;
	v12 =	vsub.f32 v12, v14  }
0x163: {  	v4 =	vmul.f32 $1.442695020e+00, v4;
	v3 =	vmul.f32 v3, v18  }
0x164: {  	v9 =	vmax.f32 v9, $-8.500000000e+01;
	v14 =	vmul.f32 v17, v20;
	v17 =	vand.u32 $0x7FFFFF, v12  }
0x165: {  	v3 =	vmax.f32 v3, $-8.500000000e+01;
	v11 =	vmul.f32 v11, v15;
	v17 =	vor.u32 $0x3F800000, v17  }
0x166: {  	v2 =	vmul.f32 v2, v15;
	v3 =	vmin.f32 v3, $8.500000000e+01;
	v18 =	vmul.f32 $5.000000000e-01, v17  }
0x167: {  	v3 =	vsub.f32 $0.0e+00, v3;
	v5 =	vmax.f32 v5, $-8.500000000e+01;
	vm0 =	vge.f32 v17, $1.414213540e+00  }
0x168: {  	v7 =	vmax.f32 v7, $-8.500000000e+01;
	v8 =	vmax.f32 v8, $-8.500000000e+01;
	v17 =	vsel vm0, v18, v17  }
0x169: {  	v10 =	vmax.f32 v10, $-8.500000000e+01;
	v11 =	vmax.f32 v11, $-8.500000000e+01;
	v18 =	vadd.f32 $1.000000000e+00, v17  }
0x16a: {  	v2 =	vmax.f32 v2, $-8.500000000e+01;
	v13 =	vmax.f32 v13, $-8.500000000e+01;
	v5 =	vmin.f32 v5, $8.500000000e+01  }
0x16b: {  	v7 =	vmin.f32 v7, $8.500000000e+01;
	v8 =	vmin.f32 v8, $8.500000000e+01;
	(erf) = vrcp.f32 v18  }
0x16c: {  	v10 =	vmin.f32 v10, $8.500000000e+01;
	v11 =	vmin.f32 v11, $8.500000000e+01;
	v2 =	vmin.f32 v2, $8.500000000e+01  }
0x16d: {  	v3 =	vmul.f32 $1.442695020e+00, v3;
	v5 =	vsub.f32 $0.0e+00, v5;
	v7 =	vsub.f32 $0.0e+00, v7  }
0x16e: {  	v8 =	vsub.f32 $0.0e+00, v8;
	v10 =	vsub.f32 $0.0e+00, v10;
	v15 =	vmul.f32 v16, v20  }
0x16f: {  	v11 =	vsub.f32 $0.0e+00, v11;
	v16 =	vmul.f32 v19, v21;
	v5 =	vmul.f32 $1.442695020e+00, v5  }
0x170: {  	v2 =	vsub.f32 $0.0e+00, v2;
	v7 =	vmul.f32 $1.442695020e+00, v7;
	v8 =	vmul.f32 $1.442695020e+00, v8  }
0x171: {  	v13 =	vmin.f32 v13, $8.500000000e+01;
	v10 =	vmul.f32 $1.442695020e+00, v10;
	v11 =	vmul.f32 $1.442695020e+00, v11  }
0x172: {  	v2 =	vmul.f32 $1.442695020e+00, v2;
	v15 =	vmax.f32 v15, $-8.500000000e+01;
	v16 =	vmax.f32 v16, $-8.500000000e+01  }
0x173: {  	v15 =	vmin.f32 v15, $8.500000000e+01;
	(erf) = vpow2.f32 v6;
	v6 =	vadd.f32 $-1.000000000e+00, v17  }
0x174: {  	v14 =	vmax.f32 v14, $-8.500000000e+01;
	(erf) = vpow2.f32 v4;
	v4 =	vsub.f32 $0.0e+00, v13;
	v13 =	vpop (erf)  }
0x175: {  	v14 =	vmin.f32 v14, $8.500000000e+01;
	(erf) = vpow2.f32 v5;
	v6 =	vmul.f32 v13, v6  }
0x176: {  	v5 =	vmin.f32 v16, $8.500000000e+01;
	(erf) = vpow2.f32 v7;
	v7 =	vsub.f32 $0.0e+00, v15  }
0x177: {  	(erf) = vpow2.f32 v8;
	v8 =	vmin.f32 v9, $8.500000000e+01;
	v9 =	vmul.f32 v6, v6  }
0x178: {  	v4 =	vmul.f32 $1.442695020e+00, v4;
	v5 =	vsub.f32 $0.0e+00, v5;
	(erf) = vpow2.f32 v10  }
0x179: {  	v10 =	vsub.f32 $0.0e+00, v14;
	(erf) = vpow2.f32 v11;
	v11 =	vmul.f32 $1.428571490e-01, v9  }
0x17a: {  	v7 =	vmul.f32 $1.442695020e+00, v7;
	(erf) = vpow2.f32 v2  }
0x17b: {  	(erf) = vpow2.f32 v3;
	v3 =	vmul.f32 $1.442695020e+00, v5;
	v5 =	vadd.f32 $2.000000030e-01, v11  }
0x17c: {  	v2 =	vsub.f32 $0.0e+00, v8;
	v8 =	vmul.f32 $1.442695020e+00, v10  }
0x17d: {  	v10 =	vpop (erf);
	(erf) = vpow2.f32 v4;
	v5 =	vmul.f32 v5, v9  }
0x17e: {  	v2 =	vmul.f32 $1.442695020e+00, v2;
	v4 =	vpop (erf);
	(erf) = vpow2.f32 v7  }
0x17f: {  	v7 =	vpop (erf);
	(erf) = vpow2.f32 v8;
	v8 =	vadd.f32 $1.000000000e+00, v10;
	v4 =	vadd.f32 $1.000000000e+00, v4  }
0x180: {  	v10 =	vpop (erf);
	(erf) = vpow2.f32 v3;
	v7 =	vadd.f32 $1.000000000e+00, v7;
	v3 =	vadd.f32 $3.333333430e-01, v5  }
0x181: {  	v10 =	vadd.f32 $1.000000000e+00, v10;
	v5 =	vpop (erf);
	(erf) = vpow2.f32 v2;
	v2 =	vshrl.u32 v12, $0x17  }
0x182: {  	s17 =	simm.s32 $0x38C0;
	v3 =	vmul.f32 v3, v9;
	v11 =	vpop (erf);
	(erf) = vrcp.f32 v8;
	v8 =	vsel vm0, $0x1, v0  }
0x183: {  	s26 =	simm.s32 $0x28C0;
	v31 =	vld [tilespmem:s17+$0xFFFFFFC0];
	v12 =	vpop (erf);
	(erf) = vrcp.f32 v4;
	v2 =	vadd.s32 v8, v2;
	v4 =	vadd.f32 $1.000000000e+00, v5  }
0x184: {  	v35 =	vld [tilespmem:s26+$0xFFFFFFD0];
	v3 =	vadd.f32 $1.000000000e+00, v3;
	v5 =	vpop (erf);
	(erf) = vrcp.f32 v7;
	v7 =	vadd.f32 $1.000000000e+00, v11  }
0x185: {  	v36 =	vld [tilespmem:s17+$0xFFFFFFD0];
	v2 =	vadd.s32 $0xFFFFFF81, v2;
	v9 =	vadd.f32 $1.000000000e+00, v12;
	v8 =	vpop (erf);
	(erf) = vrcp.f32 v10  }
0x186: {  	v39 =	vld [tilespmem:s17+$0xFFFFFFE0];
	v5 =	vadd.f32 $1.000000000e+00, v5;
	v2 =	vcvt.s32.f32 v2;
	v10 =	vpop (erf);
	(erf) = vrcp.f32 v4  }
0x187: {  	v41 =	vld [tilespmem:s26+$0xFFFFFFF0];
	v4 =	vadd.f32 v6, v6;
	v6 =	vpop (erf);
	(erf) = vrcp.f32 v7;
	v7 =	vadd.f32 $1.000000000e+00, v8  }
0x188: {  	v42 =	vld [tilespmem:s17+$0xFFFFFFF0];
	s4 =	simm.s32 $0x58C0;
	v2 =	vmul.f32 $6.931471820e-01, v2;
	v8 =	vpop (erf);
	(erf) = vrcp.f32 v9  }
0x189: {  	v34 =	vld [tilespmem:s4+$0xFFFFFFC0];
	v9 =	vadd.f32 $1.000000000e+00, v10;
	v3 =	vmul.f32 v3, v4;
	v4 =	vadd.f32 $1.000000000e+00, v6;
	v10 =	vpop (erf)  }
0x18a: {  	v38 =	vld [tilespmem:s4+$0xFFFFFFD0];
	(erf) = vrcp.f32 v5;
	v5 =	vpop (erf)  }
0x18b: {  	v40 =	vld [tilespmem:s4+$0xFFFFFFE0];
	(erf) = vrcp.f32 v7;
	v2 =	vadd.f32 v3, v2;
	v7 =	vpop (erf)  }
0x18c: {  	v43 =	vld [tilespmem:s4+$0xFFFFFFF0];
	v6 =	vadd.f32 $1.000000000e+00, v8;
	(erf) = vrcp.f32 v9;
	v5 =	vadd.f32 $1.000000000e+00, v5;
	v8 =	vpop (erf)  }
0x18d: {  	v58 =	vld [tilespmem:s26+$0x10];
	v3 =	vadd.f32 $1.000000000e+00, v10;
	(erf) = vrcp.f32 v4;
	v4 =	vpop (erf)  }
0x18e: {  	s11 =	simm.s32 $0x48C0;
	v60 =	vld [tilespmem:s4+$0x10];
	v31 =	vsub.f32 v34, v31;
	(erf) = vrcp.f32 v6;
	v6 =	vsub.f32 v7, v8;
	v7 =	vpop (erf)  }
0x18f: {  	v45 =	vld [tilespmem:s11+$0xFFFFFFE0];
	v35 =	vsub.f32 v38, v35;
	v10 =	vsub.f32 v1, v2;
	(erf) = vrcp.f32 v3;
	v2 =	vpop (erf)  }
0x190: {  	v36 =	vsub.f32 v38, v36;
	v57 =	vsub.f32 v40, v39;
	(erf) = vrcp.f32 v5;
	v5 =	vpop (erf)  }
0x191: {  	v59 =	vsub.f32 v43, v41;
	v2 =	vsub.f32 v2, v5  }
0x192: {  	v61 =	vsub.f32 v43, v42;
	v4 =	vsub.f32 v4, v7  }
0x193: {  	v39 =	vsub.f32 v60, v58;
	v3 =	vand.u32 $0x7FFFFF, v6;
	v5 =	vpop (erf);
	v11 =	vand.u32 $0x7FFFFF, v2  }
0x194: {  	v52 =	vmul.f32 v57, v45;
	v3 =	vor.u32 $0x3F800000, v3;
	v8 =	vand.u32 $0x7FFFFF, v4;
	v9 =	vpop (erf)  }
0x195: {  	v7 =	vmul.f32 $5.000000000e-01, v3;
	vm15 =	vge.f32 v3, $1.414213540e+00;
	v8 =	vor.u32 $0x3F800000, v8;
	v12 =	vpop (erf)  }
0x196: {  	v13 =	vmul.f32 $5.000000000e-01, v8;
	v5 =	vsub.f32 v5, v9;
	v9 =	vor.u32 $0x3F800000, v11;
	v11 =	vpop (erf)  }
0x197: {  	v3 =	vsel vm15, v7, v3;
	vm1 =	vge.f32 v8, $1.414213540e+00;
	v11 =	vsub.f32 v12, v11  }
0x198: {  	v7 =	vmul.f32 $5.000000000e-01, v9;
	v15 =	vand.u32 $0x7FFFFF, v5;
	v8 =	vsel vm1, v13, v8  }
0x199: {  	vm2 =	vge.f32 v9, $1.414213540e+00;
	v13 =	vor.u32 $0x3F800000, v15;
	v15 =	vand.u32 $0x7FFFFF, v11  }
0x19a: {  	v54 =	vmax.f32 v52, $-8.500000000e+01;
	v14 =	vpop (erf);
	v7 =	vsel vm2, v7, v9;
	v9 =	vor.u32 $0x3F800000, v15  }
0x19b: {  	v6 =	vshrl.u32 v6, $0x17;
	v19 =	vadd.f32 $1.000000000e+00, v3;
	v12 =	vpop (erf);
	v18 =	vmul.f32 $5.000000000e-01, v9  }
0x19c: {  	v12 =	vsub.f32 v14, v12;
	v14 =	vmul.f32 $5.000000000e-01, v13;
	vm4 =	vge.f32 v9, $1.414213540e+00  }
0x19d: {  	vm3 =	vge.f32 v13, $1.414213540e+00;
	v9 =	vsel vm4, v18, v9;
	v18 =	vadd.f32 $1.000000000e+00, v8  }
0x19e: {  	(erf) = vrcp.f32 v19;
	v19 =	vadd.f32 $1.000000000e+00, v7;
	v16 =	vpop (erf);
	v13 =	vsel vm3, v14, v13  }
0x19f: {  	v17 =	vand.u32 $0x7FFFFF, v12;
	v15 =	vpop (erf);
	v20 =	vadd.f32 $1.000000000e+00, v13;
	(erf) = vrcp.f32 v18  }
0x1a0: {  	v15 =	vsub.f32 v16, v15;
	v21 =	vadd.f32 $1.000000000e+00, v9;
	(erf) = vrcp.f32 v19  }
0x1a1: {  	v4 =	vshrl.u32 v4, $0x17;
	v16 =	vor.u32 $0x3F800000, v17;
	(erf) = vrcp.f32 v20  }
0x1a2: {  	v14 =	vmul.f32 $5.000000000e-01, v16;
	v17 =	vand.u32 $0x7FFFFF, v15;
	(erf) = vrcp.f32 v21  }
0x1a3: {  	v23 =	vshrl.u32 v2, $0x17;
	vm5 =	vge.f32 v16, $1.414213540e+00;
	v17 =	vor.u32 $0x3F800000, v17  }
0x1a4: {  	v3 =	vadd.f32 $-1.000000000e+00, v3;
	v14 =	vsel vm5, v14, v16;
	v16 =	vmul.f32 $5.000000000e-01, v17  }
0x1a5: {  	v24 =	vshrl.u32 v5, $0x17;
	v7 =	vadd.f32 $-1.000000000e+00, v7;
	vm6 =	vge.f32 v17, $1.414213540e+00  }
0x1a6: {  	v13 =	vadd.f32 $-1.000000000e+00, v13;
	v16 =	vsel vm6, v16, v17;
	v17 =	vadd.f32 $1.000000000e+00, v14  }
0x1a7: {  	v11 =	vshrl.u32 v11, $0x17;
	v8 =	vadd.f32 $-1.000000000e+00, v8;
	v9 =	vadd.f32 $-1.000000000e+00, v9;
	v2 =	vpop (erf)  }
0x1a8: {  	v2 =	vmul.f32 v2, v3;
	(erf) = vrcp.f32 v17;
	v17 =	vsel vm1, $0x1, v0;
	v3 =	vpop (erf)  }
0x1a9: {  	v19 =	vsel vm15, $0x1, v0;
	v20 =	vsel vm2, $0x1, v0;
	v17 =	vadd.s32 v17, v4;
	v4 =	vpop (erf)  }
0x1aa: {  	v18 =	vadd.f32 $1.000000000e+00, v16;
	v5 =	vmul.f32 v3, v8;
	v3 =	vmul.f32 v4, v7;
	v4 =	vpop (erf)  }
0x1ab: {  	v19 =	vadd.s32 v19, v6;
	v20 =	vadd.s32 v20, v23;
	v23 =	vld [tilespmem:s4+$0x30];
	v6 =	vmul.f32 v4, v13;
	v4 =	vpop (erf)  }
0x1ac: {  	(erf) = vrcp.f32 v18;
	v18 =	vsel vm3, $0x1, v0;
	v4 =	vmul.f32 v4, v9;
	v9 =	vld [tilespmem:s26+$0x30]  }
0x1ad: {  	v15 =	vshrl.u32 v15, $0x17;
	v25 =	vsel vm6, $0x1, v0;
	v18 =	vadd.s32 v18, v24;
	v24 =	vld [tilespmem:s17+$0x30]  }
0x1ae: {  	v12 =	vshrl.u32 v12, $0x17;
	v22 =	vsel vm5, $0x1, v0;
	v15 =	vadd.s32 v25, v15;
	v25 =	vld [tilespmem:s11+$0x30]  }
0x1af: {  	v12 =	vadd.s32 v22, v12;
	v21 =	vsel vm4, $0x1, v0;
	v26 =	vmul.f32 v2, v2  }
0x1b0: {  	v19 =	vadd.s32 $0xFFFFFF81, v19;
	v2 =	vadd.f32 v2, v2;
	v14 =	vadd.f32 $-1.000000000e+00, v14  }
0x1b1: {  	v11 =	vadd.s32 v21, v11;
	v20 =	vadd.s32 $0xFFFFFF81, v20;
	v9 =	vsub.f32 v23, v9  }
0x1b2: {  	v13 =	vmul.f32 v5, v5;
	v21 =	vmul.f32 v3, v3;
	v23 =	vsub.f32 v23, v24  }
0x1b3: {  	v16 =	vadd.f32 $-1.000000000e+00, v16;
	v22 =	vmul.f32 v6, v6;
	v9 =	vmul.f32 v9, v25  }
0x1b4: {  	v33 =	vadd.s32 $0xFFFFFF81, v11;
	v28 =	vmul.f32 $1.428571490e-01, v13;
	v7 =	vpop (erf);
	v23 =	vmul.f32 v23, v25  }
0x1b5: {  	v30 =	vmul.f32 $1.428571490e-01, v21;
	v7 =	vmul.f32 v7, v14;
	v9 =	vmax.f32 v9, $-8.500000000e+01  }
0x1b6: {  	v14 =	vmul.f32 v4, v4;
	v23 =	vmax.f32 v23, $-8.500000000e+01;
	v9 =	vmin.f32 v9, $8.500000000e+01  }
0x1b7: {  	v8 =	vpop (erf);
	v32 =	vmul.f32 $1.428571490e-01, v22;
	v23 =	vmin.f32 v23, $8.500000000e+01;
	v9 =	vsub.f32 $0.0e+00, v9  }
0x1b8: {  	v8 =	vmul.f32 v8, v16;
	v16 =	vmul.f32 $1.428571490e-01, v26;
	v23 =	vsub.f32 $0.0e+00, v23  }
0x1b9: {  	v17 =	vadd.s32 $0xFFFFFF81, v17;
	v27 =	vmul.f32 v7, v7;
	v9 =	vmul.f32 $1.442695020e+00, v9  }
0x1ba: {  	v56 =	vld [tilespmem:s26+$0xFFFFFFE0];
	v28 =	vadd.f32 $2.000000030e-01, v28;
	v29 =	vmul.f32 v8, v8;
	v23 =	vmul.f32 $1.442695020e+00, v23  }
0x1bb: {  	v11 =	vadd.f32 $2.000000030e-01, v16;
	v16 =	vmul.f32 $1.428571490e-01, v14;
	(erf) = vpow2.f32 v9  }
0x1bc: {  	v18 =	vadd.s32 $0xFFFFFF81, v18;
	v37 =	vmul.f32 $1.428571490e-01, v29;
	(erf) = vpow2.f32 v23  }
0x1bd: {  	v30 =	vadd.f32 $2.000000030e-01, v30;
	v28 =	vmul.f32 v28, v13;
	v16 =	vadd.f32 $2.000000030e-01, v16  }
0x1be: {  	v24 =	vmul.f32 $1.428571490e-01, v27;
	v11 =	vmul.f32 v11, v26;
	v37 =	vadd.f32 $2.000000030e-01, v37  }
0x1bf: {  	v25 =	vadd.f32 $2.000000030e-01, v32;
	v32 =	vsub.f32 v40, v56;
	v16 =	vmul.f32 v16, v14  }
0x1c0: {  	v11 =	vadd.f32 $3.333333430e-01, v11;
	v37 =	vmul.f32 v37, v29;
	v9 =	vadd.f32 $3.333333430e-01, v28  }
0x1c1: {  	v30 =	vmul.f32 v30, v21;
	v24 =	vadd.f32 $2.000000030e-01, v24;
	v16 =	vadd.f32 $3.333333430e-01, v16  }
0x1c2: {  	v11 =	vmul.f32 v11, v26;
	v13 =	vmul.f32 v9, v13;
	v9 =	vadd.f32 $3.333333430e-01, v37  }
0x1c3: {  	v44 =	vld [tilespmem:s26+$0x0];
	v25 =	vmul.f32 v25, v22;
	v16 =	vmul.f32 v16, v14;
	v14 =	vadd.s32 $0xFFFFFF81, v12  }
0x1c4: {  	v49 =	vld [tilespmem:s11+$0xFFFFFFF0];
	v29 =	vmul.f32 v9, v29;
	v9 =	vcvt.s32.f32 v19;
	v19 =	vadd.f32 $1.000000000e+00, v11;
	v12 =	vpop (erf)  }
0x1c5: {  	v63 =	vld [tilespmem:s4+$0x20];
	v48 =	vadd.f32 $1.000000000e+00, v13;
	v11 =	vcvt.s32.f32 v17;
	v13 =	vadd.f32 $1.000000000e+00, v12;
	v17 =	vpop (erf)  }
0x1c6: {  	v32 =	vmul.f32 v32, v45;
	v25 =	vadd.f32 $3.333333430e-01, v25;
	v28 =	vld [tilespmem:s17+$0x0];
	v17 =	vadd.f32 $1.000000000e+00, v17  }
0x1c7: {  	v23 =	vmul.f32 v24, v27;
	v24 =	vadd.f32 $3.333333430e-01, v30;
	v30 =	vld [tilespmem:s4+$0x0];
	(erf) = vrcp.f32 v13  }
0x1c8: {  	v32 =	vmax.f32 v32, $-8.500000000e+01;
	v22 =	vmul.f32 v25, v22;
	v25 =	vld [tilespmem:s17+$0x20];
	(erf) = vrcp.f32 v17  }
0x1c9: {  	v51 =	vld [tilespmem:s11+$0x20];
	v6 =	vadd.f32 v6, v6;
	v32 =	vmin.f32 v32, $8.500000000e+01;
	v23 =	vadd.f32 $3.333333430e-01, v23  }
0x1ca: {  	v32 =	vsub.f32 $0.0e+00, v32;
	v22 =	vadd.f32 $1.000000000e+00, v22;
	v21 =	vmul.f32 v24, v21;
	v24 =	vld [tilespmem:s26+$0x20]  }
0x1cb: {  	v37 =	vmul.f32 v59, v49;
	v23 =	vmul.f32 v23, v27;
	v27 =	vadd.s32 $0xFFFFFF81, v15;
	v15 =	vld [tilespmem:s26+$0xFFFFFFC0]  }
0x1cc: {  	v32 =	vmul.f32 $1.442695020e+00, v32;
	v62 =	vsub.f32 v30, v44;
	v28 =	vsub.f32 v30, v28;
	v30 =	vld [tilespmem:s11+$0xFFFFFFC0]  }
0x1cd: {  	v25 =	vsub.f32 v63, v25;
	v37 =	vmax.f32 v37, $-8.500000000e+01;
	v12 =	vcvt.s32.f32 v20;
	v20 =	vld [tilespmem:s11+$0xFFFFFFD0]  }
0x1ce: {  	v26 =	vld [tilespmem:s17+$0x10];
	v16 =	vadd.f32 $1.000000000e+00, v16;
	v21 =	vadd.f32 $1.000000000e+00, v21;
	v37 =	vmin.f32 v37, $8.500000000e+01  }
0x1cf: {  	v25 =	vmul.f32 v25, v51;
	v37 =	vsub.f32 $0.0e+00, v37;
	v19 =	vmul.f32 v19, v2  }
0x1d0: {  	v2 =	vadd.f32 v3, v3;
	v13 =	vcvt.s32.f32 v18;
	v18 =	vsub.f32 v34, v15;
	v55 =	vpop (erf)  }
0x1d1: {  	v25 =	vmax.f32 v25, $-8.500000000e+01;
	v24 =	vsub.f32 v63, v24;
	v31 =	vmul.f32 v31, v30;
	v56 =	vpop (erf)  }
0x1d2: {  	v18 =	vmul.f32 v18, v30;
	v30 =	vmul.f32 v35, v20;
	v35 =	vsub.f32 v55, v56  }
0x1d3: {  	v23 =	vadd.f32 $1.000000000e+00, v23;
	v25 =	vmin.f32 v25, $8.500000000e+01;
	v17 =	vsub.f32 v60, v26;
	v26 =	vld [tilespmem:s11+$0x0]  }
0x1d4: {  	v50 =	vld [tilespmem:s11+$0x10];
	v24 =	vmul.f32 v24, v51;
	v20 =	vmul.f32 v36, v20;
	v36 =	vand.u32 $0x7FFFFF, v35  }
0x1d5: {  	v37 =	vmul.f32 $1.442695020e+00, v37;
	v15 =	vcvt.s32.f32 v33;
	v36 =	vor.u32 $0x3F800000, v36  }
0x1d6: {  	v34 =	vmul.f32 v61, v49;
	v24 =	vmax.f32 v24, $-8.500000000e+01;
	v57 =	vmul.f32 $5.000000000e-01, v36  }
0x1d7: {  	v33 =	vmin.f32 v54, $8.500000000e+01;
	v31 =	vmax.f32 v31, $-8.500000000e+01;
	vm8 =	vge.f32 v36, $1.414213540e+00  }
0x1d8: {  	v24 =	vmin.f32 v24, $8.500000000e+01;
	v53 =	vmul.f32 v62, v26;
	v36 =	vsel vm8, v57, v36  }
0x1d9: {  	v26 =	vmul.f32 v28, v26;
	v28 =	vmul.f32 v39, v50;
	v39 =	vadd.f32 $1.000000000e+00, v36  }
0x1da: {  	v33 =	vsub.f32 $0.0e+00, v33;
	v34 =	vmax.f32 v34, $-8.500000000e+01;
	v31 =	vmin.f32 v31, $8.500000000e+01  }
0x1db: {  	v24 =	vsub.f32 $0.0e+00, v24;
	v17 =	vmul.f32 v17, v50;
	(erf) = vrcp.f32 v39  }
0x1dc: {  	v34 =	vmin.f32 v34, $8.500000000e+01;
	v31 =	vsub.f32 $0.0e+00, v31;
	v33 =	vmul.f32 $1.442695020e+00, v33  }
0x1dd: {  	v18 =	vmax.f32 v18, $-8.500000000e+01;
	v34 =	vsub.f32 $0.0e+00, v34;
	v24 =	vmul.f32 $1.442695020e+00, v24  }
0x1de: {  	v30 =	vmax.f32 v30, $-8.500000000e+01;
	v20 =	vmax.f32 v20, $-8.500000000e+01;
	v17 =	vmax.f32 v17, $-8.500000000e+01  }
0x1df: {  	v18 =	vmin.f32 v18, $8.500000000e+01;
	v31 =	vmul.f32 $1.442695020e+00, v31;
	v30 =	vmin.f32 v30, $8.500000000e+01  }
0x1e0: {  	v20 =	vmin.f32 v20, $8.500000000e+01;
	v17 =	vmin.f32 v17, $8.500000000e+01;
	v18 =	vsub.f32 $0.0e+00, v18  }
0x1e1: {  	v34 =	vmul.f32 $1.442695020e+00, v34;
	v30 =	vsub.f32 $0.0e+00, v30;
	v20 =	vsub.f32 $0.0e+00, v20  }
0x1e2: {  	v17 =	vsub.f32 $0.0e+00, v17;
	v38 =	vmax.f32 v53, $-8.500000000e+01;
	v26 =	vmax.f32 v26, $-8.500000000e+01  }
0x1e3: {  	v18 =	vmul.f32 $1.442695020e+00, v18;
	v38 =	vmin.f32 v38, $8.500000000e+01;
	v36 =	vadd.f32 $-1.000000000e+00, v36  }
0x1e4: {  	v30 =	vmul.f32 $1.442695020e+00, v30;
	v20 =	vmul.f32 $1.442695020e+00, v20;
	v38 =	vsub.f32 $0.0e+00, v38;
	v39 =	vpop (erf)  }
0x1e5: {  	v26 =	vmin.f32 v26, $8.500000000e+01;
	v17 =	vmul.f32 $1.442695020e+00, v17;
	v36 =	vmul.f32 v39, v36  }
0x1e6: {  	v26 =	vsub.f32 $0.0e+00, v26;
	v38 =	vmul.f32 $1.442695020e+00, v38;
	(erf) = vpow2.f32 v18  }
0x1e7: {  	v18 =	vcvt.s32.f32 v27;
	v27 =	vadd.f32 $1.000000000e+00, v29;
	v29 =	vmul.f32 v36, v36  }
0x1e8: {  	v28 =	vmax.f32 v28, $-8.500000000e+01;
	v26 =	vmul.f32 $1.442695020e+00, v26;
	(erf) = vpow2.f32 v31  }
0x1e9: {  	v28 =	vmin.f32 v28, $8.500000000e+01;
	(erf) = vpow2.f32 v30;
	v3 =	vmul.f32 $1.428571490e-01, v29  }
0x1ea: {  	v28 =	vsub.f32 $0.0e+00, v28;
	(erf) = vpow2.f32 v20;
	v20 =	vmul.f32 v21, v2  }
0x1eb: {  	v2 =	vadd.f32 v4, v4;
	(erf) = vpow2.f32 v32;
	v3 =	vadd.f32 $2.000000030e-01, v3  }
0x1ec: {  	v21 =	vmul.f32 v22, v6;
	v4 =	vadd.f32 v7, v7;
	(erf) = vpow2.f32 v33  }
0x1ed: {  	v6 =	vadd.f32 v8, v8;
	v8 =	vmul.f32 v16, v2;
	v3 =	vmul.f32 v3, v29  }
0x1ee: {  	v7 =	vsel vm8, $0x1, v0;
	v22 =	vmul.f32 v23, v4;
	(erf) = vpow2.f32 v37  }
0x1ef: {  	v4 =	vshrl.u32 v35, $0x17;
	(erf) = vpow2.f32 v34;
	v2 =	vadd.f32 $3.333333430e-01, v3  }
0x1f0: {  	v28 =	vmul.f32 $1.442695020e+00, v28;
	v4 =	vadd.s32 v7, v4;
	(erf) = vpow2.f32 v38  }
0x1f1: {  	v4 =	vadd.s32 $0xFFFFFF81, v4;
	v3 =	vpop (erf);
	(erf) = vpow2.f32 v26;
	v2 =	vmul.f32 v2, v29  }
0x1f2: {  	v25 =	vsub.f32 $0.0e+00, v25;
	v4 =	vcvt.s32.f32 v4;
	v16 =	vpop (erf);
	(erf) = vpow2.f32 v28  }
0x1f3: {  	v23 =	vadd.f32 v36, v36;
	v7 =	vpop (erf);
	(erf) = vpow2.f32 v17;
	v2 =	vadd.f32 $1.000000000e+00, v2  }
0x1f4: {  	v25 =	vmul.f32 $1.442695020e+00, v25;
	v3 =	vadd.f32 $1.000000000e+00, v3;
	v17 =	vpop (erf);
	(erf) = vpow2.f32 v24  }
0x1f5: {  	v4 =	vmul.f32 $6.931471820e-01, v4;
	v24 =	vpop (erf);
	v2 =	vmul.f32 v2, v23  }
0x1f6: {  	v16 =	vadd.f32 $1.000000000e+00, v16;
	v7 =	vadd.f32 $1.000000000e+00, v7;
	(erf) = vpow2.f32 v25;
	v26 =	vpop (erf)  }
0x1f7: {  	v5 =	vadd.f32 v5, v5;
	(erf) = vrcp.f32 v3;
	v23 =	vpop (erf);
	v2 =	vadd.f32 v2, v4  }
0x1f8: {  	v17 =	vadd.f32 $1.000000000e+00, v17;
	v24 =	vadd.f32 $1.000000000e+00, v24;
	(erf) = vrcp.f32 v16;
	v3 =	vpop (erf)  }
0x1f9: {  	v5 =	vmul.f32 v48, v5;
	(erf) = vrcp.f32 v7;
	v4 =	vpop (erf)  }
0x1fa: {  	v9 =	vmul.f32 $6.931471820e-01, v9;
	v25 =	vadd.f32 $1.000000000e+00, v26;
	v7 =	vpop (erf);
	(erf) = vrcp.f32 v17  }
0x1fb: {  	v23 =	vadd.f32 $1.000000000e+00, v23;
	v16 =	vsub.f32 v1, v2;
	v2 =	vpop (erf);
	(erf) = vrcp.f32 v24  }
0x1fc: {  	v3 =	vadd.f32 $1.000000000e+00, v3;
	v4 =	vadd.f32 $1.000000000e+00, v4;
	v24 =	vpop (erf);
	(erf) = vrcp.f32 v25  }
0x1fd: {  	v7 =	vadd.f32 $1.000000000e+00, v7;
	v17 =	vadd.f32 $1.000000000e+00, v2;
	v2 =	vmul.f32 v27, v6;
	v6 =	vpop (erf)  }
0x1fe: {  	(erf) = vrcp.f32 v23;
	v25 =	vadd.f32 $1.000000000e+00, v6;
	v6 =	vmul.f32 $6.931471820e-01, v11  }
0x1ff: {  	(erf) = vrcp.f32 v3;
	v11 =	vpop (erf);
	v3 =	vadd.f32 v19, v9;
	v9 =	vmul.f32 $6.931471820e-01, v12  }
0x200: {  	v12 =	vmul.f32 $6.931471820e-01, v13;
	(erf) = vrcp.f32 v4;
	v13 =	vpop (erf)  }
0x201: {  	v14 =	vcvt.s32.f32 v14;
	v24 =	vadd.f32 $1.000000000e+00, v24;
	(erf) = vrcp.f32 v7;
	v7 =	vpop (erf)  }
0x202: {  	v11 =	vadd.f32 $1.000000000e+00, v11;
	v4 =	vadd.f32 v5, v6;
	v5 =	vmul.f32 $6.931471820e-01, v15;
	v15 =	vpop (erf)  }
0x203: {  	v6 =	vadd.f32 v20, v9;
	(erf) = vrcp.f32 v17;
	v13 =	vsub.f32 v13, v7;
	v17 =	vpop (erf)  }
0x204: {  	v14 =	vmul.f32 $6.931471820e-01, v14;
	v7 =	vadd.f32 v21, v12;
	v12 =	vsub.f32 v15, v17;
	v15 =	vpop (erf)  }
0x205: {  	v9 =	vmul.f32 $6.931471820e-01, v18;
	(erf) = vrcp.f32 v24;
	v5 =	vadd.f32 v8, v5;
	v17 =	vpop (erf)  }
0x206: {  	(erf) = vrcp.f32 v25;
	v8 =	vand.u32 $0x7FFFFF, v13;
	v15 =	vsub.f32 v15, v17  }
0x207: {  	(erf) = vrcp.f32 v11;
	v11 =	vshrl.u32 v13, $0x17;
	v13 =	vor.u32 $0x3F800000, v8  }
0x208: {  	v8 =	vadd.f32 v22, v14;
	v14 =	vmul.f32 $5.000000000e-01, v13;
	v17 =	vpop (erf);
	v21 =	vand.u32 $0x7FFFFF, v15  }
0x209: {  	vm9 =	vge.f32 v13, $1.414213540e+00;
	v18 =	vand.u32 $0x7FFFFF, v12;
	v12 =	vshrl.u32 v12, $0x17;
	v19 =	vpop (erf)  }
0x20a: {  	v18 =	vor.u32 $0x3F800000, v18;
	v13 =	vsel vm9, v14, v13;
	v17 =	vsub.f32 v17, v19;
	v19 =	vpop (erf)  }
0x20b: {  	v20 =	vmul.f32 $5.000000000e-01, v18;
	vm10 =	vge.f32 v18, $1.414213540e+00;
	v14 =	vor.u32 $0x3F800000, v21;
	v21 =	vpop (erf)  }
0x20c: {  	v28 =	vadd.f32 $1.000000000e+00, v13;
	v23 =	vand.u32 $0x7FFFFF, v17;
	v19 =	vsub.f32 v19, v21  }
0x20d: {  	v13 =	vadd.f32 $-1.000000000e+00, v13;
	v15 =	vshrl.u32 v15, $0x17;
	v22 =	vmul.f32 $5.000000000e-01, v14  }
0x20e: {  	v18 =	vsel vm10, v20, v18;
	v20 =	vor.u32 $0x3F800000, v23;
	v21 =	vpop (erf);
	v25 =	vand.u32 $0x7FFFFF, v19  }
0x20f: {  	vm11 =	vge.f32 v14, $1.414213540e+00;
	v60 =	vshrl.u32 v17, $0x17;
	v24 =	vmul.f32 $5.000000000e-01, v20;
	v23 =	vpop (erf)  }
0x210: {  	v14 =	vsel vm11, v22, v14;
	vm12 =	vge.f32 v20, $1.414213540e+00;
	v21 =	vsub.f32 v21, v23;
	v23 =	vpop (erf)  }
0x211: {  	v29 =	vadd.f32 $1.000000000e+00, v14;
	v20 =	vsel vm12, v24, v20;
	v22 =	vor.u32 $0x3F800000, v25;
	v25 =	vpop (erf)  }
0x212: {  	(erf) = vrcp.f32 v28;
	v27 =	vand.u32 $0x7FFFFF, v21;
	v23 =	vsub.f32 v23, v25  }
0x213: {  	v19 =	vshrl.u32 v19, $0x17;
	v26 =	vmul.f32 $5.000000000e-01, v22;
	v24 =	vor.u32 $0x3F800000, v27  }
0x214: {  	vm13 =	vge.f32 v22, $1.414213540e+00;
	v25 =	vmul.f32 $5.000000000e-01, v24;
	v27 =	vand.u32 $0x7FFFFF, v23  }
0x215: {  	v22 =	vsel vm13, v26, v22;
	v26 =	vor.u32 $0x3F800000, v27;
	v27 =	vadd.f32 $1.000000000e+00, v18  }
0x216: {  	v28 =	vadd.f32 $1.000000000e+00, v20;
	v20 =	vadd.f32 $-1.000000000e+00, v20;
	vm14 =	vge.f32 v24, $1.414213540e+00  }
0x217: {  	v24 =	vsel vm14, v25, v24;
	v25 =	vmul.f32 $5.000000000e-01, v26;
	(erf) = vrcp.f32 v27  }
0x218: {  	v30 =	vadd.f32 $1.000000000e+00, v22;
	vm15 =	vge.f32 v26, $1.414213540e+00;
	(erf) = vrcp.f32 v29  }
0x219: {  	v25 =	vsel vm15, v25, v26;
	v26 =	vadd.f32 $1.000000000e+00, v24;
	(erf) = vrcp.f32 v28  }
0x21a: {  	v62 =	vshrl.u32 v21, $0x17;
	v31 =	vadd.f32 $1.000000000e+00, v25;
	(erf) = vrcp.f32 v30  }
0x21b: {  	v58 =	vadd.f32 $-1.000000000e+00, v22;
	v22 =	vsel vm10, $0x1, v0;
	(erf) = vrcp.f32 v26  }
0x21c: {  	v18 =	vadd.f32 $-1.000000000e+00, v18;
	v59 =	vadd.f32 $-1.000000000e+00, v24;
	(erf) = vrcp.f32 v31  }
0x21d: {  	v61 =	vsel vm15, $0x1, v0;
	v17 =	vpop (erf);
	v27 =	vadd.s32 v22, v12;
	v12 =	vshrl.u32 v23, $0x17  }
0x21e: {  	v29 =	vadd.f32 $-1.000000000e+00, v14;
	v14 =	vsel vm9, $0x1, v0;
	v13 =	vmul.f32 v17, v13  }
0x21f: {  	v24 =	vadd.f32 $-1.000000000e+00, v25;
	v25 =	vsel vm11, $0x1, v0;
	v63 =	vadd.s32 v14, v11  }
0x220: {  	v30 =	vsel vm13, $0x1, v0;
	v17 =	vmul.f32 v13, v13;
	v28 =	vadd.s32 v25, v15;
	v11 =	vpop (erf)  }
0x221: {  	v26 =	vsel vm12, $0x1, v0;
	v25 =	vadd.s32 v30, v19;
	v14 =	vmul.f32 v11, v18;
	v11 =	vpop (erf)  }
0x222: {  	v31 =	vsel vm14, $0x1, v0;
	v26 =	vadd.s32 v26, v60;
	v15 =	vmul.f32 v11, v29;
	v11 =	vpop (erf)  }
0x223: {  	s25 =	simm.s32 $0x6840;
	v18 =	vadd.s32 v31, v62;
	v21 =	vmul.f32 v14, v14;
	v11 =	vmul.f32 v11, v20;
	v19 =	vpop (erf)  }
0x224: {  	s13 =	simm.s32 $0x2F80;
	s24 =	simm.s32 $0x68C0;
	s28 =	simm.s32 $0x2940;
	[tilespmem:s25+$0x30] =	vst v10;
	v22 =	vmul.f32 v15, v15;
	v10 =	vmul.f32 v19, v58;
	v19 =	vadd.s32 v61, v12;
	v12 =	vpop (erf)  }
0x225: {  	s5 =	simm.s32 $0x6F80;
	s12 =	simm.s32 $0x3F80;
	s26 =	simm.s32 $0x80;
	[tilespmem:s24+$0x30] =	vst v16;
	v20 =	vadd.s32 $0xFFFFFF81, v63;
	v23 =	vmul.f32 v11, v11;
	v12 =	vmul.f32 v12, v59;
	v16 =	vpop (erf)  }
.LBB2_14:
0x226: {  	v29 =	vld [tilespmem:s28+$0x30];
	v27 =	vadd.s32 $0xFFFFFF81, v27;
	v30 =	vmul.f32 v10, v10;
	v16 =	vmul.f32 v16, v24;
	s4 =	sadd.s32 $0x80, s4  }
0x227: {  	v31 =	vmul.f32 $1.428571490e-01, v17;
	v32 =	vadd.s32 $0xFFFFFF81, v28;
	s17 =	sadd.s32 $0x80, s17;
	v24 =	vld [tilespmem:s4+$0x30];
	v28 =	vmul.f32 v12, v12  }
0x228: {  	s26 =	sadd.s32 $0x80, s26;
	v34 =	vmul.f32 $1.428571490e-01, v21;
	v35 =	vadd.s32 $0xFFFFFF81, v26;
	s11 =	sadd.s32 $0x80, s11;
	v33 =	vld [tilespmem:s17+$0x30];
	v26 =	vmul.f32 v16, v16  }
0x229: {  	v37 =	vmul.f32 $1.428571490e-01, v22;
	v25 =	vadd.s32 $0xFFFFFF81, v25;
	p2 =	slt.u32 s26, $0x700;
	v38 =	vmul.f32 $1.428571490e-01, v23;
	v36 =	vld [tilespmem:s11+$0x30]  }
0x22a: {  	v31 =	vadd.f32 $2.000000030e-01, v31;
	v40 =	vmul.f32 $1.428571490e-01, v30;
	v41 =	vmul.f32 $1.428571490e-01, v28;
	v39 =	vld [tilespmem:s17+$0xFFFFFFC0]  }
0x22b: {  	v34 =	vadd.f32 $2.000000030e-01, v34;
	v37 =	vadd.f32 $2.000000030e-01, v37;
	v43 =	vmul.f32 $1.428571490e-01, v26;
	v42 =	vld [tilespmem:s4+$0xFFFFFFC0]  }
0x22c: {  	v38 =	vadd.f32 $2.000000030e-01, v38;
	v31 =	vmul.f32 v31, v17;
	v44 =	vld [tilespmem:s28+$0xFFFFFFD0];
	v29 =	vsub.f32 v24, v29  }
0x22d: {  	v45 =	vld [tilespmem:s17+$0xFFFFFFD0];
	v24 =	vsub.f32 v24, v33;
	v33 =	vmul.f32 v34, v21;
	v34 =	vadd.f32 $2.000000030e-01, v40  }
0x22e: {  	v41 =	vadd.f32 $2.000000030e-01, v41;
	v43 =	vadd.f32 $2.000000030e-01, v43;
	v40 =	vld [tilespmem:s4+$0xFFFFFFD0];
	v29 =	vmul.f32 v29, v36  }
0x22f: {  	v31 =	vadd.f32 $3.333333430e-01, v31;
	v46 =	vld [tilespmem:s28+$0xFFFFFFE0];
	v24 =	vmul.f32 v24, v36;
	v36 =	vmul.f32 v37, v22  }
0x230: {  	v38 =	vmul.f32 v38, v23;
	v37 =	vsub.f32 v42, v39;
	v39 =	vld [tilespmem:s17+$0xFFFFFFE0];
	v29 =	vmax.f32 v29, $-8.500000000e+01  }
0x231: {  	v34 =	vmul.f32 v34, v30;
	v47 =	vld [tilespmem:s4+$0xFFFFFFE0];
	v29 =	vmin.f32 v29, $8.500000000e+01;
	v24 =	vmax.f32 v24, $-8.500000000e+01  }
0x232: {  	v41 =	vmul.f32 v41, v28;
	v48 =	vld [tilespmem:s28+$0xFFFFFFF0];
	v24 =	vmin.f32 v24, $8.500000000e+01;
	v29 =	vsub.f32 $0.0e+00, v29  }
0x233: {  	v43 =	vmul.f32 v43, v26;
	v44 =	vsub.f32 v40, v44;
	v49 =	vld [tilespmem:s17+$0xFFFFFFF0];
	v24 =	vsub.f32 $0.0e+00, v24  }
0x234: {  	v33 =	vadd.f32 $3.333333430e-01, v33;
	v40 =	vsub.f32 v40, v45;
	v45 =	vld [tilespmem:s4+$0xFFFFFFF0];
	v29 =	vmul.f32 $1.442695020e+00, v29  }
0x235: {  	v38 =	vadd.f32 $3.333333430e-01, v38;
	v36 =	vadd.f32 $3.333333430e-01, v36;
	v50 =	vld [tilespmem:s28+$0x0];
	v24 =	vmul.f32 $1.442695020e+00, v24  }
0x236: {  	v46 =	vsub.f32 v47, v46;
	v39 =	vsub.f32 v47, v39;
	v47 =	vld [tilespmem:s17+$0x0];
	(erf) = vpow2.f32 v29  }
0x237: {  	v29 =	vadd.f32 $3.333333430e-01, v41;
	v51 =	vld [tilespmem:s4+$0x0];
	(erf) = vpow2.f32 v24;
	v24 =	vadd.f32 $3.333333430e-01, v34  }
0x238: {  	v31 =	vmul.f32 v31, v17;
	v17 =	vadd.f32 $3.333333430e-01, v43;
	v21 =	vmul.f32 v33, v21;
	v34 =	vld [tilespmem:s28+$0x10]  }
0x239: {  	v22 =	vmul.f32 v36, v22;
	v33 =	vsub.f32 v45, v48;
	v41 =	vsub.f32 v45, v49;
	v43 =	vld [tilespmem:s17+$0x10]  }
0x23a: {  	v23 =	vmul.f32 v38, v23;
	v38 =	vmul.f32 v24, v30;
	v45 =	vadd.s32 $0xFFFFFF81, v18;
	v36 =	vld [tilespmem:s4+$0x10]  }
0x23b: {  	v52 =	vmul.f32 v17, v26;
	v49 =	vmul.f32 v29, v28;
	v29 =	vadd.s32 $0xFFFFFF81, v19;
	v48 =	vld [tilespmem:s28+$0x20]  }
0x23c: {  	v17 =	vcvt.s32.f32 v20;
	v50 =	vsub.f32 v51, v50;
	v47 =	vsub.f32 v51, v47;
	v51 =	vld [tilespmem:s17+$0x20]  }
0x23d: {  	v30 =	vadd.f32 $1.000000000e+00, v31;
	v28 =	vadd.f32 $1.000000000e+00, v21;
	v19 =	vcvt.s32.f32 v27;
	v53 =	vld [tilespmem:s4+$0x20]  }
0x23e: {  	v26 =	vadd.f32 $1.000000000e+00, v22;
	v18 =	vcvt.s32.f32 v32;
	v24 =	vadd.f32 $1.000000000e+00, v23;
	v31 =	vld [tilespmem:s28+$0xFFFFFFC0]  }
0x23f: {  	v20 =	vcvt.s32.f32 v35;
	v32 =	vld [tilespmem:s11+$0xFFFFFFC0];
	v34 =	vsub.f32 v36, v34;
	v36 =	vsub.f32 v36, v43;
	v21 =	vpop (erf)  }
0x240: {  	v27 =	vadd.f32 $1.000000000e+00, v38;
	v35 =	vld [tilespmem:s11+$0xFFFFFFD0];
	v23 =	vadd.f32 $1.000000000e+00, v21;
	v22 =	vpop (erf);
	v21 =	vcvt.s32.f32 v25  }
0x241: {  	v25 =	vadd.f32 $1.000000000e+00, v49;
	v38 =	vld [tilespmem:s11+$0xFFFFFFE0];
	v43 =	vadd.f32 $1.000000000e+00, v22;
	v22 =	vcvt.s32.f32 v45  }
0x242: {  	v45 =	vld [tilespmem:s11+$0xFFFFFFF0];
	v48 =	vsub.f32 v53, v48;
	v49 =	vsub.f32 v53, v51;
	(erf) = vrcp.f32 v23  }
0x243: {  	v23 =	vadd.f32 $1.000000000e+00, v52;
	v31 =	vsub.f32 v42, v31;
	v42 =	vld [tilespmem:s11+$0x0];
	(erf) = vrcp.f32 v43  }
0x244: {  	v14 =	vadd.f32 v14, v14;
	v51 =	vadd.f32 v13, v13;
	v37 =	vmul.f32 v37, v32;
	v43 =	vld [tilespmem:s11+$0x10]  }
0x245: {  	v13 =	vadd.f32 v15, v15;
	v31 =	vmul.f32 v31, v32;
	v32 =	vmul.f32 v44, v35;
	v44 =	vld [tilespmem:s11+$0x20]  }
0x246: {  	v35 =	vmul.f32 v40, v35;
	v15 =	vmax.f32 v37, $-8.500000000e+01;
	v37 =	vmul.f32 v46, v38  }
0x247: {  	v38 =	vmul.f32 v39, v38;
	v31 =	vmax.f32 v31, $-8.500000000e+01;
	v33 =	vmul.f32 v33, v45  }
0x248: {  	v32 =	vmax.f32 v32, $-8.500000000e+01;
	v39 =	vmul.f32 v41, v45;
	v40 =	vmul.f32 v50, v42  }
0x249: {  	v35 =	vmax.f32 v35, $-8.500000000e+01;
	v41 =	vmul.f32 v47, v42;
	v34 =	vmul.f32 v34, v43  }
0x24a: {  	v37 =	vmax.f32 v37, $-8.500000000e+01;
	v36 =	vmul.f32 v36, v43;
	v42 =	vmul.f32 v48, v44  }
0x24b: {  	v38 =	vmax.f32 v38, $-8.500000000e+01;
	v33 =	vmax.f32 v33, $-8.500000000e+01;
	v43 =	vmul.f32 v49, v44;
	v44 =	vpop (erf)  }
0x24c: {  	v39 =	vmax.f32 v39, $-8.500000000e+01;
	v40 =	vmax.f32 v40, $-8.500000000e+01;
	v41 =	vmax.f32 v41, $-8.500000000e+01;
	v45 =	vpop (erf)  }
0x24d: {  	v34 =	vmax.f32 v34, $-8.500000000e+01;
	v36 =	vmax.f32 v36, $-8.500000000e+01;
	v44 =	vsub.f32 v44, v45  }
0x24e: {  	v31 =	vmin.f32 v31, $8.500000000e+01;
	v42 =	vmax.f32 v42, $-8.500000000e+01;
	v43 =	vmax.f32 v43, $-8.500000000e+01  }
0x24f: {  	v15 =	vmin.f32 v15, $8.500000000e+01;
	v32 =	vmin.f32 v32, $8.500000000e+01;
	v45 =	vand.u32 $0x7FFFFF, v44  }
0x250: {  	v35 =	vmin.f32 v35, $8.500000000e+01;
	v37 =	vmin.f32 v37, $8.500000000e+01;
	v45 =	vor.u32 $0x3F800000, v45  }
0x251: {  	v38 =	vmin.f32 v38, $8.500000000e+01;
	v33 =	vmin.f32 v33, $8.500000000e+01;
	v46 =	vmul.f32 $5.000000000e-01, v45  }
0x252: {  	v39 =	vmin.f32 v39, $8.500000000e+01;
	v40 =	vmin.f32 v40, $8.500000000e+01;
	vm0 =	vge.f32 v45, $1.414213540e+00  }
0x253: {  	v41 =	vmin.f32 v41, $8.500000000e+01;
	v34 =	vmin.f32 v34, $8.500000000e+01;
	v45 =	vsel vm0, v46, v45  }
0x254: {  	v36 =	vmin.f32 v36, $8.500000000e+01;
	v42 =	vmin.f32 v42, $8.500000000e+01;
	v46 =	vadd.f32 $1.000000000e+00, v45  }
0x255: {  	v15 =	vsub.f32 $0.0e+00, v15;
	v31 =	vsub.f32 $0.0e+00, v31;
	v43 =	vmin.f32 v43, $8.500000000e+01  }
0x256: {  	v32 =	vsub.f32 $0.0e+00, v32;
	v35 =	vsub.f32 $0.0e+00, v35;
	(erf) = vrcp.f32 v46  }
0x257: {  	v37 =	vsub.f32 $0.0e+00, v37;
	v38 =	vsub.f32 $0.0e+00, v38;
	v31 =	vmul.f32 $1.442695020e+00, v31  }
0x258: {  	v15 =	vmul.f32 $1.442695020e+00, v15;
	v33 =	vsub.f32 $0.0e+00, v33;
	v39 =	vsub.f32 $0.0e+00, v39  }
0x259: {  	v32 =	vmul.f32 $1.442695020e+00, v32;
	v40 =	vsub.f32 $0.0e+00, v40;
	v41 =	vsub.f32 $0.0e+00, v41  }
0x25a: {  	v35 =	vmul.f32 $1.442695020e+00, v35;
	v34 =	vsub.f32 $0.0e+00, v34;
	v36 =	vsub.f32 $0.0e+00, v36  }
0x25b: {  	v37 =	vmul.f32 $1.442695020e+00, v37;
	v42 =	vsub.f32 $0.0e+00, v42;
	v43 =	vsub.f32 $0.0e+00, v43  }
0x25c: {  	v11 =	vadd.f32 v11, v11;
	v38 =	vmul.f32 $1.442695020e+00, v38;
	v33 =	vmul.f32 $1.442695020e+00, v33  }
0x25d: {  	v39 =	vmul.f32 $1.442695020e+00, v39;
	v40 =	vmul.f32 $1.442695020e+00, v40;
	v46 =	vadd.f32 v10, v10  }
0x25e: {  	v41 =	vmul.f32 $1.442695020e+00, v41;
	v34 =	vmul.f32 $1.442695020e+00, v34;
	v10 =	vadd.f32 $-1.000000000e+00, v45  }
0x25f: {  	v12 =	vadd.f32 v12, v12;
	v36 =	vmul.f32 $1.442695020e+00, v36;
	v42 =	vmul.f32 $1.442695020e+00, v42;
	v45 =	vpop (erf)  }
0x260: {  	v16 =	vadd.f32 v16, v16;
	v43 =	vmul.f32 $1.442695020e+00, v43;
	v45 =	vmul.f32 v45, v10  }
0x261: {  	v2 =	vadd.f32 v2, v9;
	v10 =	vcvt.s32.f32 v29;
	(erf) = vpow2.f32 v31  }
0x262: {  	v3 =	vsub.f32 v1, v3;
	v9 =	vmul.f32 v45, v45;
	(erf) = vpow2.f32 v15  }
0x263: {  	v4 =	vsub.f32 v1, v4;
	v15 =	vmul.f32 v30, v51;
	(erf) = vpow2.f32 v32  }
0x264: {  	v29 =	vmul.f32 $1.428571490e-01, v9;
	(erf) = vpow2.f32 v35;
	[tilespmem:s25+$0xFFFFFFC0] =	vst v3;
	v3 =	vsub.f32 v1, v6  }
0x265: {  	v6 =	vmul.f32 v28, v14;
	(erf) = vpow2.f32 v37;
	[tilespmem:s25+$0xFFFFFFD0] =	vst v4;
	v4 =	vsub.f32 v1, v7  }
0x266: {  	v13 =	vmul.f32 v26, v13;
	v7 =	vadd.f32 $2.000000030e-01, v29;
	(erf) = vpow2.f32 v38;
	[tilespmem:s25+$0xFFFFFFE0] =	vst v3  }
0x267: {  	v11 =	vmul.f32 v24, v11;
	v3 =	vsub.f32 v1, v5;
	(erf) = vpow2.f32 v33;
	[tilespmem:s25+$0xFFFFFFF0] =	vst v4  }
0x268: {  	v5 =	vsub.f32 v1, v8;
	v7 =	vmul.f32 v7, v9;
	(erf) = vpow2.f32 v39  }
0x269: {  	v2 =	vsub.f32 v1, v2;
	v8 =	vmul.f32 v27, v46;
	(erf) = vpow2.f32 v40;
	[tilespmem:s25+$0x0] =	vst v3  }
0x26a: {  	v12 =	vmul.f32 v25, v12;
	v3 =	vadd.f32 $3.333333430e-01, v7;
	v4 =	vpop (erf);
	(erf) = vpow2.f32 v41;
	[tilespmem:s25+$0x10] =	vst v5  }
0x26b: {  	v24 =	vshrl.u32 v44, $0x17;
	v25 =	vsel vm0, $0x1, v0;
	v14 =	vpop (erf);
	(erf) = vpow2.f32 v34;
	[tilespmem:s25+$0x20] =	vst v2;
	s25 =	smov.u32 s24  }
0x26c: {  	v2 =	vadd.s32 v25, v24;
	v3 =	vmul.f32 v3, v9;
	v5 =	vpop (erf);
	(erf) = vpow2.f32 v36  }
0x26d: {  	v4 =	vadd.f32 $1.000000000e+00, v4;
	v2 =	vadd.s32 $0xFFFFFF81, v2;
	v7 =	vpop (erf);
	(erf) = vpow2.f32 v42  }
0x26e: {  	v26 =	vadd.f32 v45, v45;
	v2 =	vcvt.s32.f32 v2;
	v3 =	vadd.f32 $1.000000000e+00, v3;
	v24 =	vpop (erf)  }
0x26f: {  	v14 =	vadd.f32 $1.000000000e+00, v14;
	v5 =	vadd.f32 $1.000000000e+00, v5;
	v25 =	vpop (erf);
	(erf) = vpow2.f32 v43  }
0x270: {  	v7 =	vadd.f32 $1.000000000e+00, v7;
	v2 =	vmul.f32 $6.931471820e-01, v2;
	v26 =	vmul.f32 v3, v26;
	v9 =	vpop (erf)  }
0x271: {  	v24 =	vadd.f32 $1.000000000e+00, v24;
	v25 =	vadd.f32 $1.000000000e+00, v25;
	(erf) = vrcp.f32 v4;
	v4 =	vpop (erf)  }
0x272: {  	v9 =	vadd.f32 $1.000000000e+00, v9;
	v26 =	vadd.f32 v26, v2;
	(erf) = vrcp.f32 v14;
	v3 =	vpop (erf)  }
0x273: {  	v4 =	vadd.f32 $1.000000000e+00, v4;
	v14 =	vadd.f32 $1.000000000e+00, v3;
	(erf) = vrcp.f32 v5;
	v3 =	vpop (erf)  }
0x274: {  	v5 =	vadd.f32 $1.000000000e+00, v3;
	v26 =	vsub.f32 v1, v26;
	(erf) = vrcp.f32 v7;
	v2 =	vpop (erf)  }
0x275: {  	s19 =	simm.s32 $0x5F80;
	s20 =	simm.s32 $0x4F80;
	s24 =	sadd.s32 $0x80, s24;
	v7 =	vadd.f32 $1.000000000e+00, v2;
	(erf) = vrcp.f32 v24;
	v24 =	vpop (erf);
	v2 =	vmul.f32 v23, v16  }
0x276: {  	s21 =	simm.s32 $0x770;
	v17 =	vmul.f32 $6.931471820e-01, v17;
	v16 =	vadd.f32 $1.000000000e+00, v24;
	[tilespmem:s24+$0x30] =	vst v26;
	(erf) = vrcp.f32 v25;
	v3 =	vpop (erf)  }
0x277: {  	v23 =	vadd.f32 $1.000000000e+00, v3;
	(erf) = vrcp.f32 v9;
	v9 =	vmul.f32 $6.931471820e-01, v19  }
0x278: {  	v3 =	vadd.f32 v15, v17;
	v15 =	vmul.f32 $6.931471820e-01, v18;
	(erf) = vrcp.f32 v4;
	v4 =	vpop (erf)  }
0x279: {  	v17 =	vadd.f32 $1.000000000e+00, v4;
	(erf) = vrcp.f32 v14;
	v14 =	vmul.f32 $6.931471820e-01, v20  }
0x27a: {  	v4 =	vadd.f32 v6, v9;
	v18 =	vpop (erf);
	(erf) = vrcp.f32 v5;
	v5 =	vmul.f32 $6.931471820e-01, v21  }
0x27b: {  	v6 =	vadd.f32 v13, v15;
	v13 =	vmul.f32 $6.931471820e-01, v22;
	v9 =	vpop (erf);
	(erf) = vrcp.f32 v7  }
0x27c: {  	v15 =	vsub.f32 v18, v9;
	v18 =	vpop (erf);
	(erf) = vrcp.f32 v16;
	v9 =	vmul.f32 $6.931471820e-01, v10  }
0x27d: {  	v7 =	vadd.f32 v11, v14;
	v5 =	vadd.f32 v8, v5;
	v10 =	vpop (erf);
	(erf) = vrcp.f32 v23  }
0x27e: {  	v8 =	vand.u32 $0x7FFFFF, v15;
	v10 =	vsub.f32 v18, v10;
	v11 =	vpop (erf);
	(erf) = vrcp.f32 v17  }
0x27f: {  	v14 =	vshrl.u32 v15, $0x17;
	v15 =	vor.u32 $0x3F800000, v8;
	v16 =	vpop (erf);
	v8 =	vadd.f32 v12, v13  }
0x280: {  	v12 =	vmul.f32 $5.000000000e-01, v15;
	v13 =	vand.u32 $0x7FFFFF, v10;
	v11 =	vsub.f32 v11, v16;
	v16 =	vpop (erf)  }
0x281: {  	vm0 =	vge.f32 v15, $1.414213540e+00;
	v10 =	vshrl.u32 v10, $0x17;
	v13 =	vor.u32 $0x3F800000, v13;
	v17 =	vpop (erf)  }
0x282: {  	v18 =	vmul.f32 $5.000000000e-01, v13;
	v20 =	vand.u32 $0x7FFFFF, v11;
	v16 =	vsub.f32 v16, v17;
	v17 =	vpop (erf)  }
0x283: {  	v12 =	vsel vm0, v12, v15;
	vm1 =	vge.f32 v13, $1.414213540e+00;
	v15 =	vor.u32 $0x3F800000, v20;
	v19 =	vpop (erf)  }
0x284: {  	v20 =	vmul.f32 $5.000000000e-01, v15;
	v22 =	vand.u32 $0x7FFFFF, v16;
	v17 =	vsub.f32 v17, v19;
	v19 =	vpop (erf)  }
0x285: {  	v13 =	vsel vm1, v18, v13;
	vm2 =	vge.f32 v15, $1.414213540e+00;
	v18 =	vor.u32 $0x3F800000, v22;
	v21 =	vpop (erf)  }
0x286: {  	v22 =	vmul.f32 $5.000000000e-01, v18;
	v24 =	vand.u32 $0x7FFFFF, v17;
	v19 =	vsub.f32 v19, v21;
	v21 =	vpop (erf)  }
0x287: {  	v15 =	vsel vm2, v20, v15;
	vm3 =	vge.f32 v18, $1.414213540e+00;
	v20 =	vor.u32 $0x3F800000, v24;
	v23 =	vpop (erf)  }
0x288: {  	v24 =	vmul.f32 $5.000000000e-01, v20;
	v25 =	vand.u32 $0x7FFFFF, v19;
	v21 =	vsub.f32 v21, v23  }
0x289: {  	v18 =	vsel vm3, v22, v18;
	vm4 =	vge.f32 v20, $1.414213540e+00;
	v22 =	vor.u32 $0x3F800000, v25  }
0x28a: {  	vm5 =	vge.f32 v22, $1.414213540e+00;
	v23 =	vmul.f32 $5.000000000e-01, v22;
	v25 =	vand.u32 $0x7FFFFF, v21  }
0x28b: {  	v26 =	vadd.f32 $1.000000000e+00, v12;
	v20 =	vsel vm4, v24, v20;
	v24 =	vor.u32 $0x3F800000, v25  }
0x28c: {  	v22 =	vsel vm5, v23, v22;
	vm6 =	vge.f32 v24, $1.414213540e+00;
	v23 =	vmul.f32 $5.000000000e-01, v24  }
0x28d: {  	v27 =	vadd.f32 $1.000000000e+00, v15;
	v25 =	vadd.f32 $1.000000000e+00, v13;
	(erf) = vrcp.f32 v26  }
0x28e: {  	v28 =	vadd.f32 $1.000000000e+00, v20;
	v26 =	vadd.f32 $1.000000000e+00, v18;
	v23 =	vsel vm6, v23, v24  }
0x28f: {  	v29 =	vadd.f32 $1.000000000e+00, v22;
	v30 =	vadd.f32 $1.000000000e+00, v23;
	(erf) = vrcp.f32 v25  }
0x290: {  	v12 =	vadd.f32 $-1.000000000e+00, v12;
	v25 =	vadd.f32 $-1.000000000e+00, v13;
	(erf) = vrcp.f32 v27  }
0x291: {  	v15 =	vadd.f32 $-1.000000000e+00, v15;
	v18 =	vadd.f32 $-1.000000000e+00, v18;
	(erf) = vrcp.f32 v26  }
0x292: {  	v20 =	vadd.f32 $-1.000000000e+00, v20;
	v31 =	vadd.f32 $-1.000000000e+00, v22;
	(erf) = vrcp.f32 v28  }
0x293: {  	v22 =	vsel vm0, $0x1, v0;
	v24 =	vadd.f32 $-1.000000000e+00, v23;
	(erf) = vrcp.f32 v29  }
0x294: {  	v23 =	vsel vm1, $0x1, v0;
	v26 =	vsel vm2, $0x1, v0;
	(erf) = vrcp.f32 v30  }
0x295: {  	v32 =	vsel vm5, $0x1, v0;
	v29 =	vsel vm3, $0x1, v0;
	v30 =	vsel vm4, $0x1, v0  }
0x296: {  	v11 =	vshrl.u32 v11, $0x17;
	v16 =	vshrl.u32 v16, $0x17;
	v33 =	vsel vm6, $0x1, v0;
	v13 =	vpop (erf)  }
0x297: {  	v19 =	vshrl.u32 v19, $0x17;
	v13 =	vmul.f32 v13, v12;
	v12 =	vshrl.u32 v17, $0x17  }
0x298: {  	v34 =	vadd.s32 v22, v14;
	v27 =	vadd.s32 v23, v10;
	v23 =	vshrl.u32 v21, $0x17;
	v10 =	vpop (erf)  }
.Ltmp10:
0x299: {  	v28 =	vadd.s32 v26, v11;
	v17 =	vmul.f32 v13, v13;
	v14 =	vmul.f32 v10, v25;
	v10 =	vpop (erf);
	(pc) =	sbr.rel @p2 .LBB2_14-.Ltmp10, $4  }
0x29a: {  	v26 =	vadd.s32 v29, v16;
	v25 =	vadd.s32 v30, v12;
	v15 =	vmul.f32 v10, v15;
	v10 =	vpop (erf)  }
0x29b: {  	v21 =	vmul.f32 v14, v14;
	v11 =	vmul.f32 v10, v18;
	v18 =	vadd.s32 v32, v19;
	v10 =	vpop (erf)  }
0x29c: {  	v19 =	vadd.s32 v33, v23;
	v22 =	vmul.f32 v15, v15;
	v10 =	vmul.f32 v10, v20;
	v12 =	vpop (erf)  }
0x29d: {  	s28 =	sadd.s32 $0x80, s28;
	v20 =	vadd.s32 $0xFFFFFF81, v34;
	v23 =	vmul.f32 v11, v11;
	v12 =	vmul.f32 v12, v31;
	v16 =	vpop (erf)  }
0x29e: {  	v27 =	vadd.s32 $0xFFFFFF81, v27;
	v29 =	vmul.f32 v10, v10;
	v16 =	vmul.f32 v16, v24  }
0x29f: {  	v41 =	vmul.f32 $1.428571490e-01, v17;
	v28 =	vadd.s32 $0xFFFFFF81, v28;
	v31 =	vmul.f32 $1.428571490e-01, v21  }
0x2a0: {  	v26 =	vadd.s32 $0xFFFFFF81, v26;
	v33 =	vmul.f32 $1.428571490e-01, v22;
	v25 =	vadd.s32 $0xFFFFFF81, v25  }
0x2a1: {  	v18 =	vadd.s32 $0xFFFFFF81, v18;
	v13 =	vadd.f32 v13, v13;
	v14 =	vadd.f32 v14, v14  }
0x2a2: {  	v19 =	vadd.s32 $0xFFFFFF81, v19;
	v15 =	vadd.f32 v15, v15;
	v11 =	vadd.f32 v11, v11  }
0x2a3: {  	v20 =	vcvt.s32.f32 v20;
	v47 =	vadd.f32 v10, v10;
	v2 =	vadd.f32 v2, v9  }
0x2a4: {  	v3 =	vsub.f32 v1, v3;
	v4 =	vsub.f32 v1, v4;
	v30 =	vmul.f32 v12, v12  }
0x2a5: {  	v6 =	vsub.f32 v1, v6;
	v34 =	vmul.f32 $1.428571490e-01, v23;
	v27 =	vcvt.s32.f32 v27  }
0x2a6: {  	v52 =	vsub.f32 v1, v5;
	v28 =	vcvt.s32.f32 v28;
	v26 =	vcvt.s32.f32 v26  }
0x2a7: {  	v53 =	vsub.f32 v1, v8;
	v25 =	vcvt.s32.f32 v25;
	v18 =	vcvt.s32.f32 v18  }
0x2a8: {  	v48 =	vadd.f32 v12, v12;
	v19 =	vcvt.s32.f32 v19;
	v32 =	vmul.f32 v16, v16  }
0x2a9: {  	v24 =	vadd.f32 $2.000000030e-01, v41;
	v35 =	vmul.f32 $1.428571490e-01, v29;
	v31 =	vadd.f32 $2.000000030e-01, v31  }
0x2aa: {  	v33 =	vadd.f32 $2.000000030e-01, v33;
	v54 =	vmul.f32 $6.931471820e-01, v20;
	v36 =	vmul.f32 $1.428571490e-01, v30  }
0x2ab: {  	v16 =	vadd.f32 v16, v16;
	v56 =	vmul.f32 $6.931471820e-01, v27;
	v57 =	vmul.f32 $6.931471820e-01, v28  }
0x2ac: {  	[tilespmem:s25+$0xFFFFFFC0] =	vst v3;
	v3 =	vsub.f32 v1, v7;
	v59 =	vmul.f32 $6.931471820e-01, v26;
	v60 =	vmul.f32 $6.931471820e-01, v25  }
0x2ad: {  	v2 =	vsub.f32 v1, v2;
	v62 =	vmul.f32 $6.931471820e-01, v19;
	v37 =	vmul.f32 $1.428571490e-01, v32  }
0x2ae: {  	v34 =	vadd.f32 $2.000000030e-01, v34;
	v24 =	vmul.f32 v24, v17;
	v31 =	vmul.f32 v31, v21  }
0x2af: {  	v35 =	vadd.f32 $2.000000030e-01, v35;
	v33 =	vmul.f32 v33, v22;
	[tilespmem:s25+$0x20] =	vst v2;
	v2 =	vmul.f32 $6.931471820e-01, v18  }
0x2b0: {  	v36 =	vadd.f32 $2.000000030e-01, v36;
	v34 =	vmul.f32 v34, v23;
	v37 =	vadd.f32 $2.000000030e-01, v37  }
0x2b1: {  	v24 =	vadd.f32 $3.333333430e-01, v24;
	v35 =	vmul.f32 v35, v29;
	v31 =	vadd.f32 $3.333333430e-01, v31  }
0x2b2: {  	v33 =	vadd.f32 $3.333333430e-01, v33;
	v36 =	vmul.f32 v36, v30;
	v34 =	vadd.f32 $3.333333430e-01, v34  }
0x2b3: {  	v37 =	vmul.f32 v37, v32;
	v35 =	vadd.f32 $3.333333430e-01, v35;
	v42 =	vmul.f32 v24, v17  }
0x2b4: {  	v43 =	vmul.f32 v31, v21;
	v45 =	vmul.f32 v33, v22;
	v36 =	vadd.f32 $3.333333430e-01, v36  }
0x2b5: {  	v46 =	vmul.f32 v34, v23;
	v44 =	vadd.f32 $3.333333430e-01, v37;
	v17 =	vadd.f32 $1.000000000e+00, v42  }
0x2b6: {  	v29 =	vmul.f32 v35, v29;
	v21 =	vadd.f32 $1.000000000e+00, v43;
	v22 =	vadd.f32 $1.000000000e+00, v45  }
0x2b7: {  	v30 =	vmul.f32 v36, v30;
	v23 =	vadd.f32 $1.000000000e+00, v46;
	v49 =	vmul.f32 v17, v13  }
0x2b8: {  	[tilespmem:s25+$0xFFFFFFD0] =	vst v4;
	v24 =	vmul.f32 v44, v32;
	v29 =	vadd.f32 $1.000000000e+00, v29;
	v50 =	vmul.f32 v21, v14  }
0x2b9: {  	[tilespmem:s25+$0xFFFFFFE0] =	vst v6;
	v51 =	vmul.f32 v22, v15;
	v30 =	vadd.f32 $1.000000000e+00, v30;
	v8 =	vadd.f32 v49, v54  }
0x2ba: {  	[tilespmem:s25+$0x0] =	vst v52;
	v11 =	vmul.f32 v23, v11;
	v24 =	vadd.f32 $1.000000000e+00, v24;
	v10 =	vadd.f32 v50, v56  }
0x2bb: {  	[tilespmem:s25+$0x10] =	vst v53;
	v55 =	vmul.f32 v29, v47;
	v7 =	vadd.f32 v51, v57;
	v8 =	vsub.f32 v1, v8  }
0x2bc: {  	[tilespmem:s25+$0xFFFFFFF0] =	vst v3;
	v3 =	vmul.f32 v30, v48;
	v61 =	vadd.f32 v11, v59;
	v10 =	vsub.f32 v1, v10  }
0x2bd: {  	v58 =	vmul.f32 v24, v16;
	v5 =	vadd.f32 v55, v60;
	v63 =	vsub.f32 v1, v7;
	[tilespmem:s24+$0xFFFFFFC0] =	vst v8  }
0x2be: {  	v2 =	vadd.f32 v3, v2;
	v3 =	vsub.f32 v1, v61;
	[tilespmem:s24+$0xFFFFFFD0] =	vst v10  }
0x2bf: {  	v4 =	vadd.f32 v58, v62;
	[tilespmem:s24+$0xFFFFFFE0] =	vst v63;
	v5 =	vsub.f32 v1, v5  }
0x2c0: {  	[tilespmem:s24+$0xFFFFFFF0] =	vst v3;
	v2 =	vsub.f32 v1, v2  }
0x2c1: {  	[tilespmem:s24+$0x0] =	vst v5;
	v3 =	vsub.f32 v1, v4  }
0x2c2: {  	[tilespmem:s24+$0x10] =	vst v2  }
0x2c3: {  	[tilespmem:s24+$0x20] =	vst v3  }
.LBB2_16:
0x2c4: {  	v2 =	vld [tilespmem:s13+$0x0]  }
0x2c5: {  	v3 =	vld [tilespmem:s19+$0x0];
	_ =	sdelay $0x1  }
0x2c6: {  	v4 =	vld [tilespmem:s20+$0x0];
	_ =	sdelay $0x2  }
0x2c7: {  	v2 =	vsub.f32 v3, v2;
	_ =	sdelay $0x1  }
0x2c8: {  	v2 =	vmul.f32 v2, v4;
	_ =	sdelay $0x1  }
0x2c9: {  	v2 =	vmax.f32 v2, $-8.500000000e+01  }
0x2ca: {  	v2 =	vmin.f32 v2, $8.500000000e+01  }
0x2cb: {  	v2 =	vsub.f32 $0.0e+00, v2;
	_ =	sdelay $0x1  }
0x2cc: {  	v5 =	vld [tilespmem:s12+$0x0];
	v2 =	vmul.f32 $1.442695020e+00, v2;
	_ =	sdelay $0x1  }
0x2cd: {  	(erf) = vpow2.f32 v2;
	_ =	sdelay $0x2  }
0x2ce: {  	v2 =	vsub.f32 v3, v5;
	_ =	sdelay $0x1  }
0x2cf: {  	v2 =	vmul.f32 v2, v4;
	_ =	sdelay $0x1  }
0x2d0: {  	v2 =	vmax.f32 v2, $-8.500000000e+01  }
0x2d1: {  	v2 =	vmin.f32 v2, $8.500000000e+01  }
0x2d2: {  	v2 =	vsub.f32 $0.0e+00, v2;
	v3 =	vpop (erf)  }
0x2d3: {  	v3 =	vadd.f32 $1.000000000e+00, v3  }
0x2d4: {  	v2 =	vmul.f32 $1.442695020e+00, v2  }
0x2d5: {  	(erf) = vrcp.f32 v3  }
0x2d6: {  	(erf) = vpow2.f32 v2;
	_ =	sdelay $0x7  }
0x2d7: {  	v2 =	vpop (erf)  }
0x2d8: {  	v3 =	vpop (erf)  }
0x2d9: {  	v3 =	vadd.f32 $1.000000000e+00, v3;
	_ =	sdelay $0x1  }
0x2da: {  	(erf) = vrcp.f32 v3;
	_ =	sdelay $0x8  }
0x2db: {  	v3 =	vpop (erf)  }
0x2dc: {  	v2 =	vsub.f32 v2, v3;
	_ =	sdelay $0x1  }
0x2dd: {  	v3 =	vand.u32 $0x7FFFFF, v2  }
0x2de: {  	v3 =	vor.u32 $0x3F800000, v3  }
0x2df: {  	v62 =	vmul.f32 $5.000000000e-01, v3  }
0x2e0: {  	vm0 =	vge.f32 v3, $1.414213540e+00  }
0x2e1: {  	v3 =	vsel vm0, v62, v3  }
0x2e2: {  	v4 =	vadd.f32 $1.000000000e+00, v3;
	_ =	sdelay $0x1  }
0x2e3: {  	(erf) = vrcp.f32 v4;
	_ =	sdelay $0x7  }
0x2e4: {  	v3 =	vadd.f32 $-1.000000000e+00, v3  }
0x2e5: {  	v4 =	vpop (erf)  }
0x2e6: {  	v3 =	vmul.f32 v4, v3;
	_ =	sdelay $0x1  }
0x2e7: {  	v4 =	vmul.f32 v3, v3;
	_ =	sdelay $0x1  }
0x2e8: {  	v63 =	vmul.f32 $1.428571490e-01, v4;
	_ =	sdelay $0x1  }
0x2e9: {  	v5 =	vadd.f32 $2.000000030e-01, v63;
	_ =	sdelay $0x1  }
0x2ea: {  	v5 =	vmul.f32 v5, v4;
	_ =	sdelay $0x1  }
0x2eb: {  	v5 =	vadd.f32 $3.333333430e-01, v5  }
0x2ec: {  	v2 =	vshrl.u32 v2, $0x17;
	v6 =	vsel vm0, $0x1, v0  }
0x2ed: {  	v2 =	vadd.s32 v6, v2;
	v4 =	vmul.f32 v5, v4  }
0x2ee: {  	v2 =	vadd.s32 $0xFFFFFF81, v2  }
0x2ef: {  	v2 =	vcvt.s32.f32 v2;
	v3 =	vadd.f32 v3, v3;
	v4 =	vadd.f32 $1.000000000e+00, v4;
	_ =	sdelay $0x1  }
0x2f0: {  	s21 =	sadd.s32 $0x10, s21;
	v2 =	vmul.f32 $6.931471820e-01, v2;
	v3 =	vmul.f32 v4, v3  }
0x2f1: {  	p2 =	slt.u32 s21, $0x7C0  }
.Ltmp11:
0x2f2: {  	v2 =	vadd.f32 v3, v2;
	(pc) =	sbr.rel @p2 .LBB2_16-.Ltmp11, $4  }
0x2f3: {  	_ = 	snop  }
0x2f4: {  	v2 =	vsub.f32 v1, v2  }
0x2f5: {  	s19 =	sadd.s32 $0x10, s19;
	s20 =	sadd.s32 $0x10, s20  }
0x2f6: {  	s12 =	sadd.s32 $0x10, s12;
	s13 =	sadd.s32 $0x10, s13;
	[tilespmem:s5+$0x0] =	vst v2;
	s5 =	sadd.s32 $0x10, s5  }
0x2f7: {  	s4 =	sadd.s32 s9, s3  }
0x2f8: {  	s4 =	smul.u32 $0xFA, s4;
	_ =	sdelay $0x1  }
0x2f9: {  	s4 =	sadd.s32 s6, s4  }
0x2fa: {  	[hbm4b:s4+s8] =	stream.linear.scatter [tilespmem:s30], [sflag:$0x4], $0x7D0, $0x38;
	[tilespmem:$0x17280] =	vst v63  }
0x2fb: {  	_ =	swait.ge [sflag:s23], $0x7D0  }
0x2fc: {  	[sflag:s23] =	ssyncset.done $0x0  }
0x2fd: {  	[sflag:s23] =	ssyncadd.s32 $0xFFFFF830  }
.LBB2_18:
0x2fe: {  	s3 =	sadd.s32 $0x2, s3  }
0x2ff: {  	p2 =	sge.u32 s3, s10  }
.Ltmp12:
0x300: {  	_ = 	snop;
	(pc) =	sbr.rel @p2 .LBB2_24-.Ltmp12, $1  }
0x301: {  	_ =	sdelay $0x3  }
0x302: {  	s3 =	sadd.s32 s9, s3  }
0x303: {  	s3 =	smul.u32 $0xFA, s3;
	_ =	sdelay $0x1  }
0x304: {  	s3 =	sadd.s32 s0, s3  }
0x305: {  	[tilespmem:s8], [sflag:$0x4] =	stream.linear.gather [hbm4b:s3+s8], $0x7D0, $0x38;
	[tilespmem:$0x17280] =	vst v63  }
0x306: {  	_ =	swait.ge [sflag:s23], $0x7D0  }
0x307: {  	[sflag:s23] =	ssyncset.done $0x0  }
0x308: {  	s28 =	simm.s32 $0x40;
	[sflag:s23] =	ssyncadd.s32 $0xFFFFF830  }
0x309: {  	v2 =	vld [tilespmem:s28+$0x30];
	_ =	sdelay $0x1  }
0x30a: {  	v3 =	vld [tilespmem:s28+$0xFFFFFFD0];
	_ =	sdelay $0x1  }
0x30b: {  	v4 =	vld [tilespmem:s28+$0xFFFFFFE0]  }
0x30c: {  	v5 =	vshrl.u32 v2, $0x14;
	v6 =	vshrl.u32 v2, $0xA  }
0x30d: {  	s4 =	simm.s32 $0x840;
	v7 =	vld [tilespmem:s28+$0xFFFFFFC0];
	v8 =	vadd.s32 $0xFFFFFFFF, v6  }
0x30e: {  	s5 =	simm.s32 $0x1840;
	v9 =	vshrl.u32 v3, $0xA;
	[tilespmem:s4+$0x30] =	vst v8  }
0x30f: {  	v8 =	vadd.s32 $0xFFFFFFFF, v9;
	[tilespmem:s5+$0x30] =	vst v6  }
0x310: {  	v10 =	vshrl.u32 v4, $0xA;
	v6 =	vld [tilespmem:s28+$0xFFFFFFF0];
	[tilespmem:s4+$0xFFFFFFD0] =	vst v8  }
0x311: {  	v8 =	vadd.s32 $0xFFFFFFFF, v10;
	[tilespmem:s5+$0xFFFFFFD0] =	vst v9;
	v5 =	vld.idx.msk [tilespmem:v5+s14+$0x0], $0xffff  }
0x312: {  	v11 =	vshrl.u32 v7, $0xA;
	v14 =	vshrl.u32 v7, $0x14;
	v9 =	vld [tilespmem:s28+$0x0];
	[tilespmem:s4+$0xFFFFFFE0] =	vst v8  }
0x313: {  	v8 =	vadd.s32 $0xFFFFFFFF, v11;
	[tilespmem:s5+$0xFFFFFFE0] =	vst v10  }
0x314: {  	v10 =	vld [tilespmem:s28+$0x10];
	[tilespmem:s4+$0xFFFFFFC0] =	vst v8  }
0x315: {  	s11 =	simm.s32 $0x4840;
	[tilespmem:s5+$0xFFFFFFC0] =	vst v11;
	v12 =	vshrl.u32 v6, $0xA  }
0x316: {  	v11 =	vld [tilespmem:s28+$0x20];
	v13 =	vadd.s32 $0xFFFFFFFF, v12;
	[tilespmem:s11+$0x30] =	vst v5  }
0x317: {  	v2 =	vand.u32 $0x3FF, v2;
	v14 =	vld.idx.msk [tilespmem:v14+s14+$0x0], $0xffff;
	v15 =	vshrl.u32 v9, $0xA;
	[tilespmem:s4+$0xFFFFFFF0] =	vst v13  }
0x318: {  	s12 =	simm.s32 $0xC0;
	v16 =	vadd.s32 $0xFFFFFFFF, v15;
	[tilespmem:s5+$0xFFFFFFF0] =	vst v12  }
0x319: {  	v48 =	vld [tilespmem:s12+$0xFFFFFFF0];
	v8 =	vshrl.u32 v3, $0x14;
	v17 =	vshrl.u32 v10, $0xA;
	[tilespmem:s4+$0x0] =	vst v16  }
0x31a: {  	v40 =	vshrl.u32 v6, $0x14;
	v42 =	vadd.s32 $0xFFFFFFFF, v17;
	[tilespmem:s5+$0x0] =	vst v15  }
0x31b: {  	v51 =	vld [tilespmem:s12+$0x20];
	v5 =	vshrl.u32 v4, $0x14;
	[tilespmem:s4+$0x10] =	vst v42  }
0x31c: {  	v7 =	vand.u32 $0x3FF, v7;
	v2 =	vld.idx.msk [tilespmem:v2+s16+$0x0], $0xffff;
	v44 =	vshrl.u32 v11, $0xA;
	[tilespmem:s11+$0xFFFFFFC0] =	vst v14  }
0x31d: {  	v41 =	vshrl.u32 v9, $0x14;
	v45 =	vadd.s32 $0xFFFFFFFF, v44;
	[tilespmem:s5+$0x10] =	vst v17  }
0x31e: {  	v50 =	vshrl.u32 v48, $0xA;
	v18 =	vshrl.u32 v10, $0x14;
	v8 =	vld.idx.msk [tilespmem:v8+s14+$0x0], $0xffff;
	[tilespmem:s4+$0x20] =	vst v45  }
0x31f: {  	v52 =	vadd.s32 $0xFFFFFFFF, v50;
	v3 =	vand.u32 $0x3FF, v3;
	v13 =	vld.idx.msk [tilespmem:v40+s14+$0x0], $0xffff;
	s4 =	simm.s32 $0x8C0;
	[tilespmem:s5+$0x20] =	vst v44  }
0x320: {  	s3 =	simm.s32 $0x5840;
	v59 =	vshrl.u32 v51, $0xA;
	v6 =	vand.u32 $0x3FF, v6;
	[tilespmem:s4+$0xFFFFFFF0] =	vst v52;
	v5 =	vld.idx.msk [tilespmem:v5+s14+$0x0], $0xffff  }
0x321: {  	v60 =	vadd.s32 $0xFFFFFFFF, v59;
	v7 =	vld.idx.msk [tilespmem:v7+s16+$0x0], $0xffff;
	[tilespmem:s3+$0x30] =	vst v2;
	v2 =	vand.u32 $0x3FF, v4  }
0x322: {  	[tilespmem:s4+$0x20] =	vst v60;
	v4 =	vld.idx.msk [tilespmem:v41+s14+$0x0], $0xffff  }
0x323: {  	v9 =	vand.u32 $0x3FF, v9;
	v46 =	vld.idx.msk [tilespmem:v18+s14+$0x0], $0xffff;
	[tilespmem:s11+$0xFFFFFFD0] =	vst v8  }
0x324: {  	v3 =	vld.idx.msk [tilespmem:v3+s16+$0x0], $0xffff;
	[tilespmem:s11+$0xFFFFFFF0] =	vst v13  }
0x325: {  	s5 =	simm.s32 $0x18C0;
	[tilespmem:s11+$0xFFFFFFE0] =	vst v5;
	v5 =	vld.idx.msk [tilespmem:v6+s16+$0x0], $0xffff  }
0x326: {  	[tilespmem:s5+$0xFFFFFFF0] =	vst v50;
	v2 =	vld.idx.msk [tilespmem:v2+s16+$0x0], $0xffff  }
0x327: {  	[tilespmem:s11+$0x0] =	vst v4;
	v4 =	vld [tilespmem:s12+$0x30]  }
0x328: {  	[tilespmem:s3+$0xFFFFFFC0] =	vst v7;
	v6 =	vld.idx.msk [tilespmem:v9+s16+$0x0], $0xffff  }
0x329: {  	v8 =	vld [tilespmem:s12+$0xFFFFFFD0];
	[tilespmem:s11+$0x10] =	vst v46  }
0x32a: {  	v43 =	vshrl.u32 v11, $0x14;
	[tilespmem:s3+$0xFFFFFFD0] =	vst v3  }
0x32b: {  	v55 =	vshrl.u32 v48, $0x14;
	v7 =	vld [tilespmem:s12+$0xFFFFFFE0];
	[tilespmem:s3+$0xFFFFFFF0] =	vst v5  }
0x32c: {  	[tilespmem:s3+$0xFFFFFFE0] =	vst v2;
	v3 =	vshrl.u32 v4, $0xA  }
0x32d: {  	v5 =	vld [tilespmem:s12+$0xFFFFFFC0];
	v2 =	vshrl.u32 v4, $0x14;
	[tilespmem:s3+$0x0] =	vst v6;
	v6 =	vadd.s32 $0xFFFFFFFF, v3  }
0x32e: {  	v9 =	vshrl.u32 v8, $0xA;
	[tilespmem:s4+$0x30] =	vst v6  }
0x32f: {  	v47 =	vld.idx.msk [tilespmem:v43+s14+$0x0], $0xffff;
	v6 =	vadd.s32 $0xFFFFFFFF, v9;
	[tilespmem:s5+$0x30] =	vst v3  }
0x330: {  	v15 =	vld.idx.msk [tilespmem:v55+s14+$0x0], $0xffff;
	v3 =	vshrl.u32 v7, $0xA;
	[tilespmem:s4+$0xFFFFFFD0] =	vst v6  }
0x331: {  	v54 =	vshrl.u32 v7, $0x14;
	v6 =	vadd.s32 $0xFFFFFFFF, v3;
	[tilespmem:s5+$0xFFFFFFD0] =	vst v9;
	v9 =	vand.u32 $0x3FF, v10;
	v10 =	vld [tilespmem:s12+$0x0]  }
0x332: {  	v49 =	vshrl.u32 v5, $0xA;
	v2 =	vld.idx.msk [tilespmem:v2+s14+$0x0], $0xffff;
	[tilespmem:s4+$0xFFFFFFE0] =	vst v6  }
0x333: {  	v4 =	vand.u32 $0x3FF, v4;
	v6 =	vadd.s32 $0xFFFFFFFF, v49;
	[tilespmem:s5+$0xFFFFFFE0] =	vst v3  }
0x334: {  	v3 =	vand.u32 $0x3FF, v11;
	v11 =	vld [tilespmem:s12+$0x10];
	[tilespmem:s4+$0xFFFFFFC0] =	vst v6;
	v6 =	vshrl.u32 v8, $0x14  }
0x335: {  	[tilespmem:s11+$0x20] =	vst v47;
	s11 =	simm.s32 $0x48C0;
	v53 =	vshrl.u32 v5, $0x14  }
0x336: {  	v12 =	vand.u32 $0x3FF, v48;
	[tilespmem:s11+$0xFFFFFFF0] =	vst v15;
	v17 =	vld.idx.msk [tilespmem:v54+s14+$0x0], $0xffff  }
0x337: {  	[tilespmem:s11+$0x30] =	vst v2;
	v2 =	vld.idx.msk [tilespmem:v9+s16+$0x0], $0xffff;
	v9 =	vshrl.u32 v10, $0xA  }
0x338: {  	[tilespmem:s5+$0xFFFFFFC0] =	vst v49;
	v57 =	vshrl.u32 v10, $0x14;
	v56 =	vadd.s32 $0xFFFFFFFF, v9;
	v4 =	vld.idx.msk [tilespmem:v4+s16+$0x0], $0xffff  }
0x339: {  	v19 =	vshrl.u32 v11, $0xA;
	v20 =	vshrl.u32 v11, $0x14;
	v21 =	vld.idx.msk [tilespmem:v6+s14+$0x0], $0xffff;
	[tilespmem:s4+$0x0] =	vst v56  }
0x33a: {  	v6 =	vshrl.u32 v51, $0x14;
	v58 =	vadd.s32 $0xFFFFFFFF, v19;
	[tilespmem:s5+$0x0] =	vst v9;
	v9 =	vld.idx.msk [tilespmem:v53+s14+$0x0], $0xffff  }
0x33b: {  	v5 =	vand.u32 $0x3FF, v5;
	v63 =	vand.u32 $0x3FF, v10;
	v10 =	vld.idx.msk [tilespmem:v12+s16+$0x0], $0xffff;
	[tilespmem:s4+$0x10] =	vst v58  }
0x33c: {  	v61 =	vand.u32 $0x3FF, v8;
	s12 =	simm.s32 $0x58C0;
	v3 =	vld.idx.msk [tilespmem:v3+s16+$0x0], $0xffff;
	[tilespmem:s5+$0x10] =	vst v19  }
0x33d: {  	v14 =	vld.idx.msk [tilespmem:v57+s14+$0x0], $0xffff;
	[tilespmem:s12+$0x30] =	vst v4;
	v4 =	vand.u32 $0x3FF, v7  }
0x33e: {  	[tilespmem:s5+$0x20] =	vst v59;
	v62 =	vld.idx.msk [tilespmem:v20+s14+$0x0], $0xffff  }
0x33f: {  	v8 =	vld.idx.msk [tilespmem:v6+s14+$0x0], $0xffff;
	[tilespmem:s11+$0xFFFFFFC0] =	vst v9  }
0x340: {  	[tilespmem:s11+$0xFFFFFFD0] =	vst v21;
	v6 =	vld.idx.msk [tilespmem:v5+s16+$0x0], $0xffff  }
0x341: {  	[tilespmem:s11+$0xFFFFFFE0] =	vst v17;
	v7 =	vld.idx.msk [tilespmem:v61+s16+$0x0], $0xffff  }
0x342: {  	[tilespmem:s11+$0x0] =	vst v14;
	v9 =	vld.idx.msk [tilespmem:v4+s16+$0x0], $0xffff  }
0x343: {  	s13 =	simm.s32 $0x80;
	s17 =	simm.s32 $0x140;
	v5 =	vand.u32 $0x3FF, v11;
	v11 =	vld.idx.msk [tilespmem:v63+s16+$0x0], $0xffff;
	v4 =	vand.u32 $0x3FF, v51;
	[tilespmem:s11+$0x10] =	vst v62  }
.LBB2_20:
0x344: {  	v12 =	vld [tilespmem:s17+$0x30];
	s13 =	sadd.s32 $0x80, s13;
	[tilespmem:s11+$0x20] =	vst v8  }
0x345: {  	v8 =	vld [tilespmem:s17+$0xFFFFFFD0];
	p2 =	slt.u32 s13, $0x700;
	[tilespmem:s12+$0xFFFFFFC0] =	vst v6  }
0x346: {  	v6 =	vld [tilespmem:s17+$0xFFFFFFE0];
	[tilespmem:s12+$0xFFFFFFD0] =	vst v7  }
0x347: {  	v7 =	vld [tilespmem:s17+$0xFFFFFFF0];
	[tilespmem:s12+$0xFFFFFFE0] =	vst v9  }
0x348: {  	v9 =	vld [tilespmem:s17+$0x0];
	[tilespmem:s12+$0xFFFFFFF0] =	vst v10  }
0x349: {  	v10 =	vld [tilespmem:s17+$0x10];
	v13 =	vshrl.u32 v12, $0x14;
	[tilespmem:s12+$0x0] =	vst v11  }
0x34a: {  	v16 =	vshrl.u32 v12, $0xA;
	v11 =	vshrl.u32 v8, $0xA;
	v14 =	vshrl.u32 v8, $0x14;
	v15 =	vld [tilespmem:s17+$0x20];
	[tilespmem:s3+$0x10] =	vst v2  }
0x34b: {  	s4 =	sadd.s32 $0x80, s4;
	v2 =	vadd.s32 $0xFFFFFFFF, v16;
	v17 =	vld [tilespmem:s17+$0xFFFFFFC0];
	v18 =	vadd.s32 $0xFFFFFFFF, v11;
	v19 =	vshrl.u32 v6, $0xA;
	[tilespmem:s3+$0x20] =	vst v3;
	s3 =	smov.u32 s12  }
0x34c: {  	s5 =	sadd.s32 $0x80, s5;
	v21 =	vshrl.u32 v6, $0x14;
	v20 =	vadd.s32 $0xFFFFFFFF, v19;
	v22 =	vshrl.u32 v7, $0xA;
	[tilespmem:s4+$0x30] =	vst v2;
	v2 =	vld.idx.msk [tilespmem:v5+s16+$0x0], $0xffff  }
0x34d: {  	v24 =	vshrl.u32 v7, $0x14;
	v23 =	vadd.s32 $0xFFFFFFFF, v22;
	v25 =	vshrl.u32 v9, $0xA;
	[tilespmem:s5+$0x30] =	vst v16;
	v3 =	vld.idx.msk [tilespmem:v4+s16+$0x0], $0xffff  }
0x34e: {  	[tilespmem:s4+$0xFFFFFFD0] =	vst v18;
	v16 =	vadd.s32 $0xFFFFFFFF, v25;
	v18 =	vshrl.u32 v9, $0x14;
	v26 =	vshrl.u32 v10, $0xA;
	v13 =	vld.idx.msk [tilespmem:v13+s14+$0x0], $0xffff  }
0x34f: {  	v27 =	vshrl.u32 v10, $0x14;
	[tilespmem:s5+$0xFFFFFFD0] =	vst v11;
	v11 =	vadd.s32 $0xFFFFFFFF, v26;
	v28 =	vshrl.u32 v15, $0xA  }
0x350: {  	v12 =	vand.u32 $0x3FF, v12;
	v4 =	vshrl.u32 v17, $0xA;
	v14 =	vld.idx.msk [tilespmem:v14+s14+$0x0], $0xffff;
	[tilespmem:s4+$0xFFFFFFE0] =	vst v20;
	v20 =	vadd.s32 $0xFFFFFFFF, v28  }
0x351: {  	v29 =	vshrl.u32 v17, $0x14;
	v5 =	vadd.s32 $0xFFFFFFFF, v4;
	[tilespmem:s5+$0xFFFFFFE0] =	vst v19;
	v19 =	vshrl.u32 v15, $0x14  }
0x352: {  	v30 =	vand.u32 $0x3FF, v8;
	v31 =	vand.u32 $0x3FF, v6;
	v17 =	vand.u32 $0x3FF, v17;
	[tilespmem:s4+$0xFFFFFFC0] =	vst v5;
	v21 =	vld.idx.msk [tilespmem:v21+s14+$0x0], $0xffff  }
0x353: {  	s11 =	sadd.s32 $0x80, s11;
	v32 =	vand.u32 $0x3FF, v7;
	v33 =	vand.u32 $0x3FF, v9;
	v5 =	vand.u32 $0x3FF, v10;
	[tilespmem:s5+$0xFFFFFFC0] =	vst v4  }
0x354: {  	v4 =	vand.u32 $0x3FF, v15;
	[tilespmem:s11+$0x30] =	vst v13  }
0x355: {  	[tilespmem:s4+$0xFFFFFFF0] =	vst v23;
	v6 =	vld.idx.msk [tilespmem:v12+s16+$0x0], $0xffff  }
0x356: {  	v7 =	vld.idx.msk [tilespmem:v29+s14+$0x0], $0xffff;
	[tilespmem:s5+$0xFFFFFFF0] =	vst v22  }
0x357: {  	v10 =	vld.idx.msk [tilespmem:v24+s14+$0x0], $0xffff;
	[tilespmem:s4+$0x0] =	vst v16  }
0x358: {  	[tilespmem:s5+$0x0] =	vst v25  }
0x359: {  	s19 =	simm.s32 $0x780;
	v12 =	vld.idx.msk [tilespmem:v18+s14+$0x0], $0xffff;
	[tilespmem:s4+$0x10] =	vst v11  }
0x35a: {  	s20 =	simm.s32 $0x1F80;
	s21 =	simm.s32 $0xF80;
	s12 =	sadd.s32 $0x80, s12;
	[tilespmem:s5+$0x10] =	vst v26  }
0x35b: {  	s24 =	simm.s32 $0x770;
	s25 =	simm.s32 $0x5F80;
	s26 =	simm.s32 $0x4F80;
	v13 =	vld.idx.msk [tilespmem:v27+s14+$0x0], $0xffff;
	[tilespmem:s12+$0x30] =	vst v6  }
0x35c: {  	[tilespmem:s4+$0x20] =	vst v20  }
0x35d: {  	[tilespmem:s5+$0x20] =	vst v28  }
0x35e: {  	[tilespmem:s11+$0xFFFFFFC0] =	vst v7;
	v8 =	vld.idx.msk [tilespmem:v19+s14+$0x0], $0xffff  }
.Ltmp13:
0x35f: {  	v6 =	vld.idx.msk [tilespmem:v17+s16+$0x0], $0xffff;
	[tilespmem:s11+$0xFFFFFFD0] =	vst v14;
	(pc) =	sbr.rel @p2 .LBB2_20-.Ltmp13, $4  }
0x360: {  	v7 =	vld.idx.msk [tilespmem:v30+s16+$0x0], $0xffff;
	[tilespmem:s11+$0xFFFFFFE0] =	vst v21  }
0x361: {  	v9 =	vld.idx.msk [tilespmem:v31+s16+$0x0], $0xffff;
	[tilespmem:s11+$0xFFFFFFF0] =	vst v10  }
0x362: {  	v10 =	vld.idx.msk [tilespmem:v32+s16+$0x0], $0xffff;
	[tilespmem:s11+$0x0] =	vst v12  }
0x363: {  	s17 =	sadd.s32 $0x80, s17;
	v11 =	vld.idx.msk [tilespmem:v33+s16+$0x0], $0xffff;
	[tilespmem:s11+$0x10] =	vst v13  }
0x364: {  	_ = 	snop  }
0x365: {  	[tilespmem:s11+$0x20] =	vst v8  }
0x366: {  	[tilespmem:s12+$0xFFFFFFC0] =	vst v6  }
0x367: {  	[tilespmem:s3+$0x10] =	vst v2  }
0x368: {  	v5 =	vld.idx.msk [tilespmem:v5+s16+$0x0], $0xffff;
	[tilespmem:s3+$0x20] =	vst v3  }
0x369: {  	[tilespmem:s12+$0xFFFFFFD0] =	vst v7;
	v4 =	vld.idx.msk [tilespmem:v4+s16+$0x0], $0xffff  }
0x36a: {  	[tilespmem:s12+$0xFFFFFFE0] =	vst v9  }
0x36b: {  	[tilespmem:s12+$0xFFFFFFF0] =	vst v10  }
0x36c: {  	[tilespmem:s12+$0x0] =	vst v11  }
0x36d: {  	[tilespmem:s12+$0x10] =	vst v5  }
0x36e: {  	[tilespmem:s12+$0x20] =	vst v4  }
.LBB2_22:
0x36f: {  	v2 =	vld [tilespmem:s19+$0x0];
	_ =	sdelay $0x4  }
0x370: {  	v3 =	vshrl.u32 v2, $0x14  }
0x371: {  	v4 =	vshrl.u32 v2, $0xA  }
0x372: {  	v5 =	vadd.s32 $0xFFFFFFFF, v4  }
0x373: {  	[tilespmem:s21+$0x0] =	vst v5  }
0x374: {  	[tilespmem:s20+$0x0] =	vst v4  }
0x375: {  	v3 =	vld.idx.msk [tilespmem:v3+s14+$0x0], $0xffff  }
0x376: {  	v2 =	vand.u32 $0x3FF, v2;
	_ =	sdelay $0x3  }
0x377: {  	s24 =	sadd.s32 $0x10, s24;
	[tilespmem:s26+$0x0] =	vst v3  }
0x378: {  	p2 =	slt.u32 s24, $0x7C0;
	v2 =	vld.idx.msk [tilespmem:v2+s16+$0x0], $0xffff  }
.Ltmp14:
0x379: {  	_ = 	snop;
	(pc) =	sbr.rel @p2 .LBB2_22-.Ltmp14, $3  }
0x37a: {  	_ =	sdelay $0x1  }
0x37b: {  	s19 =	sadd.s32 $0x10, s19;
	s21 =	sadd.s32 $0x10, s21  }
0x37c: {  	s20 =	sadd.s32 $0x10, s20;
	s26 =	sadd.s32 $0x10, s26;
	[tilespmem:s25+$0x0] =	vst v2;
	s25 =	sadd.s32 $0x10, s25  }
0x37d: {  	s3 =	simm.s32 $0x800;
	s4 =	simm.s32 $0x2800  }
0x37e: {  	[tilespmem:s4], [sflag:$0x1] =	stream.indirect.gather [spmem:s7], $0x1, s3, s18, $0xb8;
	[tilespmem:$0x17280] =	vst v63  }
0x37f: {  	s28 =	simm.s32 $0x1800  }
0x380: {  	[tilespmem:s22], [sflag:$0x1] =	stream.indirect.gather [spmem:s7], $0x1, s28, s18, $0xb8;
	[tilespmem:$0x17280] =	vst v63  }
.LBB2_24:
.Ltmp15:
0x381: {  	(pc) =	sbr.rel @p1 .LBB2_30-.Ltmp15, $1  }
0x382: {  	_ =	sdelay $0x3  }
0x383: {  	_ =	swait.ge [sflag:s31], $0x7D0  }
0x384: {  	[sflag:s31] =	ssyncset.done $0x0  }
0x385: {  	[sflag:s31] =	ssyncadd.s32 $0xFFFFF830  }
0x386: {  	_ =	swait.ge [sflag:s31], $0x7D0  }
0x387: {  	[sflag:s31] =	ssyncset.done $0x0  }
0x388: {  	s4 =	simm.s32 $0x3040;
	[sflag:s31] =	ssyncadd.s32 $0xFFFFF830  }
0x389: {  	s5 =	simm.s32 $0x6040;
	v2 =	vld [tilespmem:s4+$0x30]  }
0x38a: {  	s11 =	simm.s32 $0x4040;
	v3 =	vld [tilespmem:s5+$0x30]  }
0x38b: {  	s3 =	simm.s32 $0x5040;
	v4 =	vld [tilespmem:s11+$0x30]  }
0x38c: {  	v5 =	vld [tilespmem:s3+$0x30];
	_ =	sdelay $0x2  }
0x38d: {  	v2 =	vsub.f32 v3, v2  }
0x38e: {  	v3 =	vsub.f32 v3, v4  }
0x38f: {  	v6 =	vld [tilespmem:s5+$0xFFFFFFC0];
	v2 =	vmul.f32 v2, v5  }
0x390: {  	v7 =	vld [tilespmem:s11+$0xFFFFFFD0];
	v3 =	vmul.f32 v3, v5  }
0x391: {  	v8 =	vld [tilespmem:s5+$0xFFFFFFD0];
	v2 =	vmax.f32 v2, $-8.500000000e+01  }
0x392: {  	v9 =	vld [tilespmem:s4+$0xFFFFFFE0];
	v3 =	vmax.f32 v3, $-8.500000000e+01;
	v2 =	vmin.f32 v2, $8.500000000e+01  }
0x393: {  	v10 =	vld [tilespmem:s11+$0xFFFFFFE0];
	v3 =	vmin.f32 v3, $8.500000000e+01;
	v2 =	vsub.f32 $0.0e+00, v2  }
0x394: {  	v11 =	vld [tilespmem:s5+$0xFFFFFFE0];
	v3 =	vsub.f32 $0.0e+00, v3  }
0x395: {  	v12 =	vld [tilespmem:s4+$0xFFFFFFF0];
	v2 =	vmul.f32 $1.442695020e+00, v2  }
0x396: {  	v13 =	vld [tilespmem:s4+$0x0];
	v3 =	vmul.f32 $1.442695020e+00, v3  }
0x397: {  	v14 =	vld [tilespmem:s11+$0x0];
	(erf) = vpow2.f32 v2  }
0x398: {  	v15 =	vld [tilespmem:s5+$0x0];
	(erf) = vpow2.f32 v3  }
0x399: {  	v16 =	vld [tilespmem:s4+$0x10]  }
0x39a: {  	v17 =	vld [tilespmem:s11+$0x10]  }
0x39b: {  	v18 =	vld [tilespmem:s5+$0x10]  }
0x39c: {  	v19 =	vld [tilespmem:s4+$0x20]  }
0x39d: {  	v21 =	vld [tilespmem:s11+$0x20]  }
0x39e: {  	v23 =	vld [tilespmem:s4+$0xFFFFFFC0]  }
0x39f: {  	v5 =	vld [tilespmem:s4+$0xFFFFFFD0]  }
0x3a0: {  	v4 =	vld [tilespmem:s11+$0xFFFFFFC0];
	v20 =	vpop (erf)  }
0x3a1: {  	v3 =	vld [tilespmem:s5+$0xFFFFFFF0];
	v20 =	vadd.f32 $1.000000000e+00, v20;
	v22 =	vpop (erf)  }
0x3a2: {  	v7 =	vsub.f32 v8, v7;
	v2 =	vld [tilespmem:s11+$0xFFFFFFF0];
	v22 =	vadd.f32 $1.000000000e+00, v22  }
0x3a3: {  	v24 =	vld [tilespmem:s3+$0xFFFFFFC0];
	v10 =	vsub.f32 v11, v10;
	v14 =	vsub.f32 v15, v14;
	(erf) = vrcp.f32 v20  }
0x3a4: {  	v5 =	vsub.f32 v8, v5;
	v8 =	vsub.f32 v11, v9;
	v9 =	vld [tilespmem:s5+$0x20];
	(erf) = vrcp.f32 v22  }
0x3a5: {  	v16 =	vsub.f32 v18, v16;
	v4 =	vsub.f32 v6, v4  }
0x3a6: {  	v6 =	vsub.f32 v6, v23;
	v11 =	vsub.f32 v3, v12;
	v12 =	vld [tilespmem:s3+$0xFFFFFFD0]  }
0x3a7: {  	v2 =	vsub.f32 v3, v2;
	v3 =	vsub.f32 v15, v13;
	v13 =	vld [tilespmem:s3+$0xFFFFFFE0]  }
0x3a8: {  	v17 =	vsub.f32 v18, v17;
	v18 =	vld [tilespmem:s3+$0x0];
	v4 =	vmul.f32 v4, v24;
	v6 =	vmul.f32 v6, v24  }
0x3a9: {  	v19 =	vsub.f32 v9, v19;
	v9 =	vsub.f32 v9, v21;
	v21 =	vld [tilespmem:s3+$0x20]  }
0x3aa: {  	v4 =	vmax.f32 v4, $-8.500000000e+01;
	v6 =	vmax.f32 v6, $-8.500000000e+01  }
0x3ab: {  	v6 =	vmin.f32 v6, $8.500000000e+01;
	v4 =	vmin.f32 v4, $8.500000000e+01;
	v5 =	vmul.f32 v5, v12;
	v20 =	vld [tilespmem:s3+$0x10]  }
0x3ac: {  	v6 =	vsub.f32 $0.0e+00, v6;
	v15 =	vld [tilespmem:s3+$0xFFFFFFF0];
	v7 =	vmul.f32 v7, v12;
	v8 =	vmul.f32 v8, v13;
	v12 =	vpop (erf)  }
0x3ad: {  	v4 =	vsub.f32 $0.0e+00, v4;
	v10 =	vmul.f32 v10, v13;
	v13 =	vmul.f32 v14, v18;
	v14 =	vpop (erf)  }
0x3ae: {  	v6 =	vmul.f32 $1.442695020e+00, v6;
	v9 =	vmul.f32 v9, v21;
	v12 =	vsub.f32 v12, v14  }
0x3af: {  	v4 =	vmul.f32 $1.442695020e+00, v4;
	v3 =	vmul.f32 v3, v18  }
0x3b0: {  	v9 =	vmax.f32 v9, $-8.500000000e+01;
	v14 =	vmul.f32 v17, v20;
	v17 =	vand.u32 $0x7FFFFF, v12  }
0x3b1: {  	v3 =	vmax.f32 v3, $-8.500000000e+01;
	v11 =	vmul.f32 v11, v15;
	v17 =	vor.u32 $0x3F800000, v17  }
0x3b2: {  	v2 =	vmul.f32 v2, v15;
	v3 =	vmin.f32 v3, $8.500000000e+01;
	v18 =	vmul.f32 $5.000000000e-01, v17  }
0x3b3: {  	v3 =	vsub.f32 $0.0e+00, v3;
	v5 =	vmax.f32 v5, $-8.500000000e+01;
	vm0 =	vge.f32 v17, $1.414213540e+00  }
0x3b4: {  	v7 =	vmax.f32 v7, $-8.500000000e+01;
	v8 =	vmax.f32 v8, $-8.500000000e+01;
	v17 =	vsel vm0, v18, v17  }
0x3b5: {  	v10 =	vmax.f32 v10, $-8.500000000e+01;
	v11 =	vmax.f32 v11, $-8.500000000e+01;
	v18 =	vadd.f32 $1.000000000e+00, v17  }
0x3b6: {  	v2 =	vmax.f32 v2, $-8.500000000e+01;
	v13 =	vmax.f32 v13, $-8.500000000e+01;
	v5 =	vmin.f32 v5, $8.500000000e+01  }
0x3b7: {  	v7 =	vmin.f32 v7, $8.500000000e+01;
	v8 =	vmin.f32 v8, $8.500000000e+01;
	(erf) = vrcp.f32 v18  }
0x3b8: {  	v10 =	vmin.f32 v10, $8.500000000e+01;
	v11 =	vmin.f32 v11, $8.500000000e+01;
	v2 =	vmin.f32 v2, $8.500000000e+01  }
0x3b9: {  	v3 =	vmul.f32 $1.442695020e+00, v3;
	v5 =	vsub.f32 $0.0e+00, v5;
	v7 =	vsub.f32 $0.0e+00, v7  }
0x3ba: {  	v8 =	vsub.f32 $0.0e+00, v8;
	v10 =	vsub.f32 $0.0e+00, v10;
	v15 =	vmul.f32 v16, v20  }
0x3bb: {  	v11 =	vsub.f32 $0.0e+00, v11;
	v16 =	vmul.f32 v19, v21;
	v5 =	vmul.f32 $1.442695020e+00, v5  }
0x3bc: {  	v2 =	vsub.f32 $0.0e+00, v2;
	v7 =	vmul.f32 $1.442695020e+00, v7;
	v8 =	vmul.f32 $1.442695020e+00, v8  }
0x3bd: {  	v13 =	vmin.f32 v13, $8.500000000e+01;
	v10 =	vmul.f32 $1.442695020e+00, v10;
	v11 =	vmul.f32 $1.442695020e+00, v11  }
0x3be: {  	v2 =	vmul.f32 $1.442695020e+00, v2;
	v15 =	vmax.f32 v15, $-8.500000000e+01;
	v16 =	vmax.f32 v16, $-8.500000000e+01  }
0x3bf: {  	v15 =	vmin.f32 v15, $8.500000000e+01;
	(erf) = vpow2.f32 v6;
	v6 =	vadd.f32 $-1.000000000e+00, v17  }
0x3c0: {  	v14 =	vmax.f32 v14, $-8.500000000e+01;
	(erf) = vpow2.f32 v4;
	v4 =	vsub.f32 $0.0e+00, v13;
	v13 =	vpop (erf)  }
0x3c1: {  	v14 =	vmin.f32 v14, $8.500000000e+01;
	(erf) = vpow2.f32 v5;
	v6 =	vmul.f32 v13, v6  }
0x3c2: {  	v5 =	vmin.f32 v16, $8.500000000e+01;
	(erf) = vpow2.f32 v7;
	v7 =	vsub.f32 $0.0e+00, v15  }
0x3c3: {  	(erf) = vpow2.f32 v8;
	v8 =	vmin.f32 v9, $8.500000000e+01;
	v9 =	vmul.f32 v6, v6  }
0x3c4: {  	v4 =	vmul.f32 $1.442695020e+00, v4;
	v5 =	vsub.f32 $0.0e+00, v5;
	(erf) = vpow2.f32 v10  }
0x3c5: {  	v10 =	vsub.f32 $0.0e+00, v14;
	(erf) = vpow2.f32 v11;
	v11 =	vmul.f32 $1.428571490e-01, v9  }
0x3c6: {  	v7 =	vmul.f32 $1.442695020e+00, v7;
	(erf) = vpow2.f32 v2  }
0x3c7: {  	(erf) = vpow2.f32 v3;
	v3 =	vmul.f32 $1.442695020e+00, v5;
	v5 =	vadd.f32 $2.000000030e-01, v11  }
0x3c8: {  	v2 =	vsub.f32 $0.0e+00, v8;
	v8 =	vmul.f32 $1.442695020e+00, v10  }
0x3c9: {  	v10 =	vpop (erf);
	(erf) = vpow2.f32 v4;
	v5 =	vmul.f32 v5, v9  }
0x3ca: {  	v2 =	vmul.f32 $1.442695020e+00, v2;
	v4 =	vpop (erf);
	(erf) = vpow2.f32 v7  }
0x3cb: {  	v7 =	vpop (erf);
	(erf) = vpow2.f32 v8;
	v8 =	vadd.f32 $1.000000000e+00, v10;
	v4 =	vadd.f32 $1.000000000e+00, v4  }
0x3cc: {  	v10 =	vpop (erf);
	(erf) = vpow2.f32 v3;
	v7 =	vadd.f32 $1.000000000e+00, v7;
	v3 =	vadd.f32 $3.333333430e-01, v5  }
0x3cd: {  	v10 =	vadd.f32 $1.000000000e+00, v10;
	v5 =	vpop (erf);
	(erf) = vpow2.f32 v2;
	v2 =	vshrl.u32 v12, $0x17  }
0x3ce: {  	s26 =	simm.s32 $0x30C0;
	v3 =	vmul.f32 v3, v9;
	v11 =	vpop (erf);
	(erf) = vrcp.f32 v8;
	v8 =	vsel vm0, $0x1, v0  }
0x3cf: {  	v35 =	vld [tilespmem:s26+$0xFFFFFFD0];
	v12 =	vpop (erf);
	(erf) = vrcp.f32 v4;
	v2 =	vadd.s32 v8, v2;
	v4 =	vadd.f32 $1.000000000e+00, v5  }
0x3d0: {  	v41 =	vld [tilespmem:s26+$0xFFFFFFF0];
	v3 =	vadd.f32 $1.000000000e+00, v3;
	v5 =	vpop (erf);
	(erf) = vrcp.f32 v7;
	v7 =	vadd.f32 $1.000000000e+00, v11  }
0x3d1: {  	v58 =	vld [tilespmem:s26+$0x10];
	s4 =	simm.s32 $0x40C0;
	v2 =	vadd.s32 $0xFFFFFF81, v2;
	v9 =	vadd.f32 $1.000000000e+00, v12;
	v8 =	vpop (erf);
	(erf) = vrcp.f32 v10  }
0x3d2: {  	v31 =	vld [tilespmem:s4+$0xFFFFFFC0];
	v5 =	vadd.f32 $1.000000000e+00, v5;
	v2 =	vcvt.s32.f32 v2;
	v10 =	vpop (erf);
	(erf) = vrcp.f32 v4  }
0x3d3: {  	v36 =	vld [tilespmem:s4+$0xFFFFFFD0];
	v4 =	vadd.f32 v6, v6;
	v6 =	vpop (erf);
	(erf) = vrcp.f32 v7;
	v7 =	vadd.f32 $1.000000000e+00, v8  }
0x3d4: {  	v39 =	vld [tilespmem:s4+$0xFFFFFFE0];
	s3 =	simm.s32 $0x60C0;
	v2 =	vmul.f32 $6.931471820e-01, v2;
	v8 =	vpop (erf);
	(erf) = vrcp.f32 v9  }
0x3d5: {  	v34 =	vld [tilespmem:s3+$0xFFFFFFC0];
	v9 =	vadd.f32 $1.000000000e+00, v10;
	v3 =	vmul.f32 v3, v4;
	v4 =	vadd.f32 $1.000000000e+00, v6;
	v10 =	vpop (erf)  }
0x3d6: {  	v38 =	vld [tilespmem:s3+$0xFFFFFFD0];
	(erf) = vrcp.f32 v5;
	v5 =	vpop (erf)  }
0x3d7: {  	v40 =	vld [tilespmem:s3+$0xFFFFFFE0];
	(erf) = vrcp.f32 v7;
	v2 =	vadd.f32 v3, v2;
	v7 =	vpop (erf)  }
0x3d8: {  	v43 =	vld [tilespmem:s3+$0xFFFFFFF0];
	v6 =	vadd.f32 $1.000000000e+00, v8;
	(erf) = vrcp.f32 v9;
	v5 =	vadd.f32 $1.000000000e+00, v5;
	v8 =	vpop (erf)  }
0x3d9: {  	v42 =	vld [tilespmem:s4+$0xFFFFFFF0];
	v3 =	vadd.f32 $1.000000000e+00, v10;
	(erf) = vrcp.f32 v4;
	v4 =	vpop (erf)  }
0x3da: {  	s11 =	simm.s32 $0x50C0;
	v60 =	vld [tilespmem:s3+$0x10];
	v31 =	vsub.f32 v34, v31;
	(erf) = vrcp.f32 v6;
	v6 =	vsub.f32 v7, v8;
	v7 =	vpop (erf)  }
0x3db: {  	v45 =	vld [tilespmem:s11+$0xFFFFFFE0];
	v35 =	vsub.f32 v38, v35;
	v10 =	vsub.f32 v1, v2;
	(erf) = vrcp.f32 v3;
	v2 =	vpop (erf)  }
0x3dc: {  	v36 =	vsub.f32 v38, v36;
	v57 =	vsub.f32 v40, v39;
	(erf) = vrcp.f32 v5;
	v5 =	vpop (erf)  }
0x3dd: {  	v59 =	vsub.f32 v43, v41;
	v2 =	vsub.f32 v2, v5  }
0x3de: {  	v61 =	vsub.f32 v43, v42;
	v4 =	vsub.f32 v4, v7  }
0x3df: {  	v39 =	vsub.f32 v60, v58;
	v3 =	vand.u32 $0x7FFFFF, v6;
	v5 =	vpop (erf);
	v11 =	vand.u32 $0x7FFFFF, v2  }
0x3e0: {  	v52 =	vmul.f32 v57, v45;
	v3 =	vor.u32 $0x3F800000, v3;
	v8 =	vand.u32 $0x7FFFFF, v4;
	v9 =	vpop (erf)  }
0x3e1: {  	v7 =	vmul.f32 $5.000000000e-01, v3;
	vm15 =	vge.f32 v3, $1.414213540e+00;
	v8 =	vor.u32 $0x3F800000, v8;
	v12 =	vpop (erf)  }
0x3e2: {  	v13 =	vmul.f32 $5.000000000e-01, v8;
	v5 =	vsub.f32 v5, v9;
	v9 =	vor.u32 $0x3F800000, v11;
	v11 =	vpop (erf)  }
0x3e3: {  	v3 =	vsel vm15, v7, v3;
	vm1 =	vge.f32 v8, $1.414213540e+00;
	v11 =	vsub.f32 v12, v11  }
0x3e4: {  	v7 =	vmul.f32 $5.000000000e-01, v9;
	v15 =	vand.u32 $0x7FFFFF, v5;
	v8 =	vsel vm1, v13, v8  }
0x3e5: {  	vm2 =	vge.f32 v9, $1.414213540e+00;
	v13 =	vor.u32 $0x3F800000, v15;
	v15 =	vand.u32 $0x7FFFFF, v11  }
0x3e6: {  	v54 =	vmax.f32 v52, $-8.500000000e+01;
	v14 =	vpop (erf);
	v7 =	vsel vm2, v7, v9;
	v9 =	vor.u32 $0x3F800000, v15  }
0x3e7: {  	v6 =	vshrl.u32 v6, $0x17;
	v19 =	vadd.f32 $1.000000000e+00, v3;
	v12 =	vpop (erf);
	v18 =	vmul.f32 $5.000000000e-01, v9  }
0x3e8: {  	v12 =	vsub.f32 v14, v12;
	v14 =	vmul.f32 $5.000000000e-01, v13;
	vm4 =	vge.f32 v9, $1.414213540e+00  }
0x3e9: {  	vm3 =	vge.f32 v13, $1.414213540e+00;
	v9 =	vsel vm4, v18, v9;
	v18 =	vadd.f32 $1.000000000e+00, v8  }
0x3ea: {  	(erf) = vrcp.f32 v19;
	v19 =	vadd.f32 $1.000000000e+00, v7;
	v16 =	vpop (erf);
	v13 =	vsel vm3, v14, v13  }
0x3eb: {  	v17 =	vand.u32 $0x7FFFFF, v12;
	v15 =	vpop (erf);
	v20 =	vadd.f32 $1.000000000e+00, v13;
	(erf) = vrcp.f32 v18  }
0x3ec: {  	v15 =	vsub.f32 v16, v15;
	v21 =	vadd.f32 $1.000000000e+00, v9;
	(erf) = vrcp.f32 v19  }
0x3ed: {  	v4 =	vshrl.u32 v4, $0x17;
	v16 =	vor.u32 $0x3F800000, v17;
	(erf) = vrcp.f32 v20  }
0x3ee: {  	v14 =	vmul.f32 $5.000000000e-01, v16;
	v17 =	vand.u32 $0x7FFFFF, v15;
	(erf) = vrcp.f32 v21  }
0x3ef: {  	v23 =	vshrl.u32 v2, $0x17;
	vm5 =	vge.f32 v16, $1.414213540e+00;
	v17 =	vor.u32 $0x3F800000, v17  }
0x3f0: {  	v3 =	vadd.f32 $-1.000000000e+00, v3;
	v14 =	vsel vm5, v14, v16;
	v16 =	vmul.f32 $5.000000000e-01, v17  }
0x3f1: {  	v24 =	vshrl.u32 v5, $0x17;
	v7 =	vadd.f32 $-1.000000000e+00, v7;
	vm6 =	vge.f32 v17, $1.414213540e+00  }
0x3f2: {  	v13 =	vadd.f32 $-1.000000000e+00, v13;
	v16 =	vsel vm6, v16, v17;
	v17 =	vadd.f32 $1.000000000e+00, v14  }
0x3f3: {  	v11 =	vshrl.u32 v11, $0x17;
	v8 =	vadd.f32 $-1.000000000e+00, v8;
	v9 =	vadd.f32 $-1.000000000e+00, v9;
	v2 =	vpop (erf)  }
0x3f4: {  	v2 =	vmul.f32 v2, v3;
	(erf) = vrcp.f32 v17;
	v17 =	vsel vm1, $0x1, v0;
	v3 =	vpop (erf)  }
0x3f5: {  	v19 =	vsel vm15, $0x1, v0;
	v20 =	vsel vm2, $0x1, v0;
	v17 =	vadd.s32 v17, v4;
	v4 =	vpop (erf)  }
0x3f6: {  	v18 =	vadd.f32 $1.000000000e+00, v16;
	v5 =	vmul.f32 v3, v8;
	v3 =	vmul.f32 v4, v7;
	v4 =	vpop (erf)  }
0x3f7: {  	v19 =	vadd.s32 v19, v6;
	v20 =	vadd.s32 v20, v23;
	v23 =	vld [tilespmem:s3+$0x30];
	v6 =	vmul.f32 v4, v13;
	v4 =	vpop (erf)  }
0x3f8: {  	(erf) = vrcp.f32 v18;
	v18 =	vsel vm3, $0x1, v0;
	v4 =	vmul.f32 v4, v9;
	v9 =	vld [tilespmem:s26+$0x30]  }
0x3f9: {  	v15 =	vshrl.u32 v15, $0x17;
	v25 =	vsel vm6, $0x1, v0;
	v18 =	vadd.s32 v18, v24;
	v24 =	vld [tilespmem:s4+$0x30]  }
0x3fa: {  	v12 =	vshrl.u32 v12, $0x17;
	v22 =	vsel vm5, $0x1, v0;
	v15 =	vadd.s32 v25, v15;
	v25 =	vld [tilespmem:s11+$0x30]  }
0x3fb: {  	v12 =	vadd.s32 v22, v12;
	v21 =	vsel vm4, $0x1, v0;
	v26 =	vmul.f32 v2, v2  }
0x3fc: {  	v19 =	vadd.s32 $0xFFFFFF81, v19;
	v2 =	vadd.f32 v2, v2;
	v14 =	vadd.f32 $-1.000000000e+00, v14  }
0x3fd: {  	v11 =	vadd.s32 v21, v11;
	v20 =	vadd.s32 $0xFFFFFF81, v20;
	v9 =	vsub.f32 v23, v9  }
0x3fe: {  	v13 =	vmul.f32 v5, v5;
	v21 =	vmul.f32 v3, v3;
	v23 =	vsub.f32 v23, v24  }
0x3ff: {  	v16 =	vadd.f32 $-1.000000000e+00, v16;
	v22 =	vmul.f32 v6, v6;
	v9 =	vmul.f32 v9, v25  }
0x400: {  	v33 =	vadd.s32 $0xFFFFFF81, v11;
	v28 =	vmul.f32 $1.428571490e-01, v13;
	v7 =	vpop (erf);
	v23 =	vmul.f32 v23, v25  }
0x401: {  	v30 =	vmul.f32 $1.428571490e-01, v21;
	v7 =	vmul.f32 v7, v14;
	v9 =	vmax.f32 v9, $-8.500000000e+01  }
0x402: {  	v14 =	vmul.f32 v4, v4;
	v23 =	vmax.f32 v23, $-8.500000000e+01;
	v9 =	vmin.f32 v9, $8.500000000e+01  }
0x403: {  	v8 =	vpop (erf);
	v32 =	vmul.f32 $1.428571490e-01, v22;
	v23 =	vmin.f32 v23, $8.500000000e+01;
	v9 =	vsub.f32 $0.0e+00, v9  }
0x404: {  	v8 =	vmul.f32 v8, v16;
	v16 =	vmul.f32 $1.428571490e-01, v26;
	v23 =	vsub.f32 $0.0e+00, v23  }
0x405: {  	v17 =	vadd.s32 $0xFFFFFF81, v17;
	v27 =	vmul.f32 v7, v7;
	v9 =	vmul.f32 $1.442695020e+00, v9  }
0x406: {  	v56 =	vld [tilespmem:s26+$0xFFFFFFE0];
	v28 =	vadd.f32 $2.000000030e-01, v28;
	v29 =	vmul.f32 v8, v8;
	v23 =	vmul.f32 $1.442695020e+00, v23  }
0x407: {  	v11 =	vadd.f32 $2.000000030e-01, v16;
	v16 =	vmul.f32 $1.428571490e-01, v14;
	(erf) = vpow2.f32 v9  }
0x408: {  	v18 =	vadd.s32 $0xFFFFFF81, v18;
	v37 =	vmul.f32 $1.428571490e-01, v29;
	(erf) = vpow2.f32 v23  }
0x409: {  	v30 =	vadd.f32 $2.000000030e-01, v30;
	v28 =	vmul.f32 v28, v13;
	v16 =	vadd.f32 $2.000000030e-01, v16  }
0x40a: {  	v24 =	vmul.f32 $1.428571490e-01, v27;
	v11 =	vmul.f32 v11, v26;
	v37 =	vadd.f32 $2.000000030e-01, v37  }
0x40b: {  	v25 =	vadd.f32 $2.000000030e-01, v32;
	v32 =	vsub.f32 v40, v56;
	v16 =	vmul.f32 v16, v14  }
0x40c: {  	v11 =	vadd.f32 $3.333333430e-01, v11;
	v37 =	vmul.f32 v37, v29;
	v9 =	vadd.f32 $3.333333430e-01, v28  }
0x40d: {  	v30 =	vmul.f32 v30, v21;
	v24 =	vadd.f32 $2.000000030e-01, v24;
	v16 =	vadd.f32 $3.333333430e-01, v16  }
0x40e: {  	v11 =	vmul.f32 v11, v26;
	v13 =	vmul.f32 v9, v13;
	v9 =	vadd.f32 $3.333333430e-01, v37  }
0x40f: {  	v44 =	vld [tilespmem:s26+$0x0];
	v25 =	vmul.f32 v25, v22;
	v16 =	vmul.f32 v16, v14;
	v14 =	vadd.s32 $0xFFFFFF81, v12  }
0x410: {  	v49 =	vld [tilespmem:s11+$0xFFFFFFF0];
	v29 =	vmul.f32 v9, v29;
	v9 =	vcvt.s32.f32 v19;
	v19 =	vadd.f32 $1.000000000e+00, v11;
	v12 =	vpop (erf)  }
0x411: {  	v63 =	vld [tilespmem:s3+$0x20];
	v48 =	vadd.f32 $1.000000000e+00, v13;
	v11 =	vcvt.s32.f32 v17;
	v13 =	vadd.f32 $1.000000000e+00, v12;
	v17 =	vpop (erf)  }
0x412: {  	v32 =	vmul.f32 v32, v45;
	v25 =	vadd.f32 $3.333333430e-01, v25;
	v28 =	vld [tilespmem:s4+$0x0];
	v17 =	vadd.f32 $1.000000000e+00, v17  }
0x413: {  	v23 =	vmul.f32 v24, v27;
	v24 =	vadd.f32 $3.333333430e-01, v30;
	v30 =	vld [tilespmem:s3+$0x0];
	(erf) = vrcp.f32 v13  }
0x414: {  	v32 =	vmax.f32 v32, $-8.500000000e+01;
	v22 =	vmul.f32 v25, v22;
	v25 =	vld [tilespmem:s4+$0x20];
	(erf) = vrcp.f32 v17  }
0x415: {  	v51 =	vld [tilespmem:s11+$0x20];
	v6 =	vadd.f32 v6, v6;
	v32 =	vmin.f32 v32, $8.500000000e+01;
	v23 =	vadd.f32 $3.333333430e-01, v23  }
0x416: {  	v32 =	vsub.f32 $0.0e+00, v32;
	v22 =	vadd.f32 $1.000000000e+00, v22;
	v21 =	vmul.f32 v24, v21;
	v24 =	vld [tilespmem:s26+$0x20]  }
0x417: {  	v37 =	vmul.f32 v59, v49;
	v23 =	vmul.f32 v23, v27;
	v27 =	vadd.s32 $0xFFFFFF81, v15;
	v15 =	vld [tilespmem:s26+$0xFFFFFFC0]  }
0x418: {  	v32 =	vmul.f32 $1.442695020e+00, v32;
	v62 =	vsub.f32 v30, v44;
	v28 =	vsub.f32 v30, v28;
	v30 =	vld [tilespmem:s11+$0xFFFFFFC0]  }
0x419: {  	v25 =	vsub.f32 v63, v25;
	v37 =	vmax.f32 v37, $-8.500000000e+01;
	v12 =	vcvt.s32.f32 v20;
	v20 =	vld [tilespmem:s11+$0xFFFFFFD0]  }
0x41a: {  	v26 =	vld [tilespmem:s4+$0x10];
	v16 =	vadd.f32 $1.000000000e+00, v16;
	v21 =	vadd.f32 $1.000000000e+00, v21;
	v37 =	vmin.f32 v37, $8.500000000e+01  }
0x41b: {  	v25 =	vmul.f32 v25, v51;
	v37 =	vsub.f32 $0.0e+00, v37;
	v19 =	vmul.f32 v19, v2  }
0x41c: {  	v2 =	vadd.f32 v3, v3;
	v13 =	vcvt.s32.f32 v18;
	v18 =	vsub.f32 v34, v15;
	v55 =	vpop (erf)  }
0x41d: {  	v25 =	vmax.f32 v25, $-8.500000000e+01;
	v24 =	vsub.f32 v63, v24;
	v31 =	vmul.f32 v31, v30;
	v56 =	vpop (erf)  }
0x41e: {  	v18 =	vmul.f32 v18, v30;
	v30 =	vmul.f32 v35, v20;
	v35 =	vsub.f32 v55, v56  }
0x41f: {  	v23 =	vadd.f32 $1.000000000e+00, v23;
	v25 =	vmin.f32 v25, $8.500000000e+01;
	v17 =	vsub.f32 v60, v26;
	v26 =	vld [tilespmem:s11+$0x0]  }
0x420: {  	v50 =	vld [tilespmem:s11+$0x10];
	v24 =	vmul.f32 v24, v51;
	v20 =	vmul.f32 v36, v20;
	v36 =	vand.u32 $0x7FFFFF, v35  }
0x421: {  	v37 =	vmul.f32 $1.442695020e+00, v37;
	v15 =	vcvt.s32.f32 v33;
	v36 =	vor.u32 $0x3F800000, v36  }
0x422: {  	v34 =	vmul.f32 v61, v49;
	v24 =	vmax.f32 v24, $-8.500000000e+01;
	v57 =	vmul.f32 $5.000000000e-01, v36  }
0x423: {  	v33 =	vmin.f32 v54, $8.500000000e+01;
	v31 =	vmax.f32 v31, $-8.500000000e+01;
	vm8 =	vge.f32 v36, $1.414213540e+00  }
0x424: {  	v24 =	vmin.f32 v24, $8.500000000e+01;
	v53 =	vmul.f32 v62, v26;
	v36 =	vsel vm8, v57, v36  }
0x425: {  	v26 =	vmul.f32 v28, v26;
	v28 =	vmul.f32 v39, v50;
	v39 =	vadd.f32 $1.000000000e+00, v36  }
0x426: {  	v33 =	vsub.f32 $0.0e+00, v33;
	v34 =	vmax.f32 v34, $-8.500000000e+01;
	v31 =	vmin.f32 v31, $8.500000000e+01  }
0x427: {  	v24 =	vsub.f32 $0.0e+00, v24;
	v17 =	vmul.f32 v17, v50;
	(erf) = vrcp.f32 v39  }
0x428: {  	v34 =	vmin.f32 v34, $8.500000000e+01;
	v31 =	vsub.f32 $0.0e+00, v31;
	v33 =	vmul.f32 $1.442695020e+00, v33  }
0x429: {  	v18 =	vmax.f32 v18, $-8.500000000e+01;
	v34 =	vsub.f32 $0.0e+00, v34;
	v24 =	vmul.f32 $1.442695020e+00, v24  }
0x42a: {  	v30 =	vmax.f32 v30, $-8.500000000e+01;
	v20 =	vmax.f32 v20, $-8.500000000e+01;
	v17 =	vmax.f32 v17, $-8.500000000e+01  }
0x42b: {  	v18 =	vmin.f32 v18, $8.500000000e+01;
	v31 =	vmul.f32 $1.442695020e+00, v31;
	v30 =	vmin.f32 v30, $8.500000000e+01  }
0x42c: {  	v20 =	vmin.f32 v20, $8.500000000e+01;
	v17 =	vmin.f32 v17, $8.500000000e+01;
	v18 =	vsub.f32 $0.0e+00, v18  }
0x42d: {  	v34 =	vmul.f32 $1.442695020e+00, v34;
	v30 =	vsub.f32 $0.0e+00, v30;
	v20 =	vsub.f32 $0.0e+00, v20  }
0x42e: {  	v17 =	vsub.f32 $0.0e+00, v17;
	v38 =	vmax.f32 v53, $-8.500000000e+01;
	v26 =	vmax.f32 v26, $-8.500000000e+01  }
0x42f: {  	v18 =	vmul.f32 $1.442695020e+00, v18;
	v38 =	vmin.f32 v38, $8.500000000e+01;
	v36 =	vadd.f32 $-1.000000000e+00, v36  }
0x430: {  	v30 =	vmul.f32 $1.442695020e+00, v30;
	v20 =	vmul.f32 $1.442695020e+00, v20;
	v38 =	vsub.f32 $0.0e+00, v38;
	v39 =	vpop (erf)  }
0x431: {  	v26 =	vmin.f32 v26, $8.500000000e+01;
	v17 =	vmul.f32 $1.442695020e+00, v17;
	v36 =	vmul.f32 v39, v36  }
0x432: {  	v26 =	vsub.f32 $0.0e+00, v26;
	v38 =	vmul.f32 $1.442695020e+00, v38;
	(erf) = vpow2.f32 v18  }
0x433: {  	v18 =	vcvt.s32.f32 v27;
	v27 =	vadd.f32 $1.000000000e+00, v29;
	v29 =	vmul.f32 v36, v36  }
0x434: {  	v28 =	vmax.f32 v28, $-8.500000000e+01;
	v26 =	vmul.f32 $1.442695020e+00, v26;
	(erf) = vpow2.f32 v31  }
0x435: {  	v28 =	vmin.f32 v28, $8.500000000e+01;
	(erf) = vpow2.f32 v30;
	v3 =	vmul.f32 $1.428571490e-01, v29  }
0x436: {  	v28 =	vsub.f32 $0.0e+00, v28;
	(erf) = vpow2.f32 v20;
	v20 =	vmul.f32 v21, v2  }
0x437: {  	v2 =	vadd.f32 v4, v4;
	(erf) = vpow2.f32 v32;
	v3 =	vadd.f32 $2.000000030e-01, v3  }
0x438: {  	v21 =	vmul.f32 v22, v6;
	v4 =	vadd.f32 v7, v7;
	(erf) = vpow2.f32 v33  }
0x439: {  	v6 =	vadd.f32 v8, v8;
	v8 =	vmul.f32 v16, v2;
	v3 =	vmul.f32 v3, v29  }
0x43a: {  	v7 =	vsel vm8, $0x1, v0;
	v22 =	vmul.f32 v23, v4;
	(erf) = vpow2.f32 v37  }
0x43b: {  	v4 =	vshrl.u32 v35, $0x17;
	(erf) = vpow2.f32 v34;
	v2 =	vadd.f32 $3.333333430e-01, v3  }
0x43c: {  	v28 =	vmul.f32 $1.442695020e+00, v28;
	v4 =	vadd.s32 v7, v4;
	(erf) = vpow2.f32 v38  }
0x43d: {  	v4 =	vadd.s32 $0xFFFFFF81, v4;
	v3 =	vpop (erf);
	(erf) = vpow2.f32 v26;
	v2 =	vmul.f32 v2, v29  }
0x43e: {  	v25 =	vsub.f32 $0.0e+00, v25;
	v4 =	vcvt.s32.f32 v4;
	v16 =	vpop (erf);
	(erf) = vpow2.f32 v28  }
0x43f: {  	v23 =	vadd.f32 v36, v36;
	v7 =	vpop (erf);
	(erf) = vpow2.f32 v17;
	v2 =	vadd.f32 $1.000000000e+00, v2  }
0x440: {  	v25 =	vmul.f32 $1.442695020e+00, v25;
	v3 =	vadd.f32 $1.000000000e+00, v3;
	v17 =	vpop (erf);
	(erf) = vpow2.f32 v24  }
0x441: {  	v4 =	vmul.f32 $6.931471820e-01, v4;
	v24 =	vpop (erf);
	v2 =	vmul.f32 v2, v23  }
0x442: {  	v16 =	vadd.f32 $1.000000000e+00, v16;
	v7 =	vadd.f32 $1.000000000e+00, v7;
	(erf) = vpow2.f32 v25;
	v26 =	vpop (erf)  }
0x443: {  	v5 =	vadd.f32 v5, v5;
	(erf) = vrcp.f32 v3;
	v23 =	vpop (erf);
	v2 =	vadd.f32 v2, v4  }
0x444: {  	v17 =	vadd.f32 $1.000000000e+00, v17;
	v24 =	vadd.f32 $1.000000000e+00, v24;
	(erf) = vrcp.f32 v16;
	v3 =	vpop (erf)  }
0x445: {  	v5 =	vmul.f32 v48, v5;
	(erf) = vrcp.f32 v7;
	v4 =	vpop (erf)  }
0x446: {  	v9 =	vmul.f32 $6.931471820e-01, v9;
	v25 =	vadd.f32 $1.000000000e+00, v26;
	v7 =	vpop (erf);
	(erf) = vrcp.f32 v17  }
0x447: {  	v23 =	vadd.f32 $1.000000000e+00, v23;
	v16 =	vsub.f32 v1, v2;
	v2 =	vpop (erf);
	(erf) = vrcp.f32 v24  }
0x448: {  	v3 =	vadd.f32 $1.000000000e+00, v3;
	v4 =	vadd.f32 $1.000000000e+00, v4;
	v24 =	vpop (erf);
	(erf) = vrcp.f32 v25  }
0x449: {  	v7 =	vadd.f32 $1.000000000e+00, v7;
	v17 =	vadd.f32 $1.000000000e+00, v2;
	v2 =	vmul.f32 v27, v6;
	v6 =	vpop (erf)  }
0x44a: {  	(erf) = vrcp.f32 v23;
	v25 =	vadd.f32 $1.000000000e+00, v6;
	v6 =	vmul.f32 $6.931471820e-01, v11  }
0x44b: {  	(erf) = vrcp.f32 v3;
	v11 =	vpop (erf);
	v3 =	vadd.f32 v19, v9;
	v9 =	vmul.f32 $6.931471820e-01, v12  }
0x44c: {  	v12 =	vmul.f32 $6.931471820e-01, v13;
	(erf) = vrcp.f32 v4;
	v13 =	vpop (erf)  }
0x44d: {  	v14 =	vcvt.s32.f32 v14;
	v24 =	vadd.f32 $1.000000000e+00, v24;
	(erf) = vrcp.f32 v7;
	v7 =	vpop (erf)  }
0x44e: {  	v11 =	vadd.f32 $1.000000000e+00, v11;
	v4 =	vadd.f32 v5, v6;
	v5 =	vmul.f32 $6.931471820e-01, v15;
	v15 =	vpop (erf)  }
0x44f: {  	v6 =	vadd.f32 v20, v9;
	(erf) = vrcp.f32 v17;
	v13 =	vsub.f32 v13, v7;
	v17 =	vpop (erf)  }
0x450: {  	v14 =	vmul.f32 $6.931471820e-01, v14;
	v7 =	vadd.f32 v21, v12;
	v12 =	vsub.f32 v15, v17;
	v15 =	vpop (erf)  }
0x451: {  	v9 =	vmul.f32 $6.931471820e-01, v18;
	(erf) = vrcp.f32 v24;
	v5 =	vadd.f32 v8, v5;
	v17 =	vpop (erf)  }
0x452: {  	(erf) = vrcp.f32 v25;
	v8 =	vand.u32 $0x7FFFFF, v13;
	v15 =	vsub.f32 v15, v17  }
0x453: {  	(erf) = vrcp.f32 v11;
	v11 =	vshrl.u32 v13, $0x17;
	v13 =	vor.u32 $0x3F800000, v8  }
0x454: {  	v8 =	vadd.f32 v22, v14;
	v14 =	vmul.f32 $5.000000000e-01, v13;
	v17 =	vpop (erf);
	v21 =	vand.u32 $0x7FFFFF, v15  }
0x455: {  	vm9 =	vge.f32 v13, $1.414213540e+00;
	v18 =	vand.u32 $0x7FFFFF, v12;
	v12 =	vshrl.u32 v12, $0x17;
	v19 =	vpop (erf)  }
0x456: {  	v18 =	vor.u32 $0x3F800000, v18;
	v13 =	vsel vm9, v14, v13;
	v17 =	vsub.f32 v17, v19;
	v19 =	vpop (erf)  }
0x457: {  	v20 =	vmul.f32 $5.000000000e-01, v18;
	vm10 =	vge.f32 v18, $1.414213540e+00;
	v14 =	vor.u32 $0x3F800000, v21;
	v21 =	vpop (erf)  }
0x458: {  	v28 =	vadd.f32 $1.000000000e+00, v13;
	v23 =	vand.u32 $0x7FFFFF, v17;
	v19 =	vsub.f32 v19, v21  }
0x459: {  	v13 =	vadd.f32 $-1.000000000e+00, v13;
	v15 =	vshrl.u32 v15, $0x17;
	v22 =	vmul.f32 $5.000000000e-01, v14  }
0x45a: {  	v18 =	vsel vm10, v20, v18;
	v20 =	vor.u32 $0x3F800000, v23;
	v21 =	vpop (erf);
	v25 =	vand.u32 $0x7FFFFF, v19  }
0x45b: {  	vm11 =	vge.f32 v14, $1.414213540e+00;
	v60 =	vshrl.u32 v17, $0x17;
	v24 =	vmul.f32 $5.000000000e-01, v20;
	v23 =	vpop (erf)  }
0x45c: {  	v14 =	vsel vm11, v22, v14;
	vm12 =	vge.f32 v20, $1.414213540e+00;
	v21 =	vsub.f32 v21, v23;
	v23 =	vpop (erf)  }
0x45d: {  	v29 =	vadd.f32 $1.000000000e+00, v14;
	v20 =	vsel vm12, v24, v20;
	v22 =	vor.u32 $0x3F800000, v25;
	v25 =	vpop (erf)  }
0x45e: {  	(erf) = vrcp.f32 v28;
	v27 =	vand.u32 $0x7FFFFF, v21;
	v23 =	vsub.f32 v23, v25  }
0x45f: {  	v19 =	vshrl.u32 v19, $0x17;
	v26 =	vmul.f32 $5.000000000e-01, v22;
	v24 =	vor.u32 $0x3F800000, v27  }
0x460: {  	vm13 =	vge.f32 v22, $1.414213540e+00;
	v25 =	vmul.f32 $5.000000000e-01, v24;
	v27 =	vand.u32 $0x7FFFFF, v23  }
0x461: {  	v22 =	vsel vm13, v26, v22;
	v26 =	vor.u32 $0x3F800000, v27;
	v27 =	vadd.f32 $1.000000000e+00, v18  }
0x462: {  	v28 =	vadd.f32 $1.000000000e+00, v20;
	v20 =	vadd.f32 $-1.000000000e+00, v20;
	vm14 =	vge.f32 v24, $1.414213540e+00  }
0x463: {  	v24 =	vsel vm14, v25, v24;
	v25 =	vmul.f32 $5.000000000e-01, v26;
	(erf) = vrcp.f32 v27  }
0x464: {  	v30 =	vadd.f32 $1.000000000e+00, v22;
	vm15 =	vge.f32 v26, $1.414213540e+00;
	(erf) = vrcp.f32 v29  }
0x465: {  	v25 =	vsel vm15, v25, v26;
	v26 =	vadd.f32 $1.000000000e+00, v24;
	(erf) = vrcp.f32 v28  }
0x466: {  	v62 =	vshrl.u32 v21, $0x17;
	v31 =	vadd.f32 $1.000000000e+00, v25;
	(erf) = vrcp.f32 v30  }
0x467: {  	v58 =	vadd.f32 $-1.000000000e+00, v22;
	v22 =	vsel vm10, $0x1, v0;
	(erf) = vrcp.f32 v26  }
0x468: {  	v18 =	vadd.f32 $-1.000000000e+00, v18;
	v59 =	vadd.f32 $-1.000000000e+00, v24;
	(erf) = vrcp.f32 v31  }
0x469: {  	v61 =	vsel vm15, $0x1, v0;
	v17 =	vpop (erf);
	v27 =	vadd.s32 v22, v12;
	v12 =	vshrl.u32 v23, $0x17  }
0x46a: {  	v29 =	vadd.f32 $-1.000000000e+00, v14;
	v14 =	vsel vm9, $0x1, v0;
	v13 =	vmul.f32 v17, v13  }
0x46b: {  	v24 =	vadd.f32 $-1.000000000e+00, v25;
	v25 =	vsel vm11, $0x1, v0;
	v63 =	vadd.s32 v14, v11  }
0x46c: {  	v30 =	vsel vm13, $0x1, v0;
	v17 =	vmul.f32 v13, v13;
	v28 =	vadd.s32 v25, v15;
	v11 =	vpop (erf)  }
0x46d: {  	v26 =	vsel vm12, $0x1, v0;
	v25 =	vadd.s32 v30, v19;
	v14 =	vmul.f32 v11, v18;
	v11 =	vpop (erf)  }
0x46e: {  	v31 =	vsel vm14, $0x1, v0;
	v26 =	vadd.s32 v26, v60;
	v15 =	vmul.f32 v11, v29;
	v11 =	vpop (erf)  }
0x46f: {  	s17 =	simm.s32 $0x4780;
	s12 =	simm.s32 $0x3780;
	s26 =	simm.s32 $0x6840;
	v18 =	vadd.s32 v31, v62;
	v21 =	vmul.f32 v14, v14;
	v11 =	vmul.f32 v11, v20;
	v19 =	vpop (erf)  }
0x470: {  	s13 =	simm.s32 $0x6780;
	s25 =	simm.s32 $0x68C0;
	s24 =	simm.s32 $0x6F80;
	[tilespmem:s26+$0x30] =	vst v10;
	v22 =	vmul.f32 v15, v15;
	v10 =	vmul.f32 v19, v58;
	v19 =	vadd.s32 v61, v12;
	v12 =	vpop (erf)  }
0x471: {  	s28 =	simm.s32 $0x80;
	s19 =	simm.s32 $0x3140;
	s5 =	simm.s32 $0x5780;
	[tilespmem:s25+$0x30] =	vst v16;
	v20 =	vadd.s32 $0xFFFFFF81, v63;
	v23 =	vmul.f32 v11, v11;
	v12 =	vmul.f32 v12, v59;
	v16 =	vpop (erf)  }
.LBB2_26:
0x472: {  	v29 =	vld [tilespmem:s19+$0x30];
	v27 =	vadd.s32 $0xFFFFFF81, v27;
	v30 =	vmul.f32 v10, v10;
	v16 =	vmul.f32 v16, v24;
	s3 =	sadd.s32 $0x80, s3  }
0x473: {  	v31 =	vmul.f32 $1.428571490e-01, v17;
	v32 =	vadd.s32 $0xFFFFFF81, v28;
	s4 =	sadd.s32 $0x80, s4;
	v24 =	vld [tilespmem:s3+$0x30];
	v28 =	vmul.f32 v12, v12  }
0x474: {  	s28 =	sadd.s32 $0x80, s28;
	v34 =	vmul.f32 $1.428571490e-01, v21;
	v35 =	vadd.s32 $0xFFFFFF81, v26;
	s11 =	sadd.s32 $0x80, s11;
	v33 =	vld [tilespmem:s4+$0x30];
	v26 =	vmul.f32 v16, v16  }
0x475: {  	v37 =	vmul.f32 $1.428571490e-01, v22;
	v25 =	vadd.s32 $0xFFFFFF81, v25;
	p1 =	slt.u32 s28, $0x700;
	v38 =	vmul.f32 $1.428571490e-01, v23;
	v36 =	vld [tilespmem:s11+$0x30]  }
0x476: {  	v31 =	vadd.f32 $2.000000030e-01, v31;
	v40 =	vmul.f32 $1.428571490e-01, v30;
	v41 =	vmul.f32 $1.428571490e-01, v28;
	v39 =	vld [tilespmem:s4+$0xFFFFFFC0]  }
0x477: {  	v34 =	vadd.f32 $2.000000030e-01, v34;
	v37 =	vadd.f32 $2.000000030e-01, v37;
	v43 =	vmul.f32 $1.428571490e-01, v26;
	v42 =	vld [tilespmem:s3+$0xFFFFFFC0]  }
0x478: {  	v38 =	vadd.f32 $2.000000030e-01, v38;
	v31 =	vmul.f32 v31, v17;
	v44 =	vld [tilespmem:s19+$0xFFFFFFD0];
	v29 =	vsub.f32 v24, v29  }
0x479: {  	v45 =	vld [tilespmem:s4+$0xFFFFFFD0];
	v24 =	vsub.f32 v24, v33;
	v33 =	vmul.f32 v34, v21;
	v34 =	vadd.f32 $2.000000030e-01, v40  }
0x47a: {  	v41 =	vadd.f32 $2.000000030e-01, v41;
	v43 =	vadd.f32 $2.000000030e-01, v43;
	v40 =	vld [tilespmem:s3+$0xFFFFFFD0];
	v29 =	vmul.f32 v29, v36  }
0x47b: {  	v31 =	vadd.f32 $3.333333430e-01, v31;
	v46 =	vld [tilespmem:s19+$0xFFFFFFE0];
	v24 =	vmul.f32 v24, v36;
	v36 =	vmul.f32 v37, v22  }
0x47c: {  	v38 =	vmul.f32 v38, v23;
	v37 =	vsub.f32 v42, v39;
	v39 =	vld [tilespmem:s4+$0xFFFFFFE0];
	v29 =	vmax.f32 v29, $-8.500000000e+01  }
0x47d: {  	v34 =	vmul.f32 v34, v30;
	v47 =	vld [tilespmem:s3+$0xFFFFFFE0];
	v29 =	vmin.f32 v29, $8.500000000e+01;
	v24 =	vmax.f32 v24, $-8.500000000e+01  }
0x47e: {  	v41 =	vmul.f32 v41, v28;
	v48 =	vld [tilespmem:s19+$0xFFFFFFF0];
	v24 =	vmin.f32 v24, $8.500000000e+01;
	v29 =	vsub.f32 $0.0e+00, v29  }
0x47f: {  	v43 =	vmul.f32 v43, v26;
	v44 =	vsub.f32 v40, v44;
	v49 =	vld [tilespmem:s4+$0xFFFFFFF0];
	v24 =	vsub.f32 $0.0e+00, v24  }
0x480: {  	v33 =	vadd.f32 $3.333333430e-01, v33;
	v40 =	vsub.f32 v40, v45;
	v45 =	vld [tilespmem:s3+$0xFFFFFFF0];
	v29 =	vmul.f32 $1.442695020e+00, v29  }
0x481: {  	v38 =	vadd.f32 $3.333333430e-01, v38;
	v36 =	vadd.f32 $3.333333430e-01, v36;
	v50 =	vld [tilespmem:s19+$0x0];
	v24 =	vmul.f32 $1.442695020e+00, v24  }
0x482: {  	v46 =	vsub.f32 v47, v46;
	v39 =	vsub.f32 v47, v39;
	v47 =	vld [tilespmem:s4+$0x0];
	(erf) = vpow2.f32 v29  }
0x483: {  	v29 =	vadd.f32 $3.333333430e-01, v41;
	v51 =	vld [tilespmem:s3+$0x0];
	(erf) = vpow2.f32 v24;
	v24 =	vadd.f32 $3.333333430e-01, v34  }
0x484: {  	v31 =	vmul.f32 v31, v17;
	v17 =	vadd.f32 $3.333333430e-01, v43;
	v21 =	vmul.f32 v33, v21;
	v34 =	vld [tilespmem:s19+$0x10]  }
0x485: {  	v22 =	vmul.f32 v36, v22;
	v33 =	vsub.f32 v45, v48;
	v41 =	vsub.f32 v45, v49;
	v43 =	vld [tilespmem:s4+$0x10]  }
0x486: {  	v23 =	vmul.f32 v38, v23;
	v38 =	vmul.f32 v24, v30;
	v45 =	vadd.s32 $0xFFFFFF81, v18;
	v36 =	vld [tilespmem:s3+$0x10]  }
0x487: {  	v52 =	vmul.f32 v17, v26;
	v49 =	vmul.f32 v29, v28;
	v29 =	vadd.s32 $0xFFFFFF81, v19;
	v48 =	vld [tilespmem:s19+$0x20]  }
0x488: {  	v17 =	vcvt.s32.f32 v20;
	v50 =	vsub.f32 v51, v50;
	v47 =	vsub.f32 v51, v47;
	v51 =	vld [tilespmem:s4+$0x20]  }
0x489: {  	v30 =	vadd.f32 $1.000000000e+00, v31;
	v28 =	vadd.f32 $1.000000000e+00, v21;
	v19 =	vcvt.s32.f32 v27;
	v53 =	vld [tilespmem:s3+$0x20]  }
0x48a: {  	v26 =	vadd.f32 $1.000000000e+00, v22;
	v18 =	vcvt.s32.f32 v32;
	v24 =	vadd.f32 $1.000000000e+00, v23;
	v31 =	vld [tilespmem:s19+$0xFFFFFFC0]  }
0x48b: {  	v20 =	vcvt.s32.f32 v35;
	v32 =	vld [tilespmem:s11+$0xFFFFFFC0];
	v34 =	vsub.f32 v36, v34;
	v36 =	vsub.f32 v36, v43;
	v21 =	vpop (erf)  }
0x48c: {  	v27 =	vadd.f32 $1.000000000e+00, v38;
	v35 =	vld [tilespmem:s11+$0xFFFFFFD0];
	v23 =	vadd.f32 $1.000000000e+00, v21;
	v22 =	vpop (erf);
	v21 =	vcvt.s32.f32 v25  }
0x48d: {  	v25 =	vadd.f32 $1.000000000e+00, v49;
	v38 =	vld [tilespmem:s11+$0xFFFFFFE0];
	v43 =	vadd.f32 $1.000000000e+00, v22;
	v22 =	vcvt.s32.f32 v45  }
0x48e: {  	v45 =	vld [tilespmem:s11+$0xFFFFFFF0];
	v48 =	vsub.f32 v53, v48;
	v49 =	vsub.f32 v53, v51;
	(erf) = vrcp.f32 v23  }
0x48f: {  	v23 =	vadd.f32 $1.000000000e+00, v52;
	v31 =	vsub.f32 v42, v31;
	v42 =	vld [tilespmem:s11+$0x0];
	(erf) = vrcp.f32 v43  }
0x490: {  	v14 =	vadd.f32 v14, v14;
	v51 =	vadd.f32 v13, v13;
	v37 =	vmul.f32 v37, v32;
	v43 =	vld [tilespmem:s11+$0x10]  }
0x491: {  	v13 =	vadd.f32 v15, v15;
	v31 =	vmul.f32 v31, v32;
	v32 =	vmul.f32 v44, v35;
	v44 =	vld [tilespmem:s11+$0x20]  }
0x492: {  	v35 =	vmul.f32 v40, v35;
	v15 =	vmax.f32 v37, $-8.500000000e+01;
	v37 =	vmul.f32 v46, v38  }
0x493: {  	v38 =	vmul.f32 v39, v38;
	v31 =	vmax.f32 v31, $-8.500000000e+01;
	v33 =	vmul.f32 v33, v45  }
0x494: {  	v32 =	vmax.f32 v32, $-8.500000000e+01;
	v39 =	vmul.f32 v41, v45;
	v40 =	vmul.f32 v50, v42  }
0x495: {  	v35 =	vmax.f32 v35, $-8.500000000e+01;
	v41 =	vmul.f32 v47, v42;
	v34 =	vmul.f32 v34, v43  }
0x496: {  	v37 =	vmax.f32 v37, $-8.500000000e+01;
	v36 =	vmul.f32 v36, v43;
	v42 =	vmul.f32 v48, v44  }
0x497: {  	v38 =	vmax.f32 v38, $-8.500000000e+01;
	v33 =	vmax.f32 v33, $-8.500000000e+01;
	v43 =	vmul.f32 v49, v44;
	v44 =	vpop (erf)  }
0x498: {  	v39 =	vmax.f32 v39, $-8.500000000e+01;
	v40 =	vmax.f32 v40, $-8.500000000e+01;
	v41 =	vmax.f32 v41, $-8.500000000e+01;
	v45 =	vpop (erf)  }
0x499: {  	v34 =	vmax.f32 v34, $-8.500000000e+01;
	v36 =	vmax.f32 v36, $-8.500000000e+01;
	v44 =	vsub.f32 v44, v45  }
0x49a: {  	v31 =	vmin.f32 v31, $8.500000000e+01;
	v42 =	vmax.f32 v42, $-8.500000000e+01;
	v43 =	vmax.f32 v43, $-8.500000000e+01  }
0x49b: {  	v15 =	vmin.f32 v15, $8.500000000e+01;
	v32 =	vmin.f32 v32, $8.500000000e+01;
	v45 =	vand.u32 $0x7FFFFF, v44  }
0x49c: {  	v35 =	vmin.f32 v35, $8.500000000e+01;
	v37 =	vmin.f32 v37, $8.500000000e+01;
	v45 =	vor.u32 $0x3F800000, v45  }
0x49d: {  	v38 =	vmin.f32 v38, $8.500000000e+01;
	v33 =	vmin.f32 v33, $8.500000000e+01;
	v46 =	vmul.f32 $5.000000000e-01, v45  }
0x49e: {  	v39 =	vmin.f32 v39, $8.500000000e+01;
	v40 =	vmin.f32 v40, $8.500000000e+01;
	vm0 =	vge.f32 v45, $1.414213540e+00  }
0x49f: {  	v41 =	vmin.f32 v41, $8.500000000e+01;
	v34 =	vmin.f32 v34, $8.500000000e+01;
	v45 =	vsel vm0, v46, v45  }
0x4a0: {  	v36 =	vmin.f32 v36, $8.500000000e+01;
	v42 =	vmin.f32 v42, $8.500000000e+01;
	v46 =	vadd.f32 $1.000000000e+00, v45  }
0x4a1: {  	v15 =	vsub.f32 $0.0e+00, v15;
	v31 =	vsub.f32 $0.0e+00, v31;
	v43 =	vmin.f32 v43, $8.500000000e+01  }
0x4a2: {  	v32 =	vsub.f32 $0.0e+00, v32;
	v35 =	vsub.f32 $0.0e+00, v35;
	(erf) = vrcp.f32 v46  }
0x4a3: {  	v37 =	vsub.f32 $0.0e+00, v37;
	v38 =	vsub.f32 $0.0e+00, v38;
	v31 =	vmul.f32 $1.442695020e+00, v31  }
0x4a4: {  	v15 =	vmul.f32 $1.442695020e+00, v15;
	v33 =	vsub.f32 $0.0e+00, v33;
	v39 =	vsub.f32 $0.0e+00, v39  }
0x4a5: {  	v32 =	vmul.f32 $1.442695020e+00, v32;
	v40 =	vsub.f32 $0.0e+00, v40;
	v41 =	vsub.f32 $0.0e+00, v41  }
0x4a6: {  	v35 =	vmul.f32 $1.442695020e+00, v35;
	v34 =	vsub.f32 $0.0e+00, v34;
	v36 =	vsub.f32 $0.0e+00, v36  }
0x4a7: {  	v37 =	vmul.f32 $1.442695020e+00, v37;
	v42 =	vsub.f32 $0.0e+00, v42;
	v43 =	vsub.f32 $0.0e+00, v43  }
0x4a8: {  	v11 =	vadd.f32 v11, v11;
	v38 =	vmul.f32 $1.442695020e+00, v38;
	v33 =	vmul.f32 $1.442695020e+00, v33  }
0x4a9: {  	v39 =	vmul.f32 $1.442695020e+00, v39;
	v40 =	vmul.f32 $1.442695020e+00, v40;
	v46 =	vadd.f32 v10, v10  }
0x4aa: {  	v41 =	vmul.f32 $1.442695020e+00, v41;
	v34 =	vmul.f32 $1.442695020e+00, v34;
	v10 =	vadd.f32 $-1.000000000e+00, v45  }
0x4ab: {  	v12 =	vadd.f32 v12, v12;
	v36 =	vmul.f32 $1.442695020e+00, v36;
	v42 =	vmul.f32 $1.442695020e+00, v42;
	v45 =	vpop (erf)  }
0x4ac: {  	v16 =	vadd.f32 v16, v16;
	v43 =	vmul.f32 $1.442695020e+00, v43;
	v45 =	vmul.f32 v45, v10  }
0x4ad: {  	v2 =	vadd.f32 v2, v9;
	v10 =	vcvt.s32.f32 v29;
	(erf) = vpow2.f32 v31  }
0x4ae: {  	v3 =	vsub.f32 v1, v3;
	v9 =	vmul.f32 v45, v45;
	(erf) = vpow2.f32 v15  }
0x4af: {  	v4 =	vsub.f32 v1, v4;
	v15 =	vmul.f32 v30, v51;
	(erf) = vpow2.f32 v32  }
0x4b0: {  	v29 =	vmul.f32 $1.428571490e-01, v9;
	(erf) = vpow2.f32 v35;
	[tilespmem:s26+$0xFFFFFFC0] =	vst v3;
	v3 =	vsub.f32 v1, v6  }
0x4b1: {  	v6 =	vmul.f32 v28, v14;
	(erf) = vpow2.f32 v37;
	[tilespmem:s26+$0xFFFFFFD0] =	vst v4;
	v4 =	vsub.f32 v1, v7  }
0x4b2: {  	v13 =	vmul.f32 v26, v13;
	v7 =	vadd.f32 $2.000000030e-01, v29;
	(erf) = vpow2.f32 v38;
	[tilespmem:s26+$0xFFFFFFE0] =	vst v3  }
0x4b3: {  	v11 =	vmul.f32 v24, v11;
	v3 =	vsub.f32 v1, v5;
	(erf) = vpow2.f32 v33;
	[tilespmem:s26+$0xFFFFFFF0] =	vst v4  }
0x4b4: {  	v5 =	vsub.f32 v1, v8;
	v7 =	vmul.f32 v7, v9;
	(erf) = vpow2.f32 v39  }
0x4b5: {  	v2 =	vsub.f32 v1, v2;
	v8 =	vmul.f32 v27, v46;
	(erf) = vpow2.f32 v40;
	[tilespmem:s26+$0x0] =	vst v3  }
0x4b6: {  	v12 =	vmul.f32 v25, v12;
	v3 =	vadd.f32 $3.333333430e-01, v7;
	v4 =	vpop (erf);
	(erf) = vpow2.f32 v41;
	[tilespmem:s26+$0x10] =	vst v5  }
0x4b7: {  	v24 =	vshrl.u32 v44, $0x17;
	v25 =	vsel vm0, $0x1, v0;
	v14 =	vpop (erf);
	(erf) = vpow2.f32 v34;
	[tilespmem:s26+$0x20] =	vst v2;
	s26 =	smov.u32 s25  }
0x4b8: {  	v2 =	vadd.s32 v25, v24;
	v3 =	vmul.f32 v3, v9;
	v5 =	vpop (erf);
	(erf) = vpow2.f32 v36  }
0x4b9: {  	v4 =	vadd.f32 $1.000000000e+00, v4;
	v2 =	vadd.s32 $0xFFFFFF81, v2;
	v7 =	vpop (erf);
	(erf) = vpow2.f32 v42  }
0x4ba: {  	v26 =	vadd.f32 v45, v45;
	v2 =	vcvt.s32.f32 v2;
	v3 =	vadd.f32 $1.000000000e+00, v3;
	v24 =	vpop (erf)  }
0x4bb: {  	v14 =	vadd.f32 $1.000000000e+00, v14;
	v5 =	vadd.f32 $1.000000000e+00, v5;
	v25 =	vpop (erf);
	(erf) = vpow2.f32 v43  }
0x4bc: {  	v7 =	vadd.f32 $1.000000000e+00, v7;
	v2 =	vmul.f32 $6.931471820e-01, v2;
	v26 =	vmul.f32 v3, v26;
	v9 =	vpop (erf)  }
0x4bd: {  	v24 =	vadd.f32 $1.000000000e+00, v24;
	v25 =	vadd.f32 $1.000000000e+00, v25;
	(erf) = vrcp.f32 v4;
	v4 =	vpop (erf)  }
0x4be: {  	v9 =	vadd.f32 $1.000000000e+00, v9;
	v26 =	vadd.f32 v26, v2;
	(erf) = vrcp.f32 v14;
	v3 =	vpop (erf)  }
0x4bf: {  	v4 =	vadd.f32 $1.000000000e+00, v4;
	v14 =	vadd.f32 $1.000000000e+00, v3;
	(erf) = vrcp.f32 v5;
	v3 =	vpop (erf)  }
0x4c0: {  	v5 =	vadd.f32 $1.000000000e+00, v3;
	v26 =	vsub.f32 v1, v26;
	(erf) = vrcp.f32 v7;
	v2 =	vpop (erf)  }
0x4c1: {  	s25 =	sadd.s32 $0x80, s25;
	v7 =	vadd.f32 $1.000000000e+00, v2;
	(erf) = vrcp.f32 v24;
	v24 =	vpop (erf);
	v2 =	vmul.f32 v23, v16  }
0x4c2: {  	s20 =	simm.s32 $0x770;
	v17 =	vmul.f32 $6.931471820e-01, v17;
	v16 =	vadd.f32 $1.000000000e+00, v24;
	[tilespmem:s25+$0x30] =	vst v26;
	(erf) = vrcp.f32 v25;
	v3 =	vpop (erf)  }
0x4c3: {  	v23 =	vadd.f32 $1.000000000e+00, v3;
	(erf) = vrcp.f32 v9;
	v9 =	vmul.f32 $6.931471820e-01, v19  }
0x4c4: {  	v3 =	vadd.f32 v15, v17;
	v15 =	vmul.f32 $6.931471820e-01, v18;
	(erf) = vrcp.f32 v4;
	v4 =	vpop (erf)  }
0x4c5: {  	v17 =	vadd.f32 $1.000000000e+00, v4;
	(erf) = vrcp.f32 v14;
	v14 =	vmul.f32 $6.931471820e-01, v20  }
0x4c6: {  	v4 =	vadd.f32 v6, v9;
	v18 =	vpop (erf);
	(erf) = vrcp.f32 v5;
	v5 =	vmul.f32 $6.931471820e-01, v21  }
0x4c7: {  	v6 =	vadd.f32 v13, v15;
	v13 =	vmul.f32 $6.931471820e-01, v22;
	v9 =	vpop (erf);
	(erf) = vrcp.f32 v7  }
0x4c8: {  	v15 =	vsub.f32 v18, v9;
	v18 =	vpop (erf);
	(erf) = vrcp.f32 v16;
	v9 =	vmul.f32 $6.931471820e-01, v10  }
0x4c9: {  	v7 =	vadd.f32 v11, v14;
	v5 =	vadd.f32 v8, v5;
	v10 =	vpop (erf);
	(erf) = vrcp.f32 v23  }
0x4ca: {  	v8 =	vand.u32 $0x7FFFFF, v15;
	v10 =	vsub.f32 v18, v10;
	v11 =	vpop (erf);
	(erf) = vrcp.f32 v17  }
0x4cb: {  	v14 =	vshrl.u32 v15, $0x17;
	v15 =	vor.u32 $0x3F800000, v8;
	v16 =	vpop (erf);
	v8 =	vadd.f32 v12, v13  }
0x4cc: {  	v12 =	vmul.f32 $5.000000000e-01, v15;
	v13 =	vand.u32 $0x7FFFFF, v10;
	v11 =	vsub.f32 v11, v16;
	v16 =	vpop (erf)  }
0x4cd: {  	vm0 =	vge.f32 v15, $1.414213540e+00;
	v10 =	vshrl.u32 v10, $0x17;
	v13 =	vor.u32 $0x3F800000, v13;
	v17 =	vpop (erf)  }
0x4ce: {  	v18 =	vmul.f32 $5.000000000e-01, v13;
	v20 =	vand.u32 $0x7FFFFF, v11;
	v16 =	vsub.f32 v16, v17;
	v17 =	vpop (erf)  }
0x4cf: {  	v12 =	vsel vm0, v12, v15;
	vm1 =	vge.f32 v13, $1.414213540e+00;
	v15 =	vor.u32 $0x3F800000, v20;
	v19 =	vpop (erf)  }
0x4d0: {  	v20 =	vmul.f32 $5.000000000e-01, v15;
	v22 =	vand.u32 $0x7FFFFF, v16;
	v17 =	vsub.f32 v17, v19;
	v19 =	vpop (erf)  }
0x4d1: {  	v13 =	vsel vm1, v18, v13;
	vm2 =	vge.f32 v15, $1.414213540e+00;
	v18 =	vor.u32 $0x3F800000, v22;
	v21 =	vpop (erf)  }
0x4d2: {  	v22 =	vmul.f32 $5.000000000e-01, v18;
	v24 =	vand.u32 $0x7FFFFF, v17;
	v19 =	vsub.f32 v19, v21;
	v21 =	vpop (erf)  }
0x4d3: {  	v15 =	vsel vm2, v20, v15;
	vm3 =	vge.f32 v18, $1.414213540e+00;
	v20 =	vor.u32 $0x3F800000, v24;
	v23 =	vpop (erf)  }
0x4d4: {  	v24 =	vmul.f32 $5.000000000e-01, v20;
	v25 =	vand.u32 $0x7FFFFF, v19;
	v21 =	vsub.f32 v21, v23  }
0x4d5: {  	v18 =	vsel vm3, v22, v18;
	vm4 =	vge.f32 v20, $1.414213540e+00;
	v22 =	vor.u32 $0x3F800000, v25  }
0x4d6: {  	vm5 =	vge.f32 v22, $1.414213540e+00;
	v23 =	vmul.f32 $5.000000000e-01, v22;
	v25 =	vand.u32 $0x7FFFFF, v21  }
0x4d7: {  	v26 =	vadd.f32 $1.000000000e+00, v12;
	v20 =	vsel vm4, v24, v20;
	v24 =	vor.u32 $0x3F800000, v25  }
0x4d8: {  	v22 =	vsel vm5, v23, v22;
	vm6 =	vge.f32 v24, $1.414213540e+00;
	v23 =	vmul.f32 $5.000000000e-01, v24  }
0x4d9: {  	v27 =	vadd.f32 $1.000000000e+00, v15;
	v25 =	vadd.f32 $1.000000000e+00, v13;
	(erf) = vrcp.f32 v26  }
0x4da: {  	v28 =	vadd.f32 $1.000000000e+00, v20;
	v26 =	vadd.f32 $1.000000000e+00, v18;
	v23 =	vsel vm6, v23, v24  }
0x4db: {  	v29 =	vadd.f32 $1.000000000e+00, v22;
	v30 =	vadd.f32 $1.000000000e+00, v23;
	(erf) = vrcp.f32 v25  }
0x4dc: {  	v12 =	vadd.f32 $-1.000000000e+00, v12;
	v25 =	vadd.f32 $-1.000000000e+00, v13;
	(erf) = vrcp.f32 v27  }
0x4dd: {  	v15 =	vadd.f32 $-1.000000000e+00, v15;
	v18 =	vadd.f32 $-1.000000000e+00, v18;
	(erf) = vrcp.f32 v26  }
0x4de: {  	v20 =	vadd.f32 $-1.000000000e+00, v20;
	v31 =	vadd.f32 $-1.000000000e+00, v22;
	(erf) = vrcp.f32 v28  }
0x4df: {  	v22 =	vsel vm0, $0x1, v0;
	v24 =	vadd.f32 $-1.000000000e+00, v23;
	(erf) = vrcp.f32 v29  }
0x4e0: {  	v23 =	vsel vm1, $0x1, v0;
	v26 =	vsel vm2, $0x1, v0;
	(erf) = vrcp.f32 v30  }
0x4e1: {  	v32 =	vsel vm5, $0x1, v0;
	v29 =	vsel vm3, $0x1, v0;
	v30 =	vsel vm4, $0x1, v0  }
0x4e2: {  	v11 =	vshrl.u32 v11, $0x17;
	v16 =	vshrl.u32 v16, $0x17;
	v33 =	vsel vm6, $0x1, v0;
	v13 =	vpop (erf)  }
0x4e3: {  	v19 =	vshrl.u32 v19, $0x17;
	v13 =	vmul.f32 v13, v12;
	v12 =	vshrl.u32 v17, $0x17  }
0x4e4: {  	v34 =	vadd.s32 v22, v14;
	v27 =	vadd.s32 v23, v10;
	v23 =	vshrl.u32 v21, $0x17;
	v10 =	vpop (erf)  }
.Ltmp16:
0x4e5: {  	v28 =	vadd.s32 v26, v11;
	v17 =	vmul.f32 v13, v13;
	v14 =	vmul.f32 v10, v25;
	v10 =	vpop (erf);
	(pc) =	sbr.rel @p1 .LBB2_26-.Ltmp16, $4  }
0x4e6: {  	v26 =	vadd.s32 v29, v16;
	v25 =	vadd.s32 v30, v12;
	v15 =	vmul.f32 v10, v15;
	v10 =	vpop (erf)  }
0x4e7: {  	v21 =	vmul.f32 v14, v14;
	v11 =	vmul.f32 v10, v18;
	v18 =	vadd.s32 v32, v19;
	v10 =	vpop (erf)  }
0x4e8: {  	v19 =	vadd.s32 v33, v23;
	v22 =	vmul.f32 v15, v15;
	v10 =	vmul.f32 v10, v20;
	v12 =	vpop (erf)  }
0x4e9: {  	s19 =	sadd.s32 $0x80, s19;
	v20 =	vadd.s32 $0xFFFFFF81, v34;
	v23 =	vmul.f32 v11, v11;
	v12 =	vmul.f32 v12, v31;
	v16 =	vpop (erf)  }
0x4ea: {  	v27 =	vadd.s32 $0xFFFFFF81, v27;
	v29 =	vmul.f32 v10, v10;
	v16 =	vmul.f32 v16, v24  }
0x4eb: {  	v41 =	vmul.f32 $1.428571490e-01, v17;
	v28 =	vadd.s32 $0xFFFFFF81, v28;
	v31 =	vmul.f32 $1.428571490e-01, v21  }
0x4ec: {  	v26 =	vadd.s32 $0xFFFFFF81, v26;
	v33 =	vmul.f32 $1.428571490e-01, v22;
	v25 =	vadd.s32 $0xFFFFFF81, v25  }
0x4ed: {  	v18 =	vadd.s32 $0xFFFFFF81, v18;
	v13 =	vadd.f32 v13, v13;
	v14 =	vadd.f32 v14, v14  }
0x4ee: {  	v19 =	vadd.s32 $0xFFFFFF81, v19;
	v15 =	vadd.f32 v15, v15;
	v11 =	vadd.f32 v11, v11  }
0x4ef: {  	v20 =	vcvt.s32.f32 v20;
	v47 =	vadd.f32 v10, v10;
	v2 =	vadd.f32 v2, v9  }
0x4f0: {  	v3 =	vsub.f32 v1, v3;
	v4 =	vsub.f32 v1, v4;
	v30 =	vmul.f32 v12, v12  }
0x4f1: {  	v6 =	vsub.f32 v1, v6;
	v34 =	vmul.f32 $1.428571490e-01, v23;
	v27 =	vcvt.s32.f32 v27  }
0x4f2: {  	v52 =	vsub.f32 v1, v5;
	v28 =	vcvt.s32.f32 v28;
	v26 =	vcvt.s32.f32 v26  }
0x4f3: {  	v53 =	vsub.f32 v1, v8;
	v25 =	vcvt.s32.f32 v25;
	v18 =	vcvt.s32.f32 v18  }
0x4f4: {  	v48 =	vadd.f32 v12, v12;
	v19 =	vcvt.s32.f32 v19;
	v32 =	vmul.f32 v16, v16  }
0x4f5: {  	v24 =	vadd.f32 $2.000000030e-01, v41;
	v35 =	vmul.f32 $1.428571490e-01, v29;
	v31 =	vadd.f32 $2.000000030e-01, v31  }
0x4f6: {  	v33 =	vadd.f32 $2.000000030e-01, v33;
	v54 =	vmul.f32 $6.931471820e-01, v20;
	v36 =	vmul.f32 $1.428571490e-01, v30  }
0x4f7: {  	v16 =	vadd.f32 v16, v16;
	v56 =	vmul.f32 $6.931471820e-01, v27;
	v57 =	vmul.f32 $6.931471820e-01, v28  }
0x4f8: {  	[tilespmem:s26+$0xFFFFFFC0] =	vst v3;
	v3 =	vsub.f32 v1, v7;
	v59 =	vmul.f32 $6.931471820e-01, v26;
	v60 =	vmul.f32 $6.931471820e-01, v25  }
0x4f9: {  	v2 =	vsub.f32 v1, v2;
	v62 =	vmul.f32 $6.931471820e-01, v19;
	v37 =	vmul.f32 $1.428571490e-01, v32  }
0x4fa: {  	v34 =	vadd.f32 $2.000000030e-01, v34;
	v24 =	vmul.f32 v24, v17;
	v31 =	vmul.f32 v31, v21  }
0x4fb: {  	v35 =	vadd.f32 $2.000000030e-01, v35;
	v33 =	vmul.f32 v33, v22;
	[tilespmem:s26+$0x20] =	vst v2;
	v2 =	vmul.f32 $6.931471820e-01, v18  }
0x4fc: {  	v36 =	vadd.f32 $2.000000030e-01, v36;
	v34 =	vmul.f32 v34, v23;
	v37 =	vadd.f32 $2.000000030e-01, v37  }
0x4fd: {  	v24 =	vadd.f32 $3.333333430e-01, v24;
	v35 =	vmul.f32 v35, v29;
	v31 =	vadd.f32 $3.333333430e-01, v31  }
0x4fe: {  	v33 =	vadd.f32 $3.333333430e-01, v33;
	v36 =	vmul.f32 v36, v30;
	v34 =	vadd.f32 $3.333333430e-01, v34  }
0x4ff: {  	v37 =	vmul.f32 v37, v32;
	v35 =	vadd.f32 $3.333333430e-01, v35;
	v42 =	vmul.f32 v24, v17  }
0x500: {  	v43 =	vmul.f32 v31, v21;
	v45 =	vmul.f32 v33, v22;
	v36 =	vadd.f32 $3.333333430e-01, v36  }
0x501: {  	v46 =	vmul.f32 v34, v23;
	v44 =	vadd.f32 $3.333333430e-01, v37;
	v17 =	vadd.f32 $1.000000000e+00, v42  }
0x502: {  	v29 =	vmul.f32 v35, v29;
	v21 =	vadd.f32 $1.000000000e+00, v43;
	v22 =	vadd.f32 $1.000000000e+00, v45  }
0x503: {  	v30 =	vmul.f32 v36, v30;
	v23 =	vadd.f32 $1.000000000e+00, v46;
	v49 =	vmul.f32 v17, v13  }
0x504: {  	[tilespmem:s26+$0xFFFFFFD0] =	vst v4;
	v24 =	vmul.f32 v44, v32;
	v29 =	vadd.f32 $1.000000000e+00, v29;
	v50 =	vmul.f32 v21, v14  }
0x505: {  	[tilespmem:s26+$0xFFFFFFE0] =	vst v6;
	v51 =	vmul.f32 v22, v15;
	v30 =	vadd.f32 $1.000000000e+00, v30;
	v8 =	vadd.f32 v49, v54  }
0x506: {  	[tilespmem:s26+$0x0] =	vst v52;
	v11 =	vmul.f32 v23, v11;
	v24 =	vadd.f32 $1.000000000e+00, v24;
	v10 =	vadd.f32 v50, v56  }
0x507: {  	[tilespmem:s26+$0x10] =	vst v53;
	v55 =	vmul.f32 v29, v47;
	v7 =	vadd.f32 v51, v57;
	v8 =	vsub.f32 v1, v8  }
0x508: {  	[tilespmem:s26+$0xFFFFFFF0] =	vst v3;
	v3 =	vmul.f32 v30, v48;
	v61 =	vadd.f32 v11, v59;
	v10 =	vsub.f32 v1, v10  }
0x509: {  	v58 =	vmul.f32 v24, v16;
	v5 =	vadd.f32 v55, v60;
	v63 =	vsub.f32 v1, v7;
	[tilespmem:s25+$0xFFFFFFC0] =	vst v8  }
0x50a: {  	v2 =	vadd.f32 v3, v2;
	v3 =	vsub.f32 v1, v61;
	[tilespmem:s25+$0xFFFFFFD0] =	vst v10  }
0x50b: {  	v4 =	vadd.f32 v58, v62;
	[tilespmem:s25+$0xFFFFFFE0] =	vst v63;
	v5 =	vsub.f32 v1, v5  }
0x50c: {  	[tilespmem:s25+$0xFFFFFFF0] =	vst v3;
	v2 =	vsub.f32 v1, v2  }
0x50d: {  	[tilespmem:s25+$0x0] =	vst v5;
	v3 =	vsub.f32 v1, v4  }
0x50e: {  	[tilespmem:s25+$0x10] =	vst v2  }
0x50f: {  	[tilespmem:s25+$0x20] =	vst v3  }
.LBB2_28:
0x510: {  	v2 =	vld [tilespmem:s12+$0x0]  }
0x511: {  	v3 =	vld [tilespmem:s13+$0x0];
	_ =	sdelay $0x1  }
0x512: {  	v4 =	vld [tilespmem:s5+$0x0];
	_ =	sdelay $0x2  }
0x513: {  	v2 =	vsub.f32 v3, v2;
	_ =	sdelay $0x1  }
0x514: {  	v2 =	vmul.f32 v2, v4;
	_ =	sdelay $0x1  }
0x515: {  	v2 =	vmax.f32 v2, $-8.500000000e+01  }
0x516: {  	v2 =	vmin.f32 v2, $8.500000000e+01  }
0x517: {  	v2 =	vsub.f32 $0.0e+00, v2;
	_ =	sdelay $0x1  }
0x518: {  	v5 =	vld [tilespmem:s17+$0x0];
	v2 =	vmul.f32 $1.442695020e+00, v2;
	_ =	sdelay $0x1  }
0x519: {  	(erf) = vpow2.f32 v2;
	_ =	sdelay $0x2  }
0x51a: {  	v2 =	vsub.f32 v3, v5;
	_ =	sdelay $0x1  }
0x51b: {  	v2 =	vmul.f32 v2, v4;
	_ =	sdelay $0x1  }
0x51c: {  	v2 =	vmax.f32 v2, $-8.500000000e+01  }
0x51d: {  	v2 =	vmin.f32 v2, $8.500000000e+01  }
0x51e: {  	v2 =	vsub.f32 $0.0e+00, v2;
	v3 =	vpop (erf)  }
0x51f: {  	v3 =	vadd.f32 $1.000000000e+00, v3  }
0x520: {  	v2 =	vmul.f32 $1.442695020e+00, v2  }
0x521: {  	(erf) = vrcp.f32 v3  }
0x522: {  	(erf) = vpow2.f32 v2;
	_ =	sdelay $0x7  }
0x523: {  	v2 =	vpop (erf)  }
0x524: {  	v3 =	vpop (erf)  }
0x525: {  	v3 =	vadd.f32 $1.000000000e+00, v3;
	_ =	sdelay $0x1  }
0x526: {  	(erf) = vrcp.f32 v3;
	_ =	sdelay $0x8  }
0x527: {  	v3 =	vpop (erf)  }
0x528: {  	v2 =	vsub.f32 v2, v3;
	_ =	sdelay $0x1  }
0x529: {  	v3 =	vand.u32 $0x7FFFFF, v2  }
0x52a: {  	v3 =	vor.u32 $0x3F800000, v3  }
0x52b: {  	v62 =	vmul.f32 $5.000000000e-01, v3  }
0x52c: {  	vm0 =	vge.f32 v3, $1.414213540e+00  }
0x52d: {  	v3 =	vsel vm0, v62, v3  }
0x52e: {  	v4 =	vadd.f32 $1.000000000e+00, v3;
	_ =	sdelay $0x1  }
0x52f: {  	(erf) = vrcp.f32 v4;
	_ =	sdelay $0x7  }
0x530: {  	v3 =	vadd.f32 $-1.000000000e+00, v3  }
0x531: {  	v4 =	vpop (erf)  }
0x532: {  	v3 =	vmul.f32 v4, v3;
	_ =	sdelay $0x1  }
0x533: {  	v4 =	vmul.f32 v3, v3;
	_ =	sdelay $0x1  }
0x534: {  	v63 =	vmul.f32 $1.428571490e-01, v4;
	_ =	sdelay $0x1  }
0x535: {  	v5 =	vadd.f32 $2.000000030e-01, v63;
	_ =	sdelay $0x1  }
0x536: {  	v5 =	vmul.f32 v5, v4;
	_ =	sdelay $0x1  }
0x537: {  	v5 =	vadd.f32 $3.333333430e-01, v5  }
0x538: {  	v2 =	vshrl.u32 v2, $0x17;
	v6 =	vsel vm0, $0x1, v0  }
0x539: {  	v2 =	vadd.s32 v6, v2;
	v4 =	vmul.f32 v5, v4  }
0x53a: {  	v2 =	vadd.s32 $0xFFFFFF81, v2  }
0x53b: {  	v2 =	vcvt.s32.f32 v2;
	v3 =	vadd.f32 v3, v3;
	v4 =	vadd.f32 $1.000000000e+00, v4;
	_ =	sdelay $0x1  }
0x53c: {  	s20 =	sadd.s32 $0x10, s20;
	v2 =	vmul.f32 $6.931471820e-01, v2;
	v3 =	vmul.f32 v4, v3  }
0x53d: {  	p1 =	slt.u32 s20, $0x7C0  }
.Ltmp17:
0x53e: {  	v2 =	vadd.f32 v3, v2;
	(pc) =	sbr.rel @p1 .LBB2_28-.Ltmp17, $4  }
0x53f: {  	_ = 	snop  }
0x540: {  	v2 =	vsub.f32 v1, v2  }
0x541: {  	s13 =	sadd.s32 $0x10, s13;
	s5 =	sadd.s32 $0x10, s5  }
0x542: {  	s17 =	sadd.s32 $0x10, s17;
	s12 =	sadd.s32 $0x10, s12;
	[tilespmem:s24+$0x0] =	vst v2;
	s24 =	sadd.s32 $0x10, s24  }
.Ltmp18:
0x543: {  	s2 =	sadd.s32 s6, s2;
	(pc) =	sbr.rel .LBB2_30-.Ltmp18, $4  }
0x544: {  	[hbm4b:s2+s8] =	stream.linear.scatter [tilespmem:s30], [sflag:$0x3], $0x7D0, $0x38;
	[tilespmem:$0x17280] =	vst v63  }
0x545: {  	_ =	swait.ge [sflag:s15], $0x7D0  }
0x546: {  	[sflag:s15] =	ssyncset.done $0x0  }
0x547: {  	[sflag:s15] =	ssyncadd.s32 $0xFFFFF830  }
.LBB2_32:
0x548: {  	_ =	sfence.sel $0x180000  }
0x549: {  	[bflag:$0x0] =	sbarrier.arrive $0xFFFF  }
0x54a: {  	_ =	strace $0x90000047  }
0x54b: {  	[bflag:$0x2] =	sbarrier.arrive $0xFFFF  }
0x54c: {  	s0 =	rddreg [dreg:$0x7]  }
0x54d: {  	s0 =	sadd.s32 @!p0 $0x100000, s0  }
0x54e: {  	[sflag:s0] =	ssyncadd.tile.s32 @!p0 $0x1;
	_ =	shalt  }
.Lfunc_end2:
_tile_overlayer_lowered:
.L_overlay_start_2:
0x54f: {  	(tag) =	ssettag $0x2  }
0x550: {  	s0 =	rddreg [dreg:$0x0];
	s2 =	stileid.u32  }
0x551: {  	s1 =	rddreg [dreg:$0x1];
	p0 =	sne.s32 s2, $0x0  }
0x552: {  	s3 =	rddreg [dreg:$0x2];
	[bflag:$0x3] =	sbarrier.arrive $0xFFFF;
	s2 =	simm.s32 @!p0 $0x1C03  }
0x553: {  	[timem:s3], [sflag:s2] =	dma.local @!p0 [hbm:s0], s1  }
0x554: {  	s0 =	simm.s32 @!p0 $0x3  }
0x555: {  	_ =	swait.ge @!p0 [sflag:s0], s1  }
0x556: {  	s1 =	ssub.s32 @!p0 $0x0, s1;
	[sflag:s0] =	ssyncset.done @!p0 $0x0  }
0x557: {  	[sflag:s0] =	ssyncadd.s32 @!p0 s1  }
0x558: {  	[bflag:$0x3] =	sbarrier.arrive $0xFFFF  }
0x559: {  	_ =	shalt  }

</sc_bundles>
